<compile_context>
chip_gen: v7x
topology: tpu7x:2x2x1
jax: 0.10.2.dev20260603
libtpu: 0.0.44.dev20260713+nightly
codegen_flags: <defaults>
</compile_context>

<pallas_src>
import functools

import jax
import jax.numpy as jnp
from jax import lax
from jax.experimental import pallas as pl
from jax.experimental.pallas import tpu as pltpu
from jax.experimental.pallas import tpu_sc as plsc

_N = 10000
_E = 320000
_D = 128
_A = 33

_NC = 2
_NS = 16
_E_PAD = 327680
_NCH = _E_PAD // 128
_HALF = 5120
_ACC_R = 5248
_T = 1024

_T_SC0 = 240
_T_SC1 = 80
_IDX_PAD = _NS * (_T_SC0 + _T_SC1) + _T_SC0


def _sc_gather(xn, idx_all):
    mesh = plsc.VectorSubcoreMesh(core_axis_name="c", subcore_axis_name="s")

    @functools.partial(
        pl.kernel,
        out_type=jax.ShapeDtypeStruct((2 * _E_PAD, _D), jnp.float32),
        mesh=mesh,
        scratch_types=[pltpu.VMEM((_T_SC0, 128), jnp.int32),
                       pltpu.VMEM((5 * 128, _D), jnp.float32)]
        + [pltpu.SemaphoreType.DMA] * 10,
    )
    def k(xn_hbm, idx_hbm, out_hbm, idx_all_v, rows_v,
          g0, g1, g2, g3, g4, o0, o1, o2, o3, o4):
        sg = [g0, g1, g2, g3, g4]
        so = [o0, o1, o2, o3, o4]
        c = lax.axis_index("c")
        s = lax.axis_index("s")
        cnt = jnp.where(c == 0, _T_SC0, _T_SC1)
        start = c * (_NS * _T_SC0) + s * cnt

        pltpu.sync_copy(idx_hbm.at[pl.ds(start, _T_SC0)], idx_all_v)

        def fire_gather(t, r):
            pltpu.async_copy(xn_hbm.at[idx_all_v.at[t]],
                             rows_v.at[pl.ds(r * 128, 128)], sg[r])

        for r in range(2):
            fire_gather(r, r)

        def outer(q, carry):
            for r in range(5):
                t = q * 5 + r
                pltpu.make_async_copy(
                    xn_hbm.at[idx_all_v.at[t]],
                    rows_v.at[pl.ds(r * 128, 128)], sg[r]).wait()
                pltpu.async_copy(
                    rows_v.at[pl.ds(r * 128, 128)],
                    out_hbm.at[pl.ds((start + t) * 128, 128)], so[r])
                r2 = (r + 2) % 5

                @pl.when(jnp.logical_and(t >= 3, t + 2 < cnt))
                def _():
                    pltpu.make_async_copy(
                        rows_v.at[pl.ds(r2 * 128, 128)],
                        out_hbm.at[pl.ds(0, 128)], so[r2]).wait()

                @pl.when(t + 2 < cnt)
                def _():
                    fire_gather(t + 2, r2)
            return carry

        lax.fori_loop(0, cnt // 5, outer, 0)
        for r in range(5):
            pltpu.make_async_copy(rows_v.at[pl.ds(r * 128, 128)],
                                  out_hbm.at[pl.ds(0, 128)], so[r]).wait()

    return k(xn, idx_all)


def _sc_scatter(rows2, idx_all, zrows):
    mesh = plsc.VectorSubcoreMesh(core_axis_name="c", subcore_axis_name="s")
    z_per_sub = _ACC_R // _NS
    o_per_sub = _HALF // _NS
    cps = _NCH // _NS

    nbuf = 4

    @functools.partial(
        pl.kernel,
        out_type=jax.ShapeDtypeStruct((2 * _HALF, _D), jnp.float32),
        mesh=mesh,
        scratch_types=[pltpu.VMEM((cps, 128), jnp.int32),
                       pltpu.VMEM((nbuf * 128, _D), jnp.float32),
                       pltpu.VMEM_SHARED((_ACC_R, _D), jnp.float32)]
        + [pltpu.SemaphoreType.DMA] * nbuf,
    )
    def k(r_hbm, i_hbm, z_hbm, out_hbm, idx_all_v, rows_v, acc,
          l0, l1, l2, l3):
        sl = [l0, l1, l2, l3]
        c = lax.axis_index("c")
        s = lax.axis_index("s")

        pltpu.sync_copy(z_hbm.at[pl.ds(s * z_per_sub, z_per_sub)],
                        acc.at[pl.ds(s * z_per_sub, z_per_sub)])
        plsc.subcore_barrier()

        def phase(arr):
            pltpu.sync_copy(
                i_hbm.at[pl.ds((arr * _NC + c) * _NCH + s * cps, cps)],
                idx_all_v)
            base = arr * _E_PAD + s * (cps * 128)

            def fire_load(t, r):
                pltpu.async_copy(r_hbm.at[pl.ds(base + t * 128, 128)],
                                 rows_v.at[pl.ds(r * 128, 128)], sl[r])

            for r in range(2):
                fire_load(r, r)

            def outer(q, carry):
                for r in range(nbuf):
                    t = q * nbuf + r
                    pltpu.make_async_copy(
                        r_hbm.at[pl.ds(0, 128)],
                        rows_v.at[pl.ds(r * 128, 128)], sl[r]).wait()
                    r2 = (r + 2) % nbuf

                    @pl.when(t + 2 < cps)
                    def _():
                        fire_load(t + 2, r2)

                    pltpu.sync_copy(rows_v.at[pl.ds(r * 128, 128)],
                                    acc.at[idx_all_v.at[t]], add=True)
                return carry

            lax.fori_loop(0, cps // nbuf, outer, 0)

        phase(0)
        phase(1)
        plsc.subcore_barrier()
        pltpu.sync_copy(acc.at[pl.ds(s * o_per_sub, o_per_sub)],
                        out_hbm.at[pl.ds(c * _HALF + s * o_per_sub,
                                         o_per_sub)])

    return k(rows2, idx_all, zrows)


def _tc_edge_body(attr_ref, xs_ref, xd_ref, w1_ref, b1_ref, w2_ref,
                  out_ref):
    attr = attr_ref[...]
    W = jnp.dot(attr, w1_ref[...], preferred_element_type=jnp.float32)
    W = W + b1_ref[...]
    W = W * jax.nn.sigmoid(W)
    xs = xs_ref[...].astype(jnp.float32)
    xd = xd_ref[...].astype(jnp.float32)
    g = W * (xs - xd)
    a = W * (xs + xd) * 0.5
    dxe = jnp.concatenate([g, a, g * a, g * g, a * a], axis=1)
    w2 = w2_ref[...]
    x = jnp.tanh(dxe.astype(jnp.bfloat16))
    x = jnp.dot(x, w2, preferred_element_type=jnp.float32)
    x = x - jnp.mean(x, axis=1, keepdims=True)
    x = x * lax.rsqrt(jnp.sum(x * x, axis=1, keepdims=True) + 0.001)
    x = jnp.tanh(x.astype(jnp.bfloat16))
    x = jnp.dot(x, w2, preferred_element_type=jnp.float32)
    x = jnp.tanh(x)
    x0 = x[:, :_D]
    s = 0.5 * (x[:, _D:2 * _D] + x[:, 2 * _D:3 * _D]
               + x[:, 3 * _D:4 * _D] + x[:, 4 * _D:])
    out_ref[0] = W * (s + x0)
    out_ref[1] = W * (s - x0)


def _tc_edges(xe_attr, xsd, fc1_wT, fc1_b2, dl_w1T):
    grid = _E_PAD // _T
    last_real = (_E + _T - 1) // _T - 1
    nt = _E_PAD // _T
    return pl.pallas_call(
        _tc_edge_body,
        grid=(grid,),
        in_specs=[
            pl.BlockSpec((_T, _A), lambda i: (jnp.minimum(i, last_real), 0)),
            pl.BlockSpec((_T, _D), lambda i: (i, 0)),
            pl.BlockSpec((_T, _D), lambda i: (nt + i, 0)),
            pl.BlockSpec((_A, _D), lambda i: (0, 0)),
            pl.BlockSpec((1, _D), lambda i: (0, 0)),
            pl.BlockSpec((5 * _D, 5 * _D), lambda i: (0, 0)),
        ],
        out_specs=pl.BlockSpec((2, _T, _D), lambda i: (0, i, 0)),
        out_shape=jax.ShapeDtypeStruct((2, _E_PAD, _D), jnp.float32),
        compiler_params=pltpu.CompilerParams(
            dimension_semantics=("arbitrary",)),
    )(xe_attr, xsd, xsd, fc1_wT, fc1_b2, dl_w1T)


def _local_idx(idx_pad):
    halves = []
    for core in range(_NC):
        loc = idx_pad - core * _HALF
        ok = (loc >= 0) & (loc < _HALF)
        halves.append(jnp.where(ok, loc, _HALF))
    return jnp.stack(halves)


def kernel(xn, xe_attr, xe_src, xe_dst, fc1_w, fc1_b, dl_w1, dl_w2):
    npad = _E_PAD - _E
    src_i = jnp.pad(xe_src.astype(jnp.int32), (0, npad), constant_values=_N)
    dst_i = jnp.pad(xe_dst.astype(jnp.int32), (0, npad), constant_values=_N)

    gidx = jnp.concatenate([jnp.where(src_i < _N, src_i, 0),
                            jnp.where(dst_i < _N, dst_i, 0)]
                           ).reshape(2 * _NCH, 128)
    gidx = jnp.pad(gidx, ((0, _IDX_PAD - 2 * _NCH), (0, 0)))
    sidx = jnp.concatenate(
        [_local_idx(dst_i), _local_idx(src_i)]).reshape(4 * _NCH, 128)

    xsd = _sc_gather(xn, gidx)
    out2 = _tc_edges(xe_attr, xsd, fc1_w.T,
                     fc1_b[None, :], dl_w1.T.astype(jnp.bfloat16))
    zrows = jnp.zeros((_ACC_R, _D), jnp.float32)
    acc = _sc_scatter(out2.reshape(2 * _E_PAD, _D), sidx, zrows)
    return acc[:_N]

# --- scband reference (transcript-rebuilt; emitter-appended) ---
"""Pipeline reference for scband-propagation-block-15625091022908 (READ-ONLY COPY).

The authoritative reference and input builder live on the scoring server;
editing this copy changes nothing except your own understanding.
"""

import jax, jax.numpy as jnp
import numpy as np

N_NODES = 10000
N_EDGES = 320000
XN_DIM = 128
ATTR_IN = 33  # xn_attr_dim*2 + 1


def tv_norm(X, eps=0.001):
    X = X - jnp.mean(X, axis=1, keepdims=True)
    X = X / jnp.sqrt(jnp.sum(X ** 2, axis=1, keepdims=True) + eps)
    return X


def setup_inputs(seed: int = 0) -> dict:
    key = jax.random.key(seed)
    k = jax.random.split(key, 8)
    xn = jax.random.normal(k[0], (N_NODES, XN_DIM), dtype=jnp.float32)
    xe_attr = jax.random.normal(k[1], (N_EDGES, ATTR_IN), dtype=jnp.float32)
    xe_src = jax.random.randint(k[2], (N_EDGES,), 0, N_NODES, dtype=jnp.int64 if jax.config.jax_enable_x64 else jnp.int32)
    xe_dst = jax.random.randint(k[3], (N_EDGES,), 0, N_NODES, dtype=jnp.int64 if jax.config.jax_enable_x64 else jnp.int32)
    # fc1: Linear(33 -> 128) with bias (kaiming-uniform-ish scale)
    b1 = 1.0 / np.sqrt(ATTR_IN)
    fc1_w = jax.random.uniform(k[4], (XN_DIM, ATTR_IN), dtype=jnp.float32, minval=-b1, maxval=b1)
    fc1_b = jax.random.uniform(k[5], (XN_DIM,), dtype=jnp.float32, minval=-b1, maxval=b1)
    # DoubleLayer on dim 5*XN_DIM: lin1 and lin2 (lin2 unused in forward, kept for fidelity)
    D5 = 5 * XN_DIM
    b2 = 1.0 / np.sqrt(D5)
    dl_w1 = jax.random.uniform(k[6], (D5, D5), dtype=jnp.float32, minval=-b2, maxval=b2)
    dl_w2 = jax.random.uniform(k[7], (D5, D5), dtype=jnp.float32, minval=-b2, maxval=b2)
    return {"xn": xn, "xe_attr": xe_attr, "xe_src": xe_src, "xe_dst": xe_dst,
            "fc1_w": fc1_w, "fc1_b": fc1_b, "dl_w1": dl_w1, "dl_w2": dl_w2}


def reference(xn, xe_attr, xe_src, xe_dst, fc1_w, fc1_b, dl_w1, dl_w2):
    # fc1: FullyConnectedNet([2*attr+1, xn_dim], silu)
    W = jax.nn.silu(xe_attr @ fc1_w.T + fc1_b)  # [E, xn_dim]
    xs = jnp.take(xn, xe_src, axis=0)
    xd = jnp.take(xn, xe_dst, axis=0)
    gradX = W * (xs - xd)
    aveX = W * (xs + xd) / 2
    gradXaveX = gradX * aveX
    gradXsq = gradX * gradX
    aveXsq = aveX * aveX
    dxe = jnp.concatenate([gradX, aveX, gradXaveX, gradXsq, aveXsq], axis=1)  # [E, 5*d]
    # DoubleLayer (uses lin1 twice; lin2 is an unused parameter)
    x = jnp.tanh(dxe)
    x = x @ dl_w1.T
    x = tv_norm(x)
    x = jnp.tanh(x)
    x = x @ dl_w1.T
    dxe = jnp.tanh(x)
    Wrep = jnp.tile(W, (1, 5))
    msg = Wrep * dxe
    xn_1 = jax.ops.segment_sum(msg, xe_dst, num_segments=N_NODES)
    xn_2 = jax.ops.segment_sum(msg, xe_src, num_segments=N_NODES)
    xn_div = xn_1 - xn_2
    xn_ave = (xn_1 + xn_2) / 2.0
    d = xn.shape[-1]
    xn_out = (xn_div[:, :d] + xn_ave[:, d:2 * d] + xn_ave[:, 2 * d:3 * d]
              + xn_ave[:, 3 * d:4 * d] + xn_ave[:, 4 * d:])
    return xn_out

if __name__ == "__main__":
    import jax
    _d = setup_inputs()
    print(jax.jit(kernel)(*tuple(_d.values())))

</pallas_src>

<mosaic_0001>
#map = affine_map<(d0, d1) -> (0, 0)>
module attributes {stable_mosaic.version = 14 : i64} {
  func.func @k(%arg0: i32, %arg1: i32, %arg2: memref<10000x128xf32, #tpu.memory_space<hbm>>, %arg3: memref<5360x128xi32, #tpu.memory_space<hbm>>, %arg4: memref<655360x128xf32, #tpu.memory_space<hbm>>, %arg5: memref<240x128xi32, #tpu.memory_space<vmem>>, %arg6: memref<640x128xf32, #tpu.memory_space<vmem>>, %arg7: memref<!tpu.dma_semaphore, #tpu.memory_space<semaphore_mem>>, %arg8: memref<!tpu.dma_semaphore, #tpu.memory_space<semaphore_mem>>, %arg9: memref<!tpu.dma_semaphore, #tpu.memory_space<semaphore_mem>>, %arg10: memref<!tpu.dma_semaphore, #tpu.memory_space<semaphore_mem>>, %arg11: memref<!tpu.dma_semaphore, #tpu.memory_space<semaphore_mem>>, %arg12: memref<!tpu.dma_semaphore, #tpu.memory_space<semaphore_mem>>, %arg13: memref<!tpu.dma_semaphore, #tpu.memory_space<semaphore_mem>>, %arg14: memref<!tpu.dma_semaphore, #tpu.memory_space<semaphore_mem>>, %arg15: memref<!tpu.dma_semaphore, #tpu.memory_space<semaphore_mem>>, %arg16: memref<!tpu.dma_semaphore, #tpu.memory_space<semaphore_mem>>) attributes {dimension_semantics = [#tpu.dimension_semantics<core_parallel>, #tpu.dimension_semantics<subcore_parallel>], iteration_bounds = array<i64: 2, 16>, scalar_prefetch = 0 : i64, scratch_operands = 12 : i64, tpu.core_type = #tpu.core_type<sc_vector_subcore>, window_params = [{transform_indices = #map}, {transform_indices = #map}, {transform_indices = #map}]} {
    %eq3A = arith.constant 0 : i32
    %eq3A_0 = arith.cmpi eq, %arg0, %eq3A : i32
    %jit3A = arith.constant 240 : i32
    %jit3A_1 = arith.constant 80 : i32
    %select_n3A = arith.select %eq3A_0, %jit3A, %jit3A_1 : i32
    %mul3A = arith.constant 3840 : i32
    %mul3A_2 = arith.muli %arg0, %mul3A : i32
    %mul3A_3 = arith.muli %arg1, %select_n3A : i32
    %add3A = arith.addi %mul3A_2, %mul3A_3 : i32
    "tpu.region"() ({
      %run_scoped3A = tpu.sem_alloc : memref<!tpu.dma_semaphore, #tpu.memory_space<semaphore_mem>>
      %dma_start3A_109 = arith.constant 0 : i32
      %dma_start3A_110 = tpu.memref_slice %arg3[%add3A, %dma_start3A_109] : memref<5360x128xi32, #tpu.memory_space<hbm>> -> memref<240x128xi32, #tpu.memory_space<hbm>>
      %dma_start3A_111 = arith.constant 0 : i32
      %dma_start3A_112 = tpu.memref_slice %arg3[%add3A, %dma_start3A_111] : memref<5360x128xi32, #tpu.memory_space<hbm>> -> memref<240x128xi32, #tpu.memory_space<hbm>>
      tpu.enqueue_dma source(%dma_start3A_112 : memref<240x128xi32, #tpu.memory_space<hbm>>) target(%arg5 : memref<240x128xi32, #tpu.memory_space<vmem>>) target_semaphore(%run_scoped3A : memref<!tpu.dma_semaphore, #tpu.memory_space<semaphore_mem>>)
      %dma_wait3A_113 = arith.constant 0 : i32
      %dma_wait3A_114 = tpu.memref_slice %arg3[%add3A, %dma_wait3A_113] : memref<5360x128xi32, #tpu.memory_space<hbm>> -> memref<240x128xi32, #tpu.memory_space<hbm>>
      %dma_wait3A_115 = arith.constant 0 : i32
      %dma_wait3A_116 = tpu.memref_slice %arg3[%add3A, %dma_wait3A_115] : memref<5360x128xi32, #tpu.memory_space<hbm>> -> memref<240x128xi32, #tpu.memory_space<hbm>>
      tpu.wait_dma2 semaphore(%run_scoped3A : memref<!tpu.dma_semaphore, #tpu.memory_space<semaphore_mem>>) src(%dma_wait3A_116 : memref<240x128xi32, #tpu.memory_space<hbm>>) dst(%arg5 : memref<240x128xi32, #tpu.memory_space<vmem>>)
      tpu.yield
    }) : () -> ()
    %dma_start3A = arith.constant 0 : i32
    %dma_start3A_4 = arith.constant 0 : i32
    %dma_start3A_5 = arith.constant 0 : i32
    %dma_start3A_6 = tpu.memref_slice %arg6[%dma_start3A_4, %dma_start3A_5] : memref<640x128xf32, #tpu.memory_space<vmem>> -> memref<128x128xf32, #tpu.memory_space<vmem>>
    %dma_start3A_7 = arith.constant 0 : i32
    %dma_start3A_8 = tpu.memref_slice %arg5[%dma_start3A, %dma_start3A_7] : memref<240x128xi32, #tpu.memory_space<vmem>> -> memref<1x128xi32, #tpu.memory_space<vmem>>
    %dma_start3A_9 = tpu.memref_squeeze %dma_start3A_8 : memref<1x128xi32, #tpu.memory_space<vmem>> -> memref<128xi32, #tpu.memory_space<vmem>>
    %dma_start3A_10 = arith.constant 0 : i32
    %dma_start3A_11 = arith.constant 0 : i32
    %dma_start3A_12 = tpu.memref_slice %arg2[%dma_start3A_10, %dma_start3A_11] : memref<10000x128xf32, #tpu.memory_space<hbm>> -> memref<10000x128xf32, #tpu.memory_space<hbm>>
    tpu.enqueue_indirect_dma source(%dma_start3A_12 : memref<10000x128xf32, #tpu.memory_space<hbm>>) target(%dma_start3A_6 : memref<128x128xf32, #tpu.memory_space<vmem>>) offsets(%dma_start3A_9 : memref<128xi32, #tpu.memory_space<vmem>>) semaphore(%arg7 : memref<!tpu.dma_semaphore, #tpu.memory_space<semaphore_mem>>)
    %dma_start3A_13 = arith.constant 1 : i32
    %dma_start3A_14 = arith.constant 128 : i32
    %dma_start3A_15 = arith.constant 0 : i32
    %dma_start3A_16 = tpu.memref_slice %arg6[%dma_start3A_14, %dma_start3A_15] : memref<640x128xf32, #tpu.memory_space<vmem>> -> memref<128x128xf32, #tpu.memory_space<vmem>>
    %dma_start3A_17 = arith.constant 0 : i32
    %dma_start3A_18 = tpu.memref_slice %arg5[%dma_start3A_13, %dma_start3A_17] : memref<240x128xi32, #tpu.memory_space<vmem>> -> memref<1x128xi32, #tpu.memory_space<vmem>>
    %dma_start3A_19 = tpu.memref_squeeze %dma_start3A_18 : memref<1x128xi32, #tpu.memory_space<vmem>> -> memref<128xi32, #tpu.memory_space<vmem>>
    %dma_start3A_20 = arith.constant 0 : i32
    %dma_start3A_21 = arith.constant 0 : i32
    %dma_start3A_22 = tpu.memref_slice %arg2[%dma_start3A_20, %dma_start3A_21] : memref<10000x128xf32, #tpu.memory_space<hbm>> -> memref<10000x128xf32, #tpu.memory_space<hbm>>
    tpu.enqueue_indirect_dma source(%dma_start3A_22 : memref<10000x128xf32, #tpu.memory_space<hbm>>) target(%dma_start3A_16 : memref<128x128xf32, #tpu.memory_space<vmem>>) offsets(%dma_start3A_19 : memref<128xi32, #tpu.memory_space<vmem>>) semaphore(%arg8 : memref<!tpu.dma_semaphore, #tpu.memory_space<semaphore_mem>>)
    %jit3A_23 = arith.constant 5 : i32
    %div3A = arith.divsi %select_n3A, %jit3A_23 : i32
    %sign3A = arith.constant 0 : i32
    %sign3A_24 = arith.cmpi sgt, %select_n3A, %sign3A : i32
    %sign3A_25 = arith.extui %sign3A_24 : i1 to i32
    %sign3A_26 = arith.constant 0 : i32
    %sign3A_27 = arith.cmpi slt, %select_n3A, %sign3A_26 : i32
    %sign3A_28 = arith.extui %sign3A_27 : i1 to i32
    %sign3A_29 = arith.subi %sign3A_25, %sign3A_28 : i32
    %sign3A_30 = arith.constant 0 : i32
    %sign3A_31 = arith.cmpi sgt, %jit3A_23, %sign3A_30 : i32
    %sign3A_32 = arith.extui %sign3A_31 : i1 to i32
    %sign3A_33 = arith.constant 0 : i32
    %sign3A_34 = arith.cmpi slt, %jit3A_23, %sign3A_33 : i32
    %sign3A_35 = arith.extui %sign3A_34 : i1 to i32
    %sign3A_36 = arith.subi %sign3A_32, %sign3A_35 : i32
    %ne3A = arith.cmpi ne, %sign3A_29, %sign3A_36 : i32
    %rem3A = arith.remsi %select_n3A, %jit3A_23 : i32
    %ne3A_37 = arith.constant 0 : i32
    %ne3A_38 = arith.cmpi ne, %rem3A, %ne3A_37 : i32
    %and3A = arith.andi %ne3A, %ne3A_38 : i1
    %sub3A = arith.constant 1 : i32
    %sub3A_39 = arith.subi %div3A, %sub3A : i32
    %select_n3A_40 = arith.select %and3A, %sub3A_39, %div3A : i32
    %while3A = arith.constant 0 : i32
    %while3A_41 = arith.constant 0 : i32
    %while3A_42 = arith.subi %select_n3A_40, %while3A_41 : i32
    %while3A_43 = arith.addi %while3A_41, %while3A_42 : i32
    %while3A_44 = arith.constant 1 : i32
    %while3A_45 = arith.divsi %while3A_42, %while3A_44 : i32
    %while3A_46 = arith.muli %while3A_45, %while3A_44 : i32
    %while3A_47 = arith.addi %while3A_41, %while3A_46 : i32
    %while3A_48 = arith.constant 1 : i32
    scf.for %while3A_109 = %while3A_41 to %while3A_47 step %while3A_48  : i32 {
      %mul3A_110 = arith.constant 5 : i32
      %mul3A_111 = arith.muli %while3A_109, %mul3A_110 : i32
      %add3A_112 = arith.constant 0 : i32
      %add3A_113 = arith.addi %mul3A_111, %add3A_112 : i32
      %dma_wait3A_114 = arith.constant 0 : i32
      %dma_wait3A_115 = arith.constant 0 : i32
      %dma_wait3A_116 = tpu.memref_slice %arg6[%dma_wait3A_114, %dma_wait3A_115] : memref<640x128xf32, #tpu.memory_space<vmem>> -> memref<128x128xf32, #tpu.memory_space<vmem>>
      %dma_wait3A_117 = arith.constant 0 : i32
      %dma_wait3A_118 = tpu.memref_slice %arg5[%add3A_113, %dma_wait3A_117] : memref<240x128xi32, #tpu.memory_space<vmem>> -> memref<1x128xi32, #tpu.memory_space<vmem>>
      %dma_wait3A_119 = tpu.memref_squeeze %dma_wait3A_118 : memref<1x128xi32, #tpu.memory_space<vmem>> -> memref<128xi32, #tpu.memory_space<vmem>>
      %dma_wait3A_120 = arith.constant 0 : i32
      %dma_wait3A_121 = arith.constant 0 : i32
      %dma_wait3A_122 = tpu.memref_slice %arg2[%dma_wait3A_120, %dma_wait3A_121] : memref<10000x128xf32, #tpu.memory_space<hbm>> -> memref<10000x128xf32, #tpu.memory_space<hbm>>
      tpu.wait_indirect_dma semaphore(%arg7 : memref<!tpu.dma_semaphore, #tpu.memory_space<semaphore_mem>>) src(%dma_wait3A_122 : memref<10000x128xf32, #tpu.memory_space<hbm>>) dst(%dma_wait3A_116 : memref<128x128xf32, #tpu.memory_space<vmem>>)
      %add3A_123 = arith.addi %add3A, %add3A_113 : i32
      %mul3A_124 = arith.constant 128 : i32
      %mul3A_125 = arith.muli %add3A_123, %mul3A_124 : i32
      %dma_start3A_126 = arith.constant 0 : i32
      %dma_start3A_127 = arith.constant 0 : i32
      %dma_start3A_128 = tpu.memref_slice %arg6[%dma_start3A_126, %dma_start3A_127] : memref<640x128xf32, #tpu.memory_space<vmem>> -> memref<128x128xf32, #tpu.memory_space<vmem>>
      %dma_start3A_129 = arith.constant 0 : i32
      %dma_start3A_130 = tpu.memref_slice %arg4[%mul3A_125, %dma_start3A_129] : memref<655360x128xf32, #tpu.memory_space<hbm>> -> memref<128x128xf32, #tpu.memory_space<hbm>>
      %dma_start3A_131 = arith.constant 0 : i32
      %dma_start3A_132 = tpu.memref_slice %arg4[%mul3A_125, %dma_start3A_131] : memref<655360x128xf32, #tpu.memory_space<hbm>> -> memref<128x128xf32, #tpu.memory_space<hbm>>
      %dma_start3A_133 = arith.constant 0 : i32
      %dma_start3A_134 = arith.constant 0 : i32
      %dma_start3A_135 = tpu.memref_slice %arg6[%dma_start3A_133, %dma_start3A_134] : memref<640x128xf32, #tpu.memory_space<vmem>> -> memref<128x128xf32, #tpu.memory_space<vmem>>
      tpu.enqueue_dma source(%dma_start3A_135 : memref<128x128xf32, #tpu.memory_space<vmem>>) target(%dma_start3A_132 : memref<128x128xf32, #tpu.memory_space<hbm>>) target_semaphore(%arg12 : memref<!tpu.dma_semaphore, #tpu.memory_space<semaphore_mem>>)
      %ge3A = arith.constant 3 : i32
      %ge3A_136 = arith.cmpi sge, %add3A_113, %ge3A : i32
      %add3A_137 = arith.constant 2 : i32
      %add3A_138 = arith.addi %add3A_113, %add3A_137 : i32
      %lt3A = arith.cmpi slt, %add3A_138, %select_n3A : i32
      %and3A_139 = arith.andi %ge3A_136, %lt3A : i1
      %convert_element_type3A = arith.extui %and3A_139 : i1 to i32
      %cond3A = arith.constant 0 : i32
      %cond3A_140 = arith.cmpi ne, %convert_element_type3A, %cond3A : i32
      scf.if %cond3A_140 {
        %dma_wait3A_311 = arith.constant 256 : i32
        %dma_wait3A_312 = arith.constant 0 : i32
        %dma_wait3A_313 = tpu.memref_slice %arg6[%dma_wait3A_311, %dma_wait3A_312] : memref<640x128xf32, #tpu.memory_space<vmem>> -> memref<128x128xf32, #tpu.memory_space<vmem>>
        %dma_wait3A_314 = arith.constant 0 : i32
        %dma_wait3A_315 = arith.constant 0 : i32
        %dma_wait3A_316 = tpu.memref_slice %arg4[%dma_wait3A_314, %dma_wait3A_315] : memref<655360x128xf32, #tpu.memory_space<hbm>> -> memref<128x128xf32, #tpu.memory_space<hbm>>
        %dma_wait3A_317 = arith.constant 0 : i32
        %dma_wait3A_318 = arith.constant 0 : i32
        %dma_wait3A_319 = tpu.memref_slice %arg4[%dma_wait3A_317, %dma_wait3A_318] : memref<655360x128xf32, #tpu.memory_space<hbm>> -> memref<128x128xf32, #tpu.memory_space<hbm>>
        %dma_wait3A_320 = arith.constant 256 : i32
        %dma_wait3A_321 = arith.constant 0 : i32
        %dma_wait3A_322 = tpu.memref_slice %arg6[%dma_wait3A_320, %dma_wait3A_321] : memref<640x128xf32, #tpu.memory_space<vmem>> -> memref<128x128xf32, #tpu.memory_space<vmem>>
        tpu.wait_dma2 semaphore(%arg14 : memref<!tpu.dma_semaphore, #tpu.memory_space<semaphore_mem>>) src(%dma_wait3A_322 : memref<128x128xf32, #tpu.memory_space<vmem>>) dst(%dma_wait3A_319 : memref<128x128xf32, #tpu.memory_space<hbm>>)
      } else {
      }
      %add3A_141 = arith.constant 2 : i32
      %add3A_142 = arith.addi %add3A_113, %add3A_141 : i32
      %lt3A_143 = arith.cmpi slt, %add3A_142, %select_n3A : i32
      %convert_element_type3A_144 = arith.extui %lt3A_143 : i1 to i32
      %cond3A_145 = arith.constant 0 : i32
      %cond3A_146 = arith.cmpi ne, %convert_element_type3A_144, %cond3A_145 : i32
      scf.if %cond3A_146 {
        %add3A_311 = arith.constant 2 : i32
        %add3A_312 = arith.addi %add3A_113, %add3A_311 : i32
        %dma_start3A_313 = arith.constant 256 : i32
        %dma_start3A_314 = arith.constant 0 : i32
        %dma_start3A_315 = tpu.memref_slice %arg6[%dma_start3A_313, %dma_start3A_314] : memref<640x128xf32, #tpu.memory_space<vmem>> -> memref<128x128xf32, #tpu.memory_space<vmem>>
        %dma_start3A_316 = arith.constant 0 : i32
        %dma_start3A_317 = tpu.memref_slice %arg5[%add3A_312, %dma_start3A_316] : memref<240x128xi32, #tpu.memory_space<vmem>> -> memref<1x128xi32, #tpu.memory_space<vmem>>
        %dma_start3A_318 = tpu.memref_squeeze %dma_start3A_317 : memref<1x128xi32, #tpu.memory_space<vmem>> -> memref<128xi32, #tpu.memory_space<vmem>>
        %dma_start3A_319 = arith.constant 0 : i32
        %dma_start3A_320 = arith.constant 0 : i32
        %dma_start3A_321 = tpu.memref_slice %arg2[%dma_start3A_319, %dma_start3A_320] : memref<10000x128xf32, #tpu.memory_space<hbm>> -> memref<10000x128xf32, #tpu.memory_space<hbm>>
        tpu.enqueue_indirect_dma source(%dma_start3A_321 : memref<10000x128xf32, #tpu.memory_space<hbm>>) target(%dma_start3A_315 : memref<128x128xf32, #tpu.memory_space<vmem>>) offsets(%dma_start3A_318 : memref<128xi32, #tpu.memory_space<vmem>>) semaphore(%arg9 : memref<!tpu.dma_semaphore, #tpu.memory_space<semaphore_mem>>)
      } else {
      }
      %mul3A_147 = arith.constant 5 : i32
      %mul3A_148 = arith.muli %while3A_109, %mul3A_147 : i32
      %add3A_149 = arith.constant 1 : i32
      %add3A_150 = arith.addi %mul3A_148, %add3A_149 : i32
      %dma_wait3A_151 = arith.constant 128 : i32
      %dma_wait3A_152 = arith.constant 0 : i32
      %dma_wait3A_153 = tpu.memref_slice %arg6[%dma_wait3A_151, %dma_wait3A_152] : memref<640x128xf32, #tpu.memory_space<vmem>> -> memref<128x128xf32, #tpu.memory_space<vmem>>
      %dma_wait3A_154 = arith.constant 0 : i32
      %dma_wait3A_155 = tpu.memref_slice %arg5[%add3A_150, %dma_wait3A_154] : memref<240x128xi32, #tpu.memory_space<vmem>> -> memref<1x128xi32, #tpu.memory_space<vmem>>
      %dma_wait3A_156 = tpu.memref_squeeze %dma_wait3A_155 : memref<1x128xi32, #tpu.memory_space<vmem>> -> memref<128xi32, #tpu.memory_space<vmem>>
      %dma_wait3A_157 = arith.constant 0 : i32
      %dma_wait3A_158 = arith.constant 0 : i32
      %dma_wait3A_159 = tpu.memref_slice %arg2[%dma_wait3A_157, %dma_wait3A_158] : memref<10000x128xf32, #tpu.memory_space<hbm>> -> memref<10000x128xf32, #tpu.memory_space<hbm>>
      tpu.wait_indirect_dma semaphore(%arg8 : memref<!tpu.dma_semaphore, #tpu.memory_space<semaphore_mem>>) src(%dma_wait3A_159 : memref<10000x128xf32, #tpu.memory_space<hbm>>) dst(%dma_wait3A_153 : memref<128x128xf32, #tpu.memory_space<vmem>>)
      %add3A_160 = arith.addi %add3A, %add3A_150 : i32
      %mul3A_161 = arith.constant 128 : i32
      %mul3A_162 = arith.muli %add3A_160, %mul3A_161 : i32
      %dma_start3A_163 = arith.constant 128 : i32
      %dma_start3A_164 = arith.constant 0 : i32
      %dma_start3A_165 = tpu.memref_slice %arg6[%dma_start3A_163, %dma_start3A_164] : memref<640x128xf32, #tpu.memory_space<vmem>> -> memref<128x128xf32, #tpu.memory_space<vmem>>
      %dma_start3A_166 = arith.constant 0 : i32
      %dma_start3A_167 = tpu.memref_slice %arg4[%mul3A_162, %dma_start3A_166] : memref<655360x128xf32, #tpu.memory_space<hbm>> -> memref<128x128xf32, #tpu.memory_space<hbm>>
      %dma_start3A_168 = arith.constant 0 : i32
      %dma_start3A_169 = tpu.memref_slice %arg4[%mul3A_162, %dma_start3A_168] : memref<655360x128xf32, #tpu.memory_space<hbm>> -> memref<128x128xf32, #tpu.memory_space<hbm>>
      %dma_start3A_170 = arith.constant 128 : i32
      %dma_start3A_171 = arith.constant 0 : i32
      %dma_start3A_172 = tpu.memref_slice %arg6[%dma_start3A_170, %dma_start3A_171] : memref<640x128xf32, #tpu.memory_space<vmem>> -> memref<128x128xf32, #tpu.memory_space<vmem>>
      tpu.enqueue_dma source(%dma_start3A_172 : memref<128x128xf32, #tpu.memory_space<vmem>>) target(%dma_start3A_169 : memref<128x128xf32, #tpu.memory_space<hbm>>) target_semaphore(%arg13 : memref<!tpu.dma_semaphore, #tpu.memory_space<semaphore_mem>>)
      %ge3A_173 = arith.constant 3 : i32
      %ge3A_174 = arith.cmpi sge, %add3A_150, %ge3A_173 : i32
      %add3A_175 = arith.constant 2 : i32
      %add3A_176 = arith.addi %add3A_150, %add3A_175 : i32
      %lt3A_177 = arith.cmpi slt, %add3A_176, %select_n3A : i32
      %and3A_178 = arith.andi %ge3A_174, %lt3A_177 : i1
      %convert_element_type3A_179 = arith.extui %and3A_178 : i1 to i32
      %cond3A_180 = arith.constant 0 : i32
      %cond3A_181 = arith.cmpi ne, %convert_element_type3A_179, %cond3A_180 : i32
      scf.if %cond3A_181 {
        %dma_wait3A_311 = arith.constant 384 : i32
        %dma_wait3A_312 = arith.constant 0 : i32
        %dma_wait3A_313 = tpu.memref_slice %arg6[%dma_wait3A_311, %dma_wait3A_312] : memref<640x128xf32, #tpu.memory_space<vmem>> -> memref<128x128xf32, #tpu.memory_space<vmem>>
        %dma_wait3A_314 = arith.constant 0 : i32
        %dma_wait3A_315 = arith.constant 0 : i32
        %dma_wait3A_316 = tpu.memref_slice %arg4[%dma_wait3A_314, %dma_wait3A_315] : memref<655360x128xf32, #tpu.memory_space<hbm>> -> memref<128x128xf32, #tpu.memory_space<hbm>>
        %dma_wait3A_317 = arith.constant 0 : i32
        %dma_wait3A_318 = arith.constant 0 : i32
        %dma_wait3A_319 = tpu.memref_slice %arg4[%dma_wait3A_317, %dma_wait3A_318] : memref<655360x128xf32, #tpu.memory_space<hbm>> -> memref<128x128xf32, #tpu.memory_space<hbm>>
        %dma_wait3A_320 = arith.constant 384 : i32
        %dma_wait3A_321 = arith.constant 0 : i32
        %dma_wait3A_322 = tpu.memref_slice %arg6[%dma_wait3A_320, %dma_wait3A_321] : memref<640x128xf32, #tpu.memory_space<vmem>> -> memref<128x128xf32, #tpu.memory_space<vmem>>
        tpu.wait_dma2 semaphore(%arg15 : memref<!tpu.dma_semaphore, #tpu.memory_space<semaphore_mem>>) src(%dma_wait3A_322 : memref<128x128xf32, #tpu.memory_space<vmem>>) dst(%dma_wait3A_319 : memref<128x128xf32, #tpu.memory_space<hbm>>)
      } else {
      }
      %add3A_182 = arith.constant 2 : i32
      %add3A_183 = arith.addi %add3A_150, %add3A_182 : i32
      %lt3A_184 = arith.cmpi slt, %add3A_183, %select_n3A : i32
      %convert_element_type3A_185 = arith.extui %lt3A_184 : i1 to i32
      %cond3A_186 = arith.constant 0 : i32
      %cond3A_187 = arith.cmpi ne, %convert_element_type3A_185, %cond3A_186 : i32
      scf.if %cond3A_187 {
        %add3A_311 = arith.constant 2 : i32
        %add3A_312 = arith.addi %add3A_150, %add3A_311 : i32
        %dma_start3A_313 = arith.constant 384 : i32
        %dma_start3A_314 = arith.constant 0 : i32
        %dma_start3A_315 = tpu.memref_slice %arg6[%dma_start3A_313, %dma_start3A_314] : memref<640x128xf32, #tpu.memory_space<vmem>> -> memref<128x128xf32, #tpu.memory_space<vmem>>
        %dma_start3A_316 = arith.constant 0 : i32
        %dma_start3A_317 = tpu.memref_slice %arg5[%add3A_312, %dma_start3A_316] : memref<240x128xi32, #tpu.memory_space<vmem>> -> memref<1x128xi32, #tpu.memory_space<vmem>>
        %dma_start3A_318 = tpu.memref_squeeze %dma_start3A_317 : memref<1x128xi32, #tpu.memory_space<vmem>> -> memref<128xi32, #tpu.memory_space<vmem>>
        %dma_start3A_319 = arith.constant 0 : i32
        %dma_start3A_320 = arith.constant 0 : i32
        %dma_start3A_321 = tpu.memref_slice %arg2[%dma_start3A_319, %dma_start3A_320] : memref<10000x128xf32, #tpu.memory_space<hbm>> -> memref<10000x128xf32, #tpu.memory_space<hbm>>
        tpu.enqueue_indirect_dma source(%dma_start3A_321 : memref<10000x128xf32, #tpu.memory_space<hbm>>) target(%dma_start3A_315 : memref<128x128xf32, #tpu.memory_space<vmem>>) offsets(%dma_start3A_318 : memref<128xi32, #tpu.memory_space<vmem>>) semaphore(%arg10 : memref<!tpu.dma_semaphore, #tpu.memory_space<semaphore_mem>>)
      } else {
      }
      %mul3A_188 = arith.constant 5 : i32
      %mul3A_189 = arith.muli %while3A_109, %mul3A_188 : i32
      %add3A_190 = arith.constant 2 : i32
      %add3A_191 = arith.addi %mul3A_189, %add3A_190 : i32
      %dma_wait3A_192 = arith.constant 256 : i32
      %dma_wait3A_193 = arith.constant 0 : i32
      %dma_wait3A_194 = tpu.memref_slice %arg6[%dma_wait3A_192, %dma_wait3A_193] : memref<640x128xf32, #tpu.memory_space<vmem>> -> memref<128x128xf32, #tpu.memory_space<vmem>>
      %dma_wait3A_195 = arith.constant 0 : i32
      %dma_wait3A_196 = tpu.memref_slice %arg5[%add3A_191, %dma_wait3A_195] : memref<240x128xi32, #tpu.memory_space<vmem>> -> memref<1x128xi32, #tpu.memory_space<vmem>>
      %dma_wait3A_197 = tpu.memref_squeeze %dma_wait3A_196 : memref<1x128xi32, #tpu.memory_space<vmem>> -> memref<128xi32, #tpu.memory_space<vmem>>
      %dma_wait3A_198 = arith.constant 0 : i32
      %dma_wait3A_199 = arith.constant 0 : i32
      %dma_wait3A_200 = tpu.memref_slice %arg2[%dma_wait3A_198, %dma_wait3A_199] : memref<10000x128xf32, #tpu.memory_space<hbm>> -> memref<10000x128xf32, #tpu.memory_space<hbm>>
      tpu.wait_indirect_dma semaphore(%arg9 : memref<!tpu.dma_semaphore, #tpu.memory_space<semaphore_mem>>) src(%dma_wait3A_200 : memref<10000x128xf32, #tpu.memory_space<hbm>>) dst(%dma_wait3A_194 : memref<128x128xf32, #tpu.memory_space<vmem>>)
      %add3A_201 = arith.addi %add3A, %add3A_191 : i32
      %mul3A_202 = arith.constant 128 : i32
      %mul3A_203 = arith.muli %add3A_201, %mul3A_202 : i32
      %dma_start3A_204 = arith.constant 256 : i32
      %dma_start3A_205 = arith.constant 0 : i32
      %dma_start3A_206 = tpu.memref_slice %arg6[%dma_start3A_204, %dma_start3A_205] : memref<640x128xf32, #tpu.memory_space<vmem>> -> memref<128x128xf32, #tpu.memory_space<vmem>>
      %dma_start3A_207 = arith.constant 0 : i32
      %dma_start3A_208 = tpu.memref_slice %arg4[%mul3A_203, %dma_start3A_207] : memref<655360x128xf32, #tpu.memory_space<hbm>> -> memref<128x128xf32, #tpu.memory_space<hbm>>
      %dma_start3A_209 = arith.constant 0 : i32
      %dma_start3A_210 = tpu.memref_slice %arg4[%mul3A_203, %dma_start3A_209] : memref<655360x128xf32, #tpu.memory_space<hbm>> -> memref<128x128xf32, #tpu.memory_space<hbm>>
      %dma_start3A_211 = arith.constant 256 : i32
      %dma_start3A_212 = arith.constant 0 : i32
      %dma_start3A_213 = tpu.memref_slice %arg6[%dma_start3A_211, %dma_start3A_212] : memref<640x128xf32, #tpu.memory_space<vmem>> -> memref<128x128xf32, #tpu.memory_space<vmem>>
      tpu.enqueue_dma source(%dma_start3A_213 : memref<128x128xf32, #tpu.memory_space<vmem>>) target(%dma_start3A_210 : memref<128x128xf32, #tpu.memory_space<hbm>>) target_semaphore(%arg14 : memref<!tpu.dma_semaphore, #tpu.memory_space<semaphore_mem>>)
      %ge3A_214 = arith.constant 3 : i32
      %ge3A_215 = arith.cmpi sge, %add3A_191, %ge3A_214 : i32
      %add3A_216 = arith.constant 2 : i32
      %add3A_217 = arith.addi %add3A_191, %add3A_216 : i32
      %lt3A_218 = arith.cmpi slt, %add3A_217, %select_n3A : i32
      %and3A_219 = arith.andi %ge3A_215, %lt3A_218 : i1
      %convert_element_type3A_220 = arith.extui %and3A_219 : i1 to i32
      %cond3A_221 = arith.constant 0 : i32
      %cond3A_222 = arith.cmpi ne, %convert_element_type3A_220, %cond3A_221 : i32
      scf.if %cond3A_222 {
        %dma_wait3A_311 = arith.constant 512 : i32
        %dma_wait3A_312 = arith.constant 0 : i32
        %dma_wait3A_313 = tpu.memref_slice %arg6[%dma_wait3A_311, %dma_wait3A_312] : memref<640x128xf32, #tpu.memory_space<vmem>> -> memref<128x128xf32, #tpu.memory_space<vmem>>
        %dma_wait3A_314 = arith.constant 0 : i32
        %dma_wait3A_315 = arith.constant 0 : i32
        %dma_wait3A_316 = tpu.memref_slice %arg4[%dma_wait3A_314, %dma_wait3A_315] : memref<655360x128xf32, #tpu.memory_space<hbm>> -> memref<128x128xf32, #tpu.memory_space<hbm>>
        %dma_wait3A_317 = arith.constant 0 : i32
        %dma_wait3A_318 = arith.constant 0 : i32
        %dma_wait3A_319 = tpu.memref_slice %arg4[%dma_wait3A_317, %dma_wait3A_318] : memref<655360x128xf32, #tpu.memory_space<hbm>> -> memref<128x128xf32, #tpu.memory_space<hbm>>
        %dma_wait3A_320 = arith.constant 512 : i32
        %dma_wait3A_321 = arith.constant 0 : i32
        %dma_wait3A_322 = tpu.memref_slice %arg6[%dma_wait3A_320, %dma_wait3A_321] : memref<640x128xf32, #tpu.memory_space<vmem>> -> memref<128x128xf32, #tpu.memory_space<vmem>>
        tpu.wait_dma2 semaphore(%arg16 : memref<!tpu.dma_semaphore, #tpu.memory_space<semaphore_mem>>) src(%dma_wait3A_322 : memref<128x128xf32, #tpu.memory_space<vmem>>) dst(%dma_wait3A_319 : memref<128x128xf32, #tpu.memory_space<hbm>>)
      } else {
      }
      %add3A_223 = arith.constant 2 : i32
      %add3A_224 = arith.addi %add3A_191, %add3A_223 : i32
      %lt3A_225 = arith.cmpi slt, %add3A_224, %select_n3A : i32
      %convert_element_type3A_226 = arith.extui %lt3A_225 : i1 to i32
      %cond3A_227 = arith.constant 0 : i32
      %cond3A_228 = arith.cmpi ne, %convert_element_type3A_226, %cond3A_227 : i32
      scf.if %cond3A_228 {
        %add3A_311 = arith.constant 2 : i32
        %add3A_312 = arith.addi %add3A_191, %add3A_311 : i32
        %dma_start3A_313 = arith.constant 512 : i32
        %dma_start3A_314 = arith.constant 0 : i32
        %dma_start3A_315 = tpu.memref_slice %arg6[%dma_start3A_313, %dma_start3A_314] : memref<640x128xf32, #tpu.memory_space<vmem>> -> memref<128x128xf32, #tpu.memory_space<vmem>>
        %dma_start3A_316 = arith.constant 0 : i32
        %dma_start3A_317 = tpu.memref_slice %arg5[%add3A_312, %dma_start3A_316] : memref<240x128xi32, #tpu.memory_space<vmem>> -> memref<1x128xi32, #tpu.memory_space<vmem>>
        %dma_start3A_318 = tpu.memref_squeeze %dma_start3A_317 : memref<1x128xi32, #tpu.memory_space<vmem>> -> memref<128xi32, #tpu.memory_space<vmem>>
        %dma_start3A_319 = arith.constant 0 : i32
        %dma_start3A_320 = arith.constant 0 : i32
        %dma_start3A_321 = tpu.memref_slice %arg2[%dma_start3A_319, %dma_start3A_320] : memref<10000x128xf32, #tpu.memory_space<hbm>> -> memref<10000x128xf32, #tpu.memory_space<hbm>>
        tpu.enqueue_indirect_dma source(%dma_start3A_321 : memref<10000x128xf32, #tpu.memory_space<hbm>>) target(%dma_start3A_315 : memref<128x128xf32, #tpu.memory_space<vmem>>) offsets(%dma_start3A_318 : memref<128xi32, #tpu.memory_space<vmem>>) semaphore(%arg11 : memref<!tpu.dma_semaphore, #tpu.memory_space<semaphore_mem>>)
      } else {
      }
      %mul3A_229 = arith.constant 5 : i32
      %mul3A_230 = arith.muli %while3A_109, %mul3A_229 : i32
      %add3A_231 = arith.constant 3 : i32
      %add3A_232 = arith.addi %mul3A_230, %add3A_231 : i32
      %dma_wait3A_233 = arith.constant 384 : i32
      %dma_wait3A_234 = arith.constant 0 : i32
      %dma_wait3A_235 = tpu.memref_slice %arg6[%dma_wait3A_233, %dma_wait3A_234] : memref<640x128xf32, #tpu.memory_space<vmem>> -> memref<128x128xf32, #tpu.memory_space<vmem>>
      %dma_wait3A_236 = arith.constant 0 : i32
      %dma_wait3A_237 = tpu.memref_slice %arg5[%add3A_232, %dma_wait3A_236] : memref<240x128xi32, #tpu.memory_space<vmem>> -> memref<1x128xi32, #tpu.memory_space<vmem>>
      %dma_wait3A_238 = tpu.memref_squeeze %dma_wait3A_237 : memref<1x128xi32, #tpu.memory_space<vmem>> -> memref<128xi32, #tpu.memory_space<vmem>>
      %dma_wait3A_239 = arith.constant 0 : i32
      %dma_wait3A_240 = arith.constant 0 : i32
      %dma_wait3A_241 = tpu.memref_slice %arg2[%dma_wait3A_239, %dma_wait3A_240] : memref<10000x128xf32, #tpu.memory_space<hbm>> -> memref<10000x128xf32, #tpu.memory_space<hbm>>
      tpu.wait_indirect_dma semaphore(%arg10 : memref<!tpu.dma_semaphore, #tpu.memory_space<semaphore_mem>>) src(%dma_wait3A_241 : memref<10000x128xf32, #tpu.memory_space<hbm>>) dst(%dma_wait3A_235 : memref<128x128xf32, #tpu.memory_space<vmem>>)
      %add3A_242 = arith.addi %add3A, %add3A_232 : i32
      %mul3A_243 = arith.constant 128 : i32
      %mul3A_244 = arith.muli %add3A_242, %mul3A_243 : i32
      %dma_start3A_245 = arith.constant 384 : i32
      %dma_start3A_246 = arith.constant 0 : i32
      %dma_start3A_247 = tpu.memref_slice %arg6[%dma_start3A_245, %dma_start3A_246] : memref<640x128xf32, #tpu.memory_space<vmem>> -> memref<128x128xf32, #tpu.memory_space<vmem>>
      %dma_start3A_248 = arith.constant 0 : i32
      %dma_start3A_249 = tpu.memref_slice %arg4[%mul3A_244, %dma_start3A_248] : memref<655360x128xf32, #tpu.memory_space<hbm>> -> memref<128x128xf32, #tpu.memory_space<hbm>>
      %dma_start3A_250 = arith.constant 0 : i32
      %dma_start3A_251 = tpu.memref_slice %arg4[%mul3A_244, %dma_start3A_250] : memref<655360x128xf32, #tpu.memory_space<hbm>> -> memref<128x128xf32, #tpu.memory_space<hbm>>
      %dma_start3A_252 = arith.constant 384 : i32
      %dma_start3A_253 = arith.constant 0 : i32
      %dma_start3A_254 = tpu.memref_slice %arg6[%dma_start3A_252, %dma_start3A_253] : memref<640x128xf32, #tpu.memory_space<vmem>> -> memref<128x128xf32, #tpu.memory_space<vmem>>
      tpu.enqueue_dma source(%dma_start3A_254 : memref<128x128xf32, #tpu.memory_space<vmem>>) target(%dma_start3A_251 : memref<128x128xf32, #tpu.memory_space<hbm>>) target_semaphore(%arg15 : memref<!tpu.dma_semaphore, #tpu.memory_space<semaphore_mem>>)
      %ge3A_255 = arith.constant 3 : i32
      %ge3A_256 = arith.cmpi sge, %add3A_232, %ge3A_255 : i32
      %add3A_257 = arith.constant 2 : i32
      %add3A_258 = arith.addi %add3A_232, %add3A_257 : i32
      %lt3A_259 = arith.cmpi slt, %add3A_258, %select_n3A : i32
      %and3A_260 = arith.andi %ge3A_256, %lt3A_259 : i1
      %convert_element_type3A_261 = arith.extui %and3A_260 : i1 to i32
      %cond3A_262 = arith.constant 0 : i32
      %cond3A_263 = arith.cmpi ne, %convert_element_type3A_261, %cond3A_262 : i32
      scf.if %cond3A_263 {
        %dma_wait3A_311 = arith.constant 0 : i32
        %dma_wait3A_312 = arith.constant 0 : i32
        %dma_wait3A_313 = tpu.memref_slice %arg6[%dma_wait3A_311, %dma_wait3A_312] : memref<640x128xf32, #tpu.memory_space<vmem>> -> memref<128x128xf32, #tpu.memory_space<vmem>>
        %dma_wait3A_314 = arith.constant 0 : i32
        %dma_wait3A_315 = arith.constant 0 : i32
        %dma_wait3A_316 = tpu.memref_slice %arg4[%dma_wait3A_314, %dma_wait3A_315] : memref<655360x128xf32, #tpu.memory_space<hbm>> -> memref<128x128xf32, #tpu.memory_space<hbm>>
        %dma_wait3A_317 = arith.constant 0 : i32
        %dma_wait3A_318 = arith.constant 0 : i32
        %dma_wait3A_319 = tpu.memref_slice %arg4[%dma_wait3A_317, %dma_wait3A_318] : memref<655360x128xf32, #tpu.memory_space<hbm>> -> memref<128x128xf32, #tpu.memory_space<hbm>>
        %dma_wait3A_320 = arith.constant 0 : i32
        %dma_wait3A_321 = arith.constant 0 : i32
        %dma_wait3A_322 = tpu.memref_slice %arg6[%dma_wait3A_320, %dma_wait3A_321] : memref<640x128xf32, #tpu.memory_space<vmem>> -> memref<128x128xf32, #tpu.memory_space<vmem>>
        tpu.wait_dma2 semaphore(%arg12 : memref<!tpu.dma_semaphore, #tpu.memory_space<semaphore_mem>>) src(%dma_wait3A_322 : memref<128x128xf32, #tpu.memory_space<vmem>>) dst(%dma_wait3A_319 : memref<128x128xf32, #tpu.memory_space<hbm>>)
      } else {
      }
      %add3A_264 = arith.constant 2 : i32
      %add3A_265 = arith.addi %add3A_232, %add3A_264 : i32
      %lt3A_266 = arith.cmpi slt, %add3A_265, %select_n3A : i32
      %convert_element_type3A_267 = arith.extui %lt3A_266 : i1 to i32
      %cond3A_268 = arith.constant 0 : i32
      %cond3A_269 = arith.cmpi ne, %convert_element_type3A_267, %cond3A_268 : i32
      scf.if %cond3A_269 {
        %add3A_311 = arith.constant 2 : i32
        %add3A_312 = arith.addi %add3A_232, %add3A_311 : i32
        %dma_start3A_313 = arith.constant 0 : i32
        %dma_start3A_314 = arith.constant 0 : i32
        %dma_start3A_315 = tpu.memref_slice %arg6[%dma_start3A_313, %dma_start3A_314] : memref<640x128xf32, #tpu.memory_space<vmem>> -> memref<128x128xf32, #tpu.memory_space<vmem>>
        %dma_start3A_316 = arith.constant 0 : i32
        %dma_start3A_317 = tpu.memref_slice %arg5[%add3A_312, %dma_start3A_316] : memref<240x128xi32, #tpu.memory_space<vmem>> -> memref<1x128xi32, #tpu.memory_space<vmem>>
        %dma_start3A_318 = tpu.memref_squeeze %dma_start3A_317 : memref<1x128xi32, #tpu.memory_space<vmem>> -> memref<128xi32, #tpu.memory_space<vmem>>
        %dma_start3A_319 = arith.constant 0 : i32
        %dma_start3A_320 = arith.constant 0 : i32
        %dma_start3A_321 = tpu.memref_slice %arg2[%dma_start3A_319, %dma_start3A_320] : memref<10000x128xf32, #tpu.memory_space<hbm>> -> memref<10000x128xf32, #tpu.memory_space<hbm>>
        tpu.enqueue_indirect_dma source(%dma_start3A_321 : memref<10000x128xf32, #tpu.memory_space<hbm>>) target(%dma_start3A_315 : memref<128x128xf32, #tpu.memory_space<vmem>>) offsets(%dma_start3A_318 : memref<128xi32, #tpu.memory_space<vmem>>) semaphore(%arg7 : memref<!tpu.dma_semaphore, #tpu.memory_space<semaphore_mem>>)
      } else {
      }
      %mul3A_270 = arith.constant 5 : i32
      %mul3A_271 = arith.muli %while3A_109, %mul3A_270 : i32
      %add3A_272 = arith.constant 4 : i32
      %add3A_273 = arith.addi %mul3A_271, %add3A_272 : i32
      %dma_wait3A_274 = arith.constant 512 : i32
      %dma_wait3A_275 = arith.constant 0 : i32
      %dma_wait3A_276 = tpu.memref_slice %arg6[%dma_wait3A_274, %dma_wait3A_275] : memref<640x128xf32, #tpu.memory_space<vmem>> -> memref<128x128xf32, #tpu.memory_space<vmem>>
      %dma_wait3A_277 = arith.constant 0 : i32
      %dma_wait3A_278 = tpu.memref_slice %arg5[%add3A_273, %dma_wait3A_277] : memref<240x128xi32, #tpu.memory_space<vmem>> -> memref<1x128xi32, #tpu.memory_space<vmem>>
      %dma_wait3A_279 = tpu.memref_squeeze %dma_wait3A_278 : memref<1x128xi32, #tpu.memory_space<vmem>> -> memref<128xi32, #tpu.memory_space<vmem>>
      %dma_wait3A_280 = arith.constant 0 : i32
      %dma_wait3A_281 = arith.constant 0 : i32
      %dma_wait3A_282 = tpu.memref_slice %arg2[%dma_wait3A_280, %dma_wait3A_281] : memref<10000x128xf32, #tpu.memory_space<hbm>> -> memref<10000x128xf32, #tpu.memory_space<hbm>>
      tpu.wait_indirect_dma semaphore(%arg11 : memref<!tpu.dma_semaphore, #tpu.memory_space<semaphore_mem>>) src(%dma_wait3A_282 : memref<10000x128xf32, #tpu.memory_space<hbm>>) dst(%dma_wait3A_276 : memref<128x128xf32, #tpu.memory_space<vmem>>)
      %add3A_283 = arith.addi %add3A, %add3A_273 : i32
      %mul3A_284 = arith.constant 128 : i32
      %mul3A_285 = arith.muli %add3A_283, %mul3A_284 : i32
      %dma_start3A_286 = arith.constant 512 : i32
      %dma_start3A_287 = arith.constant 0 : i32
      %dma_start3A_288 = tpu.memref_slice %arg6[%dma_start3A_286, %dma_start3A_287] : memref<640x128xf32, #tpu.memory_space<vmem>> -> memref<128x128xf32, #tpu.memory_space<vmem>>
      %dma_start3A_289 = arith.constant 0 : i32
      %dma_start3A_290 = tpu.memref_slice %arg4[%mul3A_285, %dma_start3A_289] : memref<655360x128xf32, #tpu.memory_space<hbm>> -> memref<128x128xf32, #tpu.memory_space<hbm>>
      %dma_start3A_291 = arith.constant 0 : i32
      %dma_start3A_292 = tpu.memref_slice %arg4[%mul3A_285, %dma_start3A_291] : memref<655360x128xf32, #tpu.memory_space<hbm>> -> memref<128x128xf32, #tpu.memory_space<hbm>>
      %dma_start3A_293 = arith.constant 512 : i32
      %dma_start3A_294 = arith.constant 0 : i32
      %dma_start3A_295 = tpu.memref_slice %arg6[%dma_start3A_293, %dma_start3A_294] : memref<640x128xf32, #tpu.memory_space<vmem>> -> memref<128x128xf32, #tpu.memory_space<vmem>>
      tpu.enqueue_dma source(%dma_start3A_295 : memref<128x128xf32, #tpu.memory_space<vmem>>) target(%dma_start3A_292 : memref<128x128xf32, #tpu.memory_space<hbm>>) target_semaphore(%arg16 : memref<!tpu.dma_semaphore, #tpu.memory_space<semaphore_mem>>)
      %ge3A_296 = arith.constant 3 : i32
      %ge3A_297 = arith.cmpi sge, %add3A_273, %ge3A_296 : i32
      %add3A_298 = arith.constant 2 : i32
      %add3A_299 = arith.addi %add3A_273, %add3A_298 : i32
      %lt3A_300 = arith.cmpi slt, %add3A_299, %select_n3A : i32
      %and3A_301 = arith.andi %ge3A_297, %lt3A_300 : i1
      %convert_element_type3A_302 = arith.extui %and3A_301 : i1 to i32
      %cond3A_303 = arith.constant 0 : i32
      %cond3A_304 = arith.cmpi ne, %convert_element_type3A_302, %cond3A_303 : i32
      scf.if %cond3A_304 {
        %dma_wait3A_311 = arith.constant 128 : i32
        %dma_wait3A_312 = arith.constant 0 : i32
        %dma_wait3A_313 = tpu.memref_slice %arg6[%dma_wait3A_311, %dma_wait3A_312] : memref<640x128xf32, #tpu.memory_space<vmem>> -> memref<128x128xf32, #tpu.memory_space<vmem>>
        %dma_wait3A_314 = arith.constant 0 : i32
        %dma_wait3A_315 = arith.constant 0 : i32
        %dma_wait3A_316 = tpu.memref_slice %arg4[%dma_wait3A_314, %dma_wait3A_315] : memref<655360x128xf32, #tpu.memory_space<hbm>> -> memref<128x128xf32, #tpu.memory_space<hbm>>
        %dma_wait3A_317 = arith.constant 0 : i32
        %dma_wait3A_318 = arith.constant 0 : i32
        %dma_wait3A_319 = tpu.memref_slice %arg4[%dma_wait3A_317, %dma_wait3A_318] : memref<655360x128xf32, #tpu.memory_space<hbm>> -> memref<128x128xf32, #tpu.memory_space<hbm>>
        %dma_wait3A_320 = arith.constant 128 : i32
        %dma_wait3A_321 = arith.constant 0 : i32
        %dma_wait3A_322 = tpu.memref_slice %arg6[%dma_wait3A_320, %dma_wait3A_321] : memref<640x128xf32, #tpu.memory_space<vmem>> -> memref<128x128xf32, #tpu.memory_space<vmem>>
        tpu.wait_dma2 semaphore(%arg13 : memref<!tpu.dma_semaphore, #tpu.memory_space<semaphore_mem>>) src(%dma_wait3A_322 : memref<128x128xf32, #tpu.memory_space<vmem>>) dst(%dma_wait3A_319 : memref<128x128xf32, #tpu.memory_space<hbm>>)
      } else {
      }
      %add3A_305 = arith.constant 2 : i32
      %add3A_306 = arith.addi %add3A_273, %add3A_305 : i32
      %lt3A_307 = arith.cmpi slt, %add3A_306, %select_n3A : i32
      %convert_element_type3A_308 = arith.extui %lt3A_307 : i1 to i32
      %cond3A_309 = arith.constant 0 : i32
      %cond3A_310 = arith.cmpi ne, %convert_element_type3A_308, %cond3A_309 : i32
      scf.if %cond3A_310 {
        %add3A_311 = arith.constant 2 : i32
        %add3A_312 = arith.addi %add3A_273, %add3A_311 : i32
        %dma_start3A_313 = arith.constant 128 : i32
        %dma_start3A_314 = arith.constant 0 : i32
        %dma_start3A_315 = tpu.memref_slice %arg6[%dma_start3A_313, %dma_start3A_314] : memref<640x128xf32, #tpu.memory_space<vmem>> -> memref<128x128xf32, #tpu.memory_space<vmem>>
        %dma_start3A_316 = arith.constant 0 : i32
        %dma_start3A_317 = tpu.memref_slice %arg5[%add3A_312, %dma_start3A_316] : memref<240x128xi32, #tpu.memory_space<vmem>> -> memref<1x128xi32, #tpu.memory_space<vmem>>
        %dma_start3A_318 = tpu.memref_squeeze %dma_start3A_317 : memref<1x128xi32, #tpu.memory_space<vmem>> -> memref<128xi32, #tpu.memory_space<vmem>>
        %dma_start3A_319 = arith.constant 0 : i32
        %dma_start3A_320 = arith.constant 0 : i32
        %dma_start3A_321 = tpu.memref_slice %arg2[%dma_start3A_319, %dma_start3A_320] : memref<10000x128xf32, #tpu.memory_space<hbm>> -> memref<10000x128xf32, #tpu.memory_space<hbm>>
        tpu.enqueue_indirect_dma source(%dma_start3A_321 : memref<10000x128xf32, #tpu.memory_space<hbm>>) target(%dma_start3A_315 : memref<128x128xf32, #tpu.memory_space<vmem>>) offsets(%dma_start3A_318 : memref<128xi32, #tpu.memory_space<vmem>>) semaphore(%arg8 : memref<!tpu.dma_semaphore, #tpu.memory_space<semaphore_mem>>)
      } else {
      }
    }
    %while3A_49 = arith.constant 1 : i32
    scf.for %while3A_109 = %while3A_47 to %while3A_43 step %while3A_49  : i32 {
      %mul3A_110 = arith.constant 5 : i32
      %mul3A_111 = arith.muli %while3A_109, %mul3A_110 : i32
      %add3A_112 = arith.constant 0 : i32
      %add3A_113 = arith.addi %mul3A_111, %add3A_112 : i32
      %dma_wait3A_114 = arith.constant 0 : i32
      %dma_wait3A_115 = arith.constant 0 : i32
      %dma_wait3A_116 = tpu.memref_slice %arg6[%dma_wait3A_114, %dma_wait3A_115] : memref<640x128xf32, #tpu.memory_space<vmem>> -> memref<128x128xf32, #tpu.memory_space<vmem>>
      %dma_wait3A_117 = arith.constant 0 : i32
      %dma_wait3A_118 = tpu.memref_slice %arg5[%add3A_113, %dma_wait3A_117] : memref<240x128xi32, #tpu.memory_space<vmem>> -> memref<1x128xi32, #tpu.memory_space<vmem>>
      %dma_wait3A_119 = tpu.memref_squeeze %dma_wait3A_118 : memref<1x128xi32, #tpu.memory_space<vmem>> -> memref<128xi32, #tpu.memory_space<vmem>>
      %dma_wait3A_120 = arith.constant 0 : i32
      %dma_wait3A_121 = arith.constant 0 : i32
      %dma_wait3A_122 = tpu.memref_slice %arg2[%dma_wait3A_120, %dma_wait3A_121] : memref<10000x128xf32, #tpu.memory_space<hbm>> -> memref<10000x128xf32, #tpu.memory_space<hbm>>
      tpu.wait_indirect_dma semaphore(%arg7 : memref<!tpu.dma_semaphore, #tpu.memory_space<semaphore_mem>>) src(%dma_wait3A_122 : memref<10000x128xf32, #tpu.memory_space<hbm>>) dst(%dma_wait3A_116 : memref<128x128xf32, #tpu.memory_space<vmem>>)
      %add3A_123 = arith.addi %add3A, %add3A_113 : i32
      %mul3A_124 = arith.constant 128 : i32
      %mul3A_125 = arith.muli %add3A_123, %mul3A_124 : i32
      %dma_start3A_126 = arith.constant 0 : i32
      %dma_start3A_127 = arith.constant 0 : i32
      %dma_start3A_128 = tpu.memref_slice %arg6[%dma_start3A_126, %dma_start3A_127] : memref<640x128xf32, #tpu.memory_space<vmem>> -> memref<128x128xf32, #tpu.memory_space<vmem>>
      %dma_start3A_129 = arith.constant 0 : i32
      %dma_start3A_130 = tpu.memref_slice %arg4[%mul3A_125, %dma_start3A_129] : memref<655360x128xf32, #tpu.memory_space<hbm>> -> memref<128x128xf32, #tpu.memory_space<hbm>>
      %dma_start3A_131 = arith.constant 0 : i32
      %dma_start3A_132 = tpu.memref_slice %arg4[%mul3A_125, %dma_start3A_131] : memref<655360x128xf32, #tpu.memory_space<hbm>> -> memref<128x128xf32, #tpu.memory_space<hbm>>
      %dma_start3A_133 = arith.constant 0 : i32
      %dma_start3A_134 = arith.constant 0 : i32
      %dma_start3A_135 = tpu.memref_slice %arg6[%dma_start3A_133, %dma_start3A_134] : memref<640x128xf32, #tpu.memory_space<vmem>> -> memref<128x128xf32, #tpu.memory_space<vmem>>
      tpu.enqueue_dma source(%dma_start3A_135 : memref<128x128xf32, #tpu.memory_space<vmem>>) target(%dma_start3A_132 : memref<128x128xf32, #tpu.memory_space<hbm>>) target_semaphore(%arg12 : memref<!tpu.dma_semaphore, #tpu.memory_space<semaphore_mem>>)
      %ge3A = arith.constant 3 : i32
      %ge3A_136 = arith.cmpi sge, %add3A_113, %ge3A : i32
      %add3A_137 = arith.constant 2 : i32
      %add3A_138 = arith.addi %add3A_113, %add3A_137 : i32
      %lt3A = arith.cmpi slt, %add3A_138, %select_n3A : i32
      %and3A_139 = arith.andi %ge3A_136, %lt3A : i1
      %convert_element_type3A = arith.extui %and3A_139 : i1 to i32
      %cond3A = arith.constant 0 : i32
      %cond3A_140 = arith.cmpi ne, %convert_element_type3A, %cond3A : i32
      scf.if %cond3A_140 {
        %dma_wait3A_311 = arith.constant 256 : i32
        %dma_wait3A_312 = arith.constant 0 : i32
        %dma_wait3A_313 = tpu.memref_slice %arg6[%dma_wait3A_311, %dma_wait3A_312] : memref<640x128xf32, #tpu.memory_space<vmem>> -> memref<128x128xf32, #tpu.memory_space<vmem>>
        %dma_wait3A_314 = arith.constant 0 : i32
        %dma_wait3A_315 = arith.constant 0 : i32
        %dma_wait3A_316 = tpu.memref_slice %arg4[%dma_wait3A_314, %dma_wait3A_315] : memref<655360x128xf32, #tpu.memory_space<hbm>> -> memref<128x128xf32, #tpu.memory_space<hbm>>
        %dma_wait3A_317 = arith.constant 0 : i32
        %dma_wait3A_318 = arith.constant 0 : i32
        %dma_wait3A_319 = tpu.memref_slice %arg4[%dma_wait3A_317, %dma_wait3A_318] : memref<655360x128xf32, #tpu.memory_space<hbm>> -> memref<128x128xf32, #tpu.memory_space<hbm>>
        %dma_wait3A_320 = arith.constant 256 : i32
        %dma_wait3A_321 = arith.constant 0 : i32
        %dma_wait3A_322 = tpu.memref_slice %arg6[%dma_wait3A_320, %dma_wait3A_321] : memref<640x128xf32, #tpu.memory_space<vmem>> -> memref<128x128xf32, #tpu.memory_space<vmem>>
        tpu.wait_dma2 semaphore(%arg14 : memref<!tpu.dma_semaphore, #tpu.memory_space<semaphore_mem>>) src(%dma_wait3A_322 : memref<128x128xf32, #tpu.memory_space<vmem>>) dst(%dma_wait3A_319 : memref<128x128xf32, #tpu.memory_space<hbm>>)
      } else {
      }
      %add3A_141 = arith.constant 2 : i32
      %add3A_142 = arith.addi %add3A_113, %add3A_141 : i32
      %lt3A_143 = arith.cmpi slt, %add3A_142, %select_n3A : i32
      %convert_element_type3A_144 = arith.extui %lt3A_143 : i1 to i32
      %cond3A_145 = arith.constant 0 : i32
      %cond3A_146 = arith.cmpi ne, %convert_element_type3A_144, %cond3A_145 : i32
      scf.if %cond3A_146 {
        %add3A_311 = arith.constant 2 : i32
        %add3A_312 = arith.addi %add3A_113, %add3A_311 : i32
        %dma_start3A_313 = arith.constant 256 : i32
        %dma_start3A_314 = arith.constant 0 : i32
        %dma_start3A_315 = tpu.memref_slice %arg6[%dma_start3A_313, %dma_start3A_314] : memref<640x128xf32, #tpu.memory_space<vmem>> -> memref<128x128xf32, #tpu.memory_space<vmem>>
        %dma_start3A_316 = arith.constant 0 : i32
        %dma_start3A_317 = tpu.memref_slice %arg5[%add3A_312, %dma_start3A_316] : memref<240x128xi32, #tpu.memory_space<vmem>> -> memref<1x128xi32, #tpu.memory_space<vmem>>
        %dma_start3A_318 = tpu.memref_squeeze %dma_start3A_317 : memref<1x128xi32, #tpu.memory_space<vmem>> -> memref<128xi32, #tpu.memory_space<vmem>>
        %dma_start3A_319 = arith.constant 0 : i32
        %dma_start3A_320 = arith.constant 0 : i32
        %dma_start3A_321 = tpu.memref_slice %arg2[%dma_start3A_319, %dma_start3A_320] : memref<10000x128xf32, #tpu.memory_space<hbm>> -> memref<10000x128xf32, #tpu.memory_space<hbm>>
        tpu.enqueue_indirect_dma source(%dma_start3A_321 : memref<10000x128xf32, #tpu.memory_space<hbm>>) target(%dma_start3A_315 : memref<128x128xf32, #tpu.memory_space<vmem>>) offsets(%dma_start3A_318 : memref<128xi32, #tpu.memory_space<vmem>>) semaphore(%arg9 : memref<!tpu.dma_semaphore, #tpu.memory_space<semaphore_mem>>)
      } else {
      }
      %mul3A_147 = arith.constant 5 : i32
      %mul3A_148 = arith.muli %while3A_109, %mul3A_147 : i32
      %add3A_149 = arith.constant 1 : i32
      %add3A_150 = arith.addi %mul3A_148, %add3A_149 : i32
      %dma_wait3A_151 = arith.constant 128 : i32
      %dma_wait3A_152 = arith.constant 0 : i32
      %dma_wait3A_153 = tpu.memref_slice %arg6[%dma_wait3A_151, %dma_wait3A_152] : memref<640x128xf32, #tpu.memory_space<vmem>> -> memref<128x128xf32, #tpu.memory_space<vmem>>
      %dma_wait3A_154 = arith.constant 0 : i32
      %dma_wait3A_155 = tpu.memref_slice %arg5[%add3A_150, %dma_wait3A_154] : memref<240x128xi32, #tpu.memory_space<vmem>> -> memref<1x128xi32, #tpu.memory_space<vmem>>
      %dma_wait3A_156 = tpu.memref_squeeze %dma_wait3A_155 : memref<1x128xi32, #tpu.memory_space<vmem>> -> memref<128xi32, #tpu.memory_space<vmem>>
      %dma_wait3A_157 = arith.constant 0 : i32
      %dma_wait3A_158 = arith.constant 0 : i32
      %dma_wait3A_159 = tpu.memref_slice %arg2[%dma_wait3A_157, %dma_wait3A_158] : memref<10000x128xf32, #tpu.memory_space<hbm>> -> memref<10000x128xf32, #tpu.memory_space<hbm>>
      tpu.wait_indirect_dma semaphore(%arg8 : memref<!tpu.dma_semaphore, #tpu.memory_space<semaphore_mem>>) src(%dma_wait3A_159 : memref<10000x128xf32, #tpu.memory_space<hbm>>) dst(%dma_wait3A_153 : memref<128x128xf32, #tpu.memory_space<vmem>>)
      %add3A_160 = arith.addi %add3A, %add3A_150 : i32
      %mul3A_161 = arith.constant 128 : i32
      %mul3A_162 = arith.muli %add3A_160, %mul3A_161 : i32
      %dma_start3A_163 = arith.constant 128 : i32
      %dma_start3A_164 = arith.constant 0 : i32
      %dma_start3A_165 = tpu.memref_slice %arg6[%dma_start3A_163, %dma_start3A_164] : memref<640x128xf32, #tpu.memory_space<vmem>> -> memref<128x128xf32, #tpu.memory_space<vmem>>
      %dma_start3A_166 = arith.constant 0 : i32
      %dma_start3A_167 = tpu.memref_slice %arg4[%mul3A_162, %dma_start3A_166] : memref<655360x128xf32, #tpu.memory_space<hbm>> -> memref<128x128xf32, #tpu.memory_space<hbm>>
      %dma_start3A_168 = arith.constant 0 : i32
      %dma_start3A_169 = tpu.memref_slice %arg4[%mul3A_162, %dma_start3A_168] : memref<655360x128xf32, #tpu.memory_space<hbm>> -> memref<128x128xf32, #tpu.memory_space<hbm>>
      %dma_start3A_170 = arith.constant 128 : i32
      %dma_start3A_171 = arith.constant 0 : i32
      %dma_start3A_172 = tpu.memref_slice %arg6[%dma_start3A_170, %dma_start3A_171] : memref<640x128xf32, #tpu.memory_space<vmem>> -> memref<128x128xf32, #tpu.memory_space<vmem>>
      tpu.enqueue_dma source(%dma_start3A_172 : memref<128x128xf32, #tpu.memory_space<vmem>>) target(%dma_start3A_169 : memref<128x128xf32, #tpu.memory_space<hbm>>) target_semaphore(%arg13 : memref<!tpu.dma_semaphore, #tpu.memory_space<semaphore_mem>>)
      %ge3A_173 = arith.constant 3 : i32
      %ge3A_174 = arith.cmpi sge, %add3A_150, %ge3A_173 : i32
      %add3A_175 = arith.constant 2 : i32
      %add3A_176 = arith.addi %add3A_150, %add3A_175 : i32
      %lt3A_177 = arith.cmpi slt, %add3A_176, %select_n3A : i32
      %and3A_178 = arith.andi %ge3A_174, %lt3A_177 : i1
      %convert_element_type3A_179 = arith.extui %and3A_178 : i1 to i32
      %cond3A_180 = arith.constant 0 : i32
      %cond3A_181 = arith.cmpi ne, %convert_element_type3A_179, %cond3A_180 : i32
      scf.if %cond3A_181 {
        %dma_wait3A_311 = arith.constant 384 : i32
        %dma_wait3A_312 = arith.constant 0 : i32
        %dma_wait3A_313 = tpu.memref_slice %arg6[%dma_wait3A_311, %dma_wait3A_312] : memref<640x128xf32, #tpu.memory_space<vmem>> -> memref<128x128xf32, #tpu.memory_space<vmem>>
        %dma_wait3A_314 = arith.constant 0 : i32
        %dma_wait3A_315 = arith.constant 0 : i32
        %dma_wait3A_316 = tpu.memref_slice %arg4[%dma_wait3A_314, %dma_wait3A_315] : memref<655360x128xf32, #tpu.memory_space<hbm>> -> memref<128x128xf32, #tpu.memory_space<hbm>>
        %dma_wait3A_317 = arith.constant 0 : i32
        %dma_wait3A_318 = arith.constant 0 : i32
        %dma_wait3A_319 = tpu.memref_slice %arg4[%dma_wait3A_317, %dma_wait3A_318] : memref<655360x128xf32, #tpu.memory_space<hbm>> -> memref<128x128xf32, #tpu.memory_space<hbm>>
        %dma_wait3A_320 = arith.constant 384 : i32
        %dma_wait3A_321 = arith.constant 0 : i32
        %dma_wait3A_322 = tpu.memref_slice %arg6[%dma_wait3A_320, %dma_wait3A_321] : memref<640x128xf32, #tpu.memory_space<vmem>> -> memref<128x128xf32, #tpu.memory_space<vmem>>
        tpu.wait_dma2 semaphore(%arg15 : memref<!tpu.dma_semaphore, #tpu.memory_space<semaphore_mem>>) src(%dma_wait3A_322 : memref<128x128xf32, #tpu.memory_space<vmem>>) dst(%dma_wait3A_319 : memref<128x128xf32, #tpu.memory_space<hbm>>)
      } else {
      }
      %add3A_182 = arith.constant 2 : i32
      %add3A_183 = arith.addi %add3A_150, %add3A_182 : i32
      %lt3A_184 = arith.cmpi slt, %add3A_183, %select_n3A : i32
      %convert_element_type3A_185 = arith.extui %lt3A_184 : i1 to i32
      %cond3A_186 = arith.constant 0 : i32
      %cond3A_187 = arith.cmpi ne, %convert_element_type3A_185, %cond3A_186 : i32
      scf.if %cond3A_187 {
        %add3A_311 = arith.constant 2 : i32
        %add3A_312 = arith.addi %add3A_150, %add3A_311 : i32
        %dma_start3A_313 = arith.constant 384 : i32
        %dma_start3A_314 = arith.constant 0 : i32
        %dma_start3A_315 = tpu.memref_slice %arg6[%dma_start3A_313, %dma_start3A_314] : memref<640x128xf32, #tpu.memory_space<vmem>> -> memref<128x128xf32, #tpu.memory_space<vmem>>
        %dma_start3A_316 = arith.constant 0 : i32
        %dma_start3A_317 = tpu.memref_slice %arg5[%add3A_312, %dma_start3A_316] : memref<240x128xi32, #tpu.memory_space<vmem>> -> memref<1x128xi32, #tpu.memory_space<vmem>>
        %dma_start3A_318 = tpu.memref_squeeze %dma_start3A_317 : memref<1x128xi32, #tpu.memory_space<vmem>> -> memref<128xi32, #tpu.memory_space<vmem>>
        %dma_start3A_319 = arith.constant 0 : i32
        %dma_start3A_320 = arith.constant 0 : i32
        %dma_start3A_321 = tpu.memref_slice %arg2[%dma_start3A_319, %dma_start3A_320] : memref<10000x128xf32, #tpu.memory_space<hbm>> -> memref<10000x128xf32, #tpu.memory_space<hbm>>
        tpu.enqueue_indirect_dma source(%dma_start3A_321 : memref<10000x128xf32, #tpu.memory_space<hbm>>) target(%dma_start3A_315 : memref<128x128xf32, #tpu.memory_space<vmem>>) offsets(%dma_start3A_318 : memref<128xi32, #tpu.memory_space<vmem>>) semaphore(%arg10 : memref<!tpu.dma_semaphore, #tpu.memory_space<semaphore_mem>>)
      } else {
      }
      %mul3A_188 = arith.constant 5 : i32
      %mul3A_189 = arith.muli %while3A_109, %mul3A_188 : i32
      %add3A_190 = arith.constant 2 : i32
      %add3A_191 = arith.addi %mul3A_189, %add3A_190 : i32
      %dma_wait3A_192 = arith.constant 256 : i32
      %dma_wait3A_193 = arith.constant 0 : i32
      %dma_wait3A_194 = tpu.memref_slice %arg6[%dma_wait3A_192, %dma_wait3A_193] : memref<640x128xf32, #tpu.memory_space<vmem>> -> memref<128x128xf32, #tpu.memory_space<vmem>>
      %dma_wait3A_195 = arith.constant 0 : i32
      %dma_wait3A_196 = tpu.memref_slice %arg5[%add3A_191, %dma_wait3A_195] : memref<240x128xi32, #tpu.memory_space<vmem>> -> memref<1x128xi32, #tpu.memory_space<vmem>>
      %dma_wait3A_197 = tpu.memref_squeeze %dma_wait3A_196 : memref<1x128xi32, #tpu.memory_space<vmem>> -> memref<128xi32, #tpu.memory_space<vmem>>
      %dma_wait3A_198 = arith.constant 0 : i32
      %dma_wait3A_199 = arith.constant 0 : i32
      %dma_wait3A_200 = tpu.memref_slice %arg2[%dma_wait3A_198, %dma_wait3A_199] : memref<10000x128xf32, #tpu.memory_space<hbm>> -> memref<10000x128xf32, #tpu.memory_space<hbm>>
      tpu.wait_indirect_dma semaphore(%arg9 : memref<!tpu.dma_semaphore, #tpu.memory_space<semaphore_mem>>) src(%dma_wait3A_200 : memref<10000x128xf32, #tpu.memory_space<hbm>>) dst(%dma_wait3A_194 : memref<128x128xf32, #tpu.memory_space<vmem>>)
      %add3A_201 = arith.addi %add3A, %add3A_191 : i32
      %mul3A_202 = arith.constant 128 : i32
      %mul3A_203 = arith.muli %add3A_201, %mul3A_202 : i32
      %dma_start3A_204 = arith.constant 256 : i32
      %dma_start3A_205 = arith.constant 0 : i32
      %dma_start3A_206 = tpu.memref_slice %arg6[%dma_start3A_204, %dma_start3A_205] : memref<640x128xf32, #tpu.memory_space<vmem>> -> memref<128x128xf32, #tpu.memory_space<vmem>>
      %dma_start3A_207 = arith.constant 0 : i32
      %dma_start3A_208 = tpu.memref_slice %arg4[%mul3A_203, %dma_start3A_207] : memref<655360x128xf32, #tpu.memory_space<hbm>> -> memref<128x128xf32, #tpu.memory_space<hbm>>
      %dma_start3A_209 = arith.constant 0 : i32
      %dma_start3A_210 = tpu.memref_slice %arg4[%mul3A_203, %dma_start3A_209] : memref<655360x128xf32, #tpu.memory_space<hbm>> -> memref<128x128xf32, #tpu.memory_space<hbm>>
      %dma_start3A_211 = arith.constant 256 : i32
      %dma_start3A_212 = arith.constant 0 : i32
      %dma_start3A_213 = tpu.memref_slice %arg6[%dma_start3A_211, %dma_start3A_212] : memref<640x128xf32, #tpu.memory_space<vmem>> -> memref<128x128xf32, #tpu.memory_space<vmem>>
      tpu.enqueue_dma source(%dma_start3A_213 : memref<128x128xf32, #tpu.memory_space<vmem>>) target(%dma_start3A_210 : memref<128x128xf32, #tpu.memory_space<hbm>>) target_semaphore(%arg14 : memref<!tpu.dma_semaphore, #tpu.memory_space<semaphore_mem>>)
      %ge3A_214 = arith.constant 3 : i32
      %ge3A_215 = arith.cmpi sge, %add3A_191, %ge3A_214 : i32
      %add3A_216 = arith.constant 2 : i32
      %add3A_217 = arith.addi %add3A_191, %add3A_216 : i32
      %lt3A_218 = arith.cmpi slt, %add3A_217, %select_n3A : i32
      %and3A_219 = arith.andi %ge3A_215, %lt3A_218 : i1
      %convert_element_type3A_220 = arith.extui %and3A_219 : i1 to i32
      %cond3A_221 = arith.constant 0 : i32
      %cond3A_222 = arith.cmpi ne, %convert_element_type3A_220, %cond3A_221 : i32
      scf.if %cond3A_222 {
        %dma_wait3A_311 = arith.constant 512 : i32
        %dma_wait3A_312 = arith.constant 0 : i32
        %dma_wait3A_313 = tpu.memref_slice %arg6[%dma_wait3A_311, %dma_wait3A_312] : memref<640x128xf32, #tpu.memory_space<vmem>> -> memref<128x128xf32, #tpu.memory_space<vmem>>
        %dma_wait3A_314 = arith.constant 0 : i32
        %dma_wait3A_315 = arith.constant 0 : i32
        %dma_wait3A_316 = tpu.memref_slice %arg4[%dma_wait3A_314, %dma_wait3A_315] : memref<655360x128xf32, #tpu.memory_space<hbm>> -> memref<128x128xf32, #tpu.memory_space<hbm>>
        %dma_wait3A_317 = arith.constant 0 : i32
        %dma_wait3A_318 = arith.constant 0 : i32
        %dma_wait3A_319 = tpu.memref_slice %arg4[%dma_wait3A_317, %dma_wait3A_318] : memref<655360x128xf32, #tpu.memory_space<hbm>> -> memref<128x128xf32, #tpu.memory_space<hbm>>
        %dma_wait3A_320 = arith.constant 512 : i32
        %dma_wait3A_321 = arith.constant 0 : i32
        %dma_wait3A_322 = tpu.memref_slice %arg6[%dma_wait3A_320, %dma_wait3A_321] : memref<640x128xf32, #tpu.memory_space<vmem>> -> memref<128x128xf32, #tpu.memory_space<vmem>>
        tpu.wait_dma2 semaphore(%arg16 : memref<!tpu.dma_semaphore, #tpu.memory_space<semaphore_mem>>) src(%dma_wait3A_322 : memref<128x128xf32, #tpu.memory_space<vmem>>) dst(%dma_wait3A_319 : memref<128x128xf32, #tpu.memory_space<hbm>>)
      } else {
      }
      %add3A_223 = arith.constant 2 : i32
      %add3A_224 = arith.addi %add3A_191, %add3A_223 : i32
      %lt3A_225 = arith.cmpi slt, %add3A_224, %select_n3A : i32
      %convert_element_type3A_226 = arith.extui %lt3A_225 : i1 to i32
      %cond3A_227 = arith.constant 0 : i32
      %cond3A_228 = arith.cmpi ne, %convert_element_type3A_226, %cond3A_227 : i32
      scf.if %cond3A_228 {
        %add3A_311 = arith.constant 2 : i32
        %add3A_312 = arith.addi %add3A_191, %add3A_311 : i32
        %dma_start3A_313 = arith.constant 512 : i32
        %dma_start3A_314 = arith.constant 0 : i32
        %dma_start3A_315 = tpu.memref_slice %arg6[%dma_start3A_313, %dma_start3A_314] : memref<640x128xf32, #tpu.memory_space<vmem>> -> memref<128x128xf32, #tpu.memory_space<vmem>>
        %dma_start3A_316 = arith.constant 0 : i32
        %dma_start3A_317 = tpu.memref_slice %arg5[%add3A_312, %dma_start3A_316] : memref<240x128xi32, #tpu.memory_space<vmem>> -> memref<1x128xi32, #tpu.memory_space<vmem>>
        %dma_start3A_318 = tpu.memref_squeeze %dma_start3A_317 : memref<1x128xi32, #tpu.memory_space<vmem>> -> memref<128xi32, #tpu.memory_space<vmem>>
        %dma_start3A_319 = arith.constant 0 : i32
        %dma_start3A_320 = arith.constant 0 : i32
        %dma_start3A_321 = tpu.memref_slice %arg2[%dma_start3A_319, %dma_start3A_320] : memref<10000x128xf32, #tpu.memory_space<hbm>> -> memref<10000x128xf32, #tpu.memory_space<hbm>>
        tpu.enqueue_indirect_dma source(%dma_start3A_321 : memref<10000x128xf32, #tpu.memory_space<hbm>>) target(%dma_start3A_315 : memref<128x128xf32, #tpu.memory_space<vmem>>) offsets(%dma_start3A_318 : memref<128xi32, #tpu.memory_space<vmem>>) semaphore(%arg11 : memref<!tpu.dma_semaphore, #tpu.memory_space<semaphore_mem>>)
      } else {
      }
      %mul3A_229 = arith.constant 5 : i32
      %mul3A_230 = arith.muli %while3A_109, %mul3A_229 : i32
      %add3A_231 = arith.constant 3 : i32
      %add3A_232 = arith.addi %mul3A_230, %add3A_231 : i32
      %dma_wait3A_233 = arith.constant 384 : i32
      %dma_wait3A_234 = arith.constant 0 : i32
      %dma_wait3A_235 = tpu.memref_slice %arg6[%dma_wait3A_233, %dma_wait3A_234] : memref<640x128xf32, #tpu.memory_space<vmem>> -> memref<128x128xf32, #tpu.memory_space<vmem>>
      %dma_wait3A_236 = arith.constant 0 : i32
      %dma_wait3A_237 = tpu.memref_slice %arg5[%add3A_232, %dma_wait3A_236] : memref<240x128xi32, #tpu.memory_space<vmem>> -> memref<1x128xi32, #tpu.memory_space<vmem>>
      %dma_wait3A_238 = tpu.memref_squeeze %dma_wait3A_237 : memref<1x128xi32, #tpu.memory_space<vmem>> -> memref<128xi32, #tpu.memory_space<vmem>>
      %dma_wait3A_239 = arith.constant 0 : i32
      %dma_wait3A_240 = arith.constant 0 : i32
      %dma_wait3A_241 = tpu.memref_slice %arg2[%dma_wait3A_239, %dma_wait3A_240] : memref<10000x128xf32, #tpu.memory_space<hbm>> -> memref<10000x128xf32, #tpu.memory_space<hbm>>
      tpu.wait_indirect_dma semaphore(%arg10 : memref<!tpu.dma_semaphore, #tpu.memory_space<semaphore_mem>>) src(%dma_wait3A_241 : memref<10000x128xf32, #tpu.memory_space<hbm>>) dst(%dma_wait3A_235 : memref<128x128xf32, #tpu.memory_space<vmem>>)
      %add3A_242 = arith.addi %add3A, %add3A_232 : i32
      %mul3A_243 = arith.constant 128 : i32
      %mul3A_244 = arith.muli %add3A_242, %mul3A_243 : i32
      %dma_start3A_245 = arith.constant 384 : i32
      %dma_start3A_246 = arith.constant 0 : i32
      %dma_start3A_247 = tpu.memref_slice %arg6[%dma_start3A_245, %dma_start3A_246] : memref<640x128xf32, #tpu.memory_space<vmem>> -> memref<128x128xf32, #tpu.memory_space<vmem>>
      %dma_start3A_248 = arith.constant 0 : i32
      %dma_start3A_249 = tpu.memref_slice %arg4[%mul3A_244, %dma_start3A_248] : memref<655360x128xf32, #tpu.memory_space<hbm>> -> memref<128x128xf32, #tpu.memory_space<hbm>>
      %dma_start3A_250 = arith.constant 0 : i32
      %dma_start3A_251 = tpu.memref_slice %arg4[%mul3A_244, %dma_start3A_250] : memref<655360x128xf32, #tpu.memory_space<hbm>> -> memref<128x128xf32, #tpu.memory_space<hbm>>
      %dma_start3A_252 = arith.constant 384 : i32
      %dma_start3A_253 = arith.constant 0 : i32
      %dma_start3A_254 = tpu.memref_slice %arg6[%dma_start3A_252, %dma_start3A_253] : memref<640x128xf32, #tpu.memory_space<vmem>> -> memref<128x128xf32, #tpu.memory_space<vmem>>
      tpu.enqueue_dma source(%dma_start3A_254 : memref<128x128xf32, #tpu.memory_space<vmem>>) target(%dma_start3A_251 : memref<128x128xf32, #tpu.memory_space<hbm>>) target_semaphore(%arg15 : memref<!tpu.dma_semaphore, #tpu.memory_space<semaphore_mem>>)
      %ge3A_255 = arith.constant 3 : i32
      %ge3A_256 = arith.cmpi sge, %add3A_232, %ge3A_255 : i32
      %add3A_257 = arith.constant 2 : i32
      %add3A_258 = arith.addi %add3A_232, %add3A_257 : i32
      %lt3A_259 = arith.cmpi slt, %add3A_258, %select_n3A : i32
      %and3A_260 = arith.andi %ge3A_256, %lt3A_259 : i1
      %convert_element_type3A_261 = arith.extui %and3A_260 : i1 to i32
      %cond3A_262 = arith.constant 0 : i32
      %cond3A_263 = arith.cmpi ne, %convert_element_type3A_261, %cond3A_262 : i32
      scf.if %cond3A_263 {
        %dma_wait3A_311 = arith.constant 0 : i32
        %dma_wait3A_312 = arith.constant 0 : i32
        %dma_wait3A_313 = tpu.memref_slice %arg6[%dma_wait3A_311, %dma_wait3A_312] : memref<640x128xf32, #tpu.memory_space<vmem>> -> memref<128x128xf32, #tpu.memory_space<vmem>>
        %dma_wait3A_314 = arith.constant 0 : i32
        %dma_wait3A_315 = arith.constant 0 : i32
        %dma_wait3A_316 = tpu.memref_slice %arg4[%dma_wait3A_314, %dma_wait3A_315] : memref<655360x128xf32, #tpu.memory_space<hbm>> -> memref<128x128xf32, #tpu.memory_space<hbm>>
        %dma_wait3A_317 = arith.constant 0 : i32
        %dma_wait3A_318 = arith.constant 0 : i32
        %dma_wait3A_319 = tpu.memref_slice %arg4[%dma_wait3A_317, %dma_wait3A_318] : memref<655360x128xf32, #tpu.memory_space<hbm>> -> memref<128x128xf32, #tpu.memory_space<hbm>>
        %dma_wait3A_320 = arith.constant 0 : i32
        %dma_wait3A_321 = arith.constant 0 : i32
        %dma_wait3A_322 = tpu.memref_slice %arg6[%dma_wait3A_320, %dma_wait3A_321] : memref<640x128xf32, #tpu.memory_space<vmem>> -> memref<128x128xf32, #tpu.memory_space<vmem>>
        tpu.wait_dma2 semaphore(%arg12 : memref<!tpu.dma_semaphore, #tpu.memory_space<semaphore_mem>>) src(%dma_wait3A_322 : memref<128x128xf32, #tpu.memory_space<vmem>>) dst(%dma_wait3A_319 : memref<128x128xf32, #tpu.memory_space<hbm>>)
      } else {
      }
      %add3A_264 = arith.constant 2 : i32
      %add3A_265 = arith.addi %add3A_232, %add3A_264 : i32
      %lt3A_266 = arith.cmpi slt, %add3A_265, %select_n3A : i32
      %convert_element_type3A_267 = arith.extui %lt3A_266 : i1 to i32
      %cond3A_268 = arith.constant 0 : i32
      %cond3A_269 = arith.cmpi ne, %convert_element_type3A_267, %cond3A_268 : i32
      scf.if %cond3A_269 {
        %add3A_311 = arith.constant 2 : i32
        %add3A_312 = arith.addi %add3A_232, %add3A_311 : i32
        %dma_start3A_313 = arith.constant 0 : i32
        %dma_start3A_314 = arith.constant 0 : i32
        %dma_start3A_315 = tpu.memref_slice %arg6[%dma_start3A_313, %dma_start3A_314] : memref<640x128xf32, #tpu.memory_space<vmem>> -> memref<128x128xf32, #tpu.memory_space<vmem>>
        %dma_start3A_316 = arith.constant 0 : i32
        %dma_start3A_317 = tpu.memref_slice %arg5[%add3A_312, %dma_start3A_316] : memref<240x128xi32, #tpu.memory_space<vmem>> -> memref<1x128xi32, #tpu.memory_space<vmem>>
        %dma_start3A_318 = tpu.memref_squeeze %dma_start3A_317 : memref<1x128xi32, #tpu.memory_space<vmem>> -> memref<128xi32, #tpu.memory_space<vmem>>
        %dma_start3A_319 = arith.constant 0 : i32
        %dma_start3A_320 = arith.constant 0 : i32
        %dma_start3A_321 = tpu.memref_slice %arg2[%dma_start3A_319, %dma_start3A_320] : memref<10000x128xf32, #tpu.memory_space<hbm>> -> memref<10000x128xf32, #tpu.memory_space<hbm>>
        tpu.enqueue_indirect_dma source(%dma_start3A_321 : memref<10000x128xf32, #tpu.memory_space<hbm>>) target(%dma_start3A_315 : memref<128x128xf32, #tpu.memory_space<vmem>>) offsets(%dma_start3A_318 : memref<128xi32, #tpu.memory_space<vmem>>) semaphore(%arg7 : memref<!tpu.dma_semaphore, #tpu.memory_space<semaphore_mem>>)
      } else {
      }
      %mul3A_270 = arith.constant 5 : i32
      %mul3A_271 = arith.muli %while3A_109, %mul3A_270 : i32
      %add3A_272 = arith.constant 4 : i32
      %add3A_273 = arith.addi %mul3A_271, %add3A_272 : i32
      %dma_wait3A_274 = arith.constant 512 : i32
      %dma_wait3A_275 = arith.constant 0 : i32
      %dma_wait3A_276 = tpu.memref_slice %arg6[%dma_wait3A_274, %dma_wait3A_275] : memref<640x128xf32, #tpu.memory_space<vmem>> -> memref<128x128xf32, #tpu.memory_space<vmem>>
      %dma_wait3A_277 = arith.constant 0 : i32
      %dma_wait3A_278 = tpu.memref_slice %arg5[%add3A_273, %dma_wait3A_277] : memref<240x128xi32, #tpu.memory_space<vmem>> -> memref<1x128xi32, #tpu.memory_space<vmem>>
      %dma_wait3A_279 = tpu.memref_squeeze %dma_wait3A_278 : memref<1x128xi32, #tpu.memory_space<vmem>> -> memref<128xi32, #tpu.memory_space<vmem>>
      %dma_wait3A_280 = arith.constant 0 : i32
      %dma_wait3A_281 = arith.constant 0 : i32
      %dma_wait3A_282 = tpu.memref_slice %arg2[%dma_wait3A_280, %dma_wait3A_281] : memref<10000x128xf32, #tpu.memory_space<hbm>> -> memref<10000x128xf32, #tpu.memory_space<hbm>>
      tpu.wait_indirect_dma semaphore(%arg11 : memref<!tpu.dma_semaphore, #tpu.memory_space<semaphore_mem>>) src(%dma_wait3A_282 : memref<10000x128xf32, #tpu.memory_space<hbm>>) dst(%dma_wait3A_276 : memref<128x128xf32, #tpu.memory_space<vmem>>)
      %add3A_283 = arith.addi %add3A, %add3A_273 : i32
      %mul3A_284 = arith.constant 128 : i32
      %mul3A_285 = arith.muli %add3A_283, %mul3A_284 : i32
      %dma_start3A_286 = arith.constant 512 : i32
      %dma_start3A_287 = arith.constant 0 : i32
      %dma_start3A_288 = tpu.memref_slice %arg6[%dma_start3A_286, %dma_start3A_287] : memref<640x128xf32, #tpu.memory_space<vmem>> -> memref<128x128xf32, #tpu.memory_space<vmem>>
      %dma_start3A_289 = arith.constant 0 : i32
      %dma_start3A_290 = tpu.memref_slice %arg4[%mul3A_285, %dma_start3A_289] : memref<655360x128xf32, #tpu.memory_space<hbm>> -> memref<128x128xf32, #tpu.memory_space<hbm>>
      %dma_start3A_291 = arith.constant 0 : i32
      %dma_start3A_292 = tpu.memref_slice %arg4[%mul3A_285, %dma_start3A_291] : memref<655360x128xf32, #tpu.memory_space<hbm>> -> memref<128x128xf32, #tpu.memory_space<hbm>>
      %dma_start3A_293 = arith.constant 512 : i32
      %dma_start3A_294 = arith.constant 0 : i32
      %dma_start3A_295 = tpu.memref_slice %arg6[%dma_start3A_293, %dma_start3A_294] : memref<640x128xf32, #tpu.memory_space<vmem>> -> memref<128x128xf32, #tpu.memory_space<vmem>>
      tpu.enqueue_dma source(%dma_start3A_295 : memref<128x128xf32, #tpu.memory_space<vmem>>) target(%dma_start3A_292 : memref<128x128xf32, #tpu.memory_space<hbm>>) target_semaphore(%arg16 : memref<!tpu.dma_semaphore, #tpu.memory_space<semaphore_mem>>)
      %ge3A_296 = arith.constant 3 : i32
      %ge3A_297 = arith.cmpi sge, %add3A_273, %ge3A_296 : i32
      %add3A_298 = arith.constant 2 : i32
      %add3A_299 = arith.addi %add3A_273, %add3A_298 : i32
      %lt3A_300 = arith.cmpi slt, %add3A_299, %select_n3A : i32
      %and3A_301 = arith.andi %ge3A_297, %lt3A_300 : i1
      %convert_element_type3A_302 = arith.extui %and3A_301 : i1 to i32
      %cond3A_303 = arith.constant 0 : i32
      %cond3A_304 = arith.cmpi ne, %convert_element_type3A_302, %cond3A_303 : i32
      scf.if %cond3A_304 {
        %dma_wait3A_311 = arith.constant 128 : i32
        %dma_wait3A_312 = arith.constant 0 : i32
        %dma_wait3A_313 = tpu.memref_slice %arg6[%dma_wait3A_311, %dma_wait3A_312] : memref<640x128xf32, #tpu.memory_space<vmem>> -> memref<128x128xf32, #tpu.memory_space<vmem>>
        %dma_wait3A_314 = arith.constant 0 : i32
        %dma_wait3A_315 = arith.constant 0 : i32
        %dma_wait3A_316 = tpu.memref_slice %arg4[%dma_wait3A_314, %dma_wait3A_315] : memref<655360x128xf32, #tpu.memory_space<hbm>> -> memref<128x128xf32, #tpu.memory_space<hbm>>
        %dma_wait3A_317 = arith.constant 0 : i32
        %dma_wait3A_318 = arith.constant 0 : i32
        %dma_wait3A_319 = tpu.memref_slice %arg4[%dma_wait3A_317, %dma_wait3A_318] : memref<655360x128xf32, #tpu.memory_space<hbm>> -> memref<128x128xf32, #tpu.memory_space<hbm>>
        %dma_wait3A_320 = arith.constant 128 : i32
        %dma_wait3A_321 = arith.constant 0 : i32
        %dma_wait3A_322 = tpu.memref_slice %arg6[%dma_wait3A_320, %dma_wait3A_321] : memref<640x128xf32, #tpu.memory_space<vmem>> -> memref<128x128xf32, #tpu.memory_space<vmem>>
        tpu.wait_dma2 semaphore(%arg13 : memref<!tpu.dma_semaphore, #tpu.memory_space<semaphore_mem>>) src(%dma_wait3A_322 : memref<128x128xf32, #tpu.memory_space<vmem>>) dst(%dma_wait3A_319 : memref<128x128xf32, #tpu.memory_space<hbm>>)
      } else {
      }
      %add3A_305 = arith.constant 2 : i32
      %add3A_306 = arith.addi %add3A_273, %add3A_305 : i32
      %lt3A_307 = arith.cmpi slt, %add3A_306, %select_n3A : i32
      %convert_element_type3A_308 = arith.extui %lt3A_307 : i1 to i32
      %cond3A_309 = arith.constant 0 : i32
      %cond3A_310 = arith.cmpi ne, %convert_element_type3A_308, %cond3A_309 : i32
      scf.if %cond3A_310 {
        %add3A_311 = arith.constant 2 : i32
        %add3A_312 = arith.addi %add3A_273, %add3A_311 : i32
        %dma_start3A_313 = arith.constant 128 : i32
        %dma_start3A_314 = arith.constant 0 : i32
        %dma_start3A_315 = tpu.memref_slice %arg6[%dma_start3A_313, %dma_start3A_314] : memref<640x128xf32, #tpu.memory_space<vmem>> -> memref<128x128xf32, #tpu.memory_space<vmem>>
        %dma_start3A_316 = arith.constant 0 : i32
        %dma_start3A_317 = tpu.memref_slice %arg5[%add3A_312, %dma_start3A_316] : memref<240x128xi32, #tpu.memory_space<vmem>> -> memref<1x128xi32, #tpu.memory_space<vmem>>
        %dma_start3A_318 = tpu.memref_squeeze %dma_start3A_317 : memref<1x128xi32, #tpu.memory_space<vmem>> -> memref<128xi32, #tpu.memory_space<vmem>>
        %dma_start3A_319 = arith.constant 0 : i32
        %dma_start3A_320 = arith.constant 0 : i32
        %dma_start3A_321 = tpu.memref_slice %arg2[%dma_start3A_319, %dma_start3A_320] : memref<10000x128xf32, #tpu.memory_space<hbm>> -> memref<10000x128xf32, #tpu.memory_space<hbm>>
        tpu.enqueue_indirect_dma source(%dma_start3A_321 : memref<10000x128xf32, #tpu.memory_space<hbm>>) target(%dma_start3A_315 : memref<128x128xf32, #tpu.memory_space<vmem>>) offsets(%dma_start3A_318 : memref<128xi32, #tpu.memory_space<vmem>>) semaphore(%arg8 : memref<!tpu.dma_semaphore, #tpu.memory_space<semaphore_mem>>)
      } else {
      }
    }
    %dma_wait3A = arith.constant 0 : i32
    %dma_wait3A_50 = arith.constant 0 : i32
    %dma_wait3A_51 = tpu.memref_slice %arg6[%dma_wait3A, %dma_wait3A_50] : memref<640x128xf32, #tpu.memory_space<vmem>> -> memref<128x128xf32, #tpu.memory_space<vmem>>
    %dma_wait3A_52 = arith.constant 0 : i32
    %dma_wait3A_53 = arith.constant 0 : i32
    %dma_wait3A_54 = tpu.memref_slice %arg4[%dma_wait3A_52, %dma_wait3A_53] : memref<655360x128xf32, #tpu.memory_space<hbm>> -> memref<128x128xf32, #tpu.memory_space<hbm>>
    %dma_wait3A_55 = arith.constant 0 : i32
    %dma_wait3A_56 = arith.constant 0 : i32
    %dma_wait3A_57 = tpu.memref_slice %arg4[%dma_wait3A_55, %dma_wait3A_56] : memref<655360x128xf32, #tpu.memory_space<hbm>> -> memref<128x128xf32, #tpu.memory_space<hbm>>
    %dma_wait3A_58 = arith.constant 0 : i32
    %dma_wait3A_59 = arith.constant 0 : i32
    %dma_wait3A_60 = tpu.memref_slice %arg6[%dma_wait3A_58, %dma_wait3A_59] : memref<640x128xf32, #tpu.memory_space<vmem>> -> memref<128x128xf32, #tpu.memory_space<vmem>>
    tpu.wait_dma2 semaphore(%arg12 : memref<!tpu.dma_semaphore, #tpu.memory_space<semaphore_mem>>) src(%dma_wait3A_60 : memref<128x128xf32, #tpu.memory_space<vmem>>) dst(%dma_wait3A_57 : memref<128x128xf32, #tpu.memory_space<hbm>>)
    %dma_wait3A_61 = arith.constant 128 : i32
    %dma_wait3A_62 = arith.constant 0 : i32
    %dma_wait3A_63 = tpu.memref_slice %arg6[%dma_wait3A_61, %dma_wait3A_62] : memref<640x128xf32, #tpu.memory_space<vmem>> -> memref<128x128xf32, #tpu.memory_space<vmem>>
    %dma_wait3A_64 = arith.constant 0 : i32
    %dma_wait3A_65 = arith.constant 0 : i32
    %dma_wait3A_66 = tpu.memref_slice %arg4[%dma_wait3A_64, %dma_wait3A_65] : memref<655360x128xf32, #tpu.memory_space<hbm>> -> memref<128x128xf32, #tpu.memory_space<hbm>>
    %dma_wait3A_67 = arith.constant 0 : i32
    %dma_wait3A_68 = arith.constant 0 : i32
    %dma_wait3A_69 = tpu.memref_slice %arg4[%dma_wait3A_67, %dma_wait3A_68] : memref<655360x128xf32, #tpu.memory_space<hbm>> -> memref<128x128xf32, #tpu.memory_space<hbm>>
    %dma_wait3A_70 = arith.constant 128 : i32
    %dma_wait3A_71 = arith.constant 0 : i32
    %dma_wait3A_72 = tpu.memref_slice %arg6[%dma_wait3A_70, %dma_wait3A_71] : memref<640x128xf32, #tpu.memory_space<vmem>> -> memref<128x128xf32, #tpu.memory_space<vmem>>
    tpu.wait_dma2 semaphore(%arg13 : memref<!tpu.dma_semaphore, #tpu.memory_space<semaphore_mem>>) src(%dma_wait3A_72 : memref<128x128xf32, #tpu.memory_space<vmem>>) dst(%dma_wait3A_69 : memref<128x128xf32, #tpu.memory_space<hbm>>)
    %dma_wait3A_73 = arith.constant 256 : i32
    %dma_wait3A_74 = arith.constant 0 : i32
    %dma_wait3A_75 = tpu.memref_slice %arg6[%dma_wait3A_73, %dma_wait3A_74] : memref<640x128xf32, #tpu.memory_space<vmem>> -> memref<128x128xf32, #tpu.memory_space<vmem>>
    %dma_wait3A_76 = arith.constant 0 : i32
    %dma_wait3A_77 = arith.constant 0 : i32
    %dma_wait3A_78 = tpu.memref_slice %arg4[%dma_wait3A_76, %dma_wait3A_77] : memref<655360x128xf32, #tpu.memory_space<hbm>> -> memref<128x128xf32, #tpu.memory_space<hbm>>
    %dma_wait3A_79 = arith.constant 0 : i32
    %dma_wait3A_80 = arith.constant 0 : i32
    %dma_wait3A_81 = tpu.memref_slice %arg4[%dma_wait3A_79, %dma_wait3A_80] : memref<655360x128xf32, #tpu.memory_space<hbm>> -> memref<128x128xf32, #tpu.memory_space<hbm>>
    %dma_wait3A_82 = arith.constant 256 : i32
    %dma_wait3A_83 = arith.constant 0 : i32
    %dma_wait3A_84 = tpu.memref_slice %arg6[%dma_wait3A_82, %dma_wait3A_83] : memref<640x128xf32, #tpu.memory_space<vmem>> -> memref<128x128xf32, #tpu.memory_space<vmem>>
    tpu.wait_dma2 semaphore(%arg14 : memref<!tpu.dma_semaphore, #tpu.memory_space<semaphore_mem>>) src(%dma_wait3A_84 : memref<128x128xf32, #tpu.memory_space<vmem>>) dst(%dma_wait3A_81 : memref<128x128xf32, #tpu.memory_space<hbm>>)
    %dma_wait3A_85 = arith.constant 384 : i32
    %dma_wait3A_86 = arith.constant 0 : i32
    %dma_wait3A_87 = tpu.memref_slice %arg6[%dma_wait3A_85, %dma_wait3A_86] : memref<640x128xf32, #tpu.memory_space<vmem>> -> memref<128x128xf32, #tpu.memory_space<vmem>>
    %dma_wait3A_88 = arith.constant 0 : i32
    %dma_wait3A_89 = arith.constant 0 : i32
    %dma_wait3A_90 = tpu.memref_slice %arg4[%dma_wait3A_88, %dma_wait3A_89] : memref<655360x128xf32, #tpu.memory_space<hbm>> -> memref<128x128xf32, #tpu.memory_space<hbm>>
    %dma_wait3A_91 = arith.constant 0 : i32
    %dma_wait3A_92 = arith.constant 0 : i32
    %dma_wait3A_93 = tpu.memref_slice %arg4[%dma_wait3A_91, %dma_wait3A_92] : memref<655360x128xf32, #tpu.memory_space<hbm>> -> memref<128x128xf32, #tpu.memory_space<hbm>>
    %dma_wait3A_94 = arith.constant 384 : i32
    %dma_wait3A_95 = arith.constant 0 : i32
    %dma_wait3A_96 = tpu.memref_slice %arg6[%dma_wait3A_94, %dma_wait3A_95] : memref<640x128xf32, #tpu.memory_space<vmem>> -> memref<128x128xf32, #tpu.memory_space<vmem>>
    tpu.wait_dma2 semaphore(%arg15 : memref<!tpu.dma_semaphore, #tpu.memory_space<semaphore_mem>>) src(%dma_wait3A_96 : memref<128x128xf32, #tpu.memory_space<vmem>>) dst(%dma_wait3A_93 : memref<128x128xf32, #tpu.memory_space<hbm>>)
    %dma_wait3A_97 = arith.constant 512 : i32
    %dma_wait3A_98 = arith.constant 0 : i32
    %dma_wait3A_99 = tpu.memref_slice %arg6[%dma_wait3A_97, %dma_wait3A_98] : memref<640x128xf32, #tpu.memory_space<vmem>> -> memref<128x128xf32, #tpu.memory_space<vmem>>
    %dma_wait3A_100 = arith.constant 0 : i32
    %dma_wait3A_101 = arith.constant 0 : i32
    %dma_wait3A_102 = tpu.memref_slice %arg4[%dma_wait3A_100, %dma_wait3A_101] : memref<655360x128xf32, #tpu.memory_space<hbm>> -> memref<128x128xf32, #tpu.memory_space<hbm>>
    %dma_wait3A_103 = arith.constant 0 : i32
    %dma_wait3A_104 = arith.constant 0 : i32
    %dma_wait3A_105 = tpu.memref_slice %arg4[%dma_wait3A_103, %dma_wait3A_104] : memref<655360x128xf32, #tpu.memory_space<hbm>> -> memref<128x128xf32, #tpu.memory_space<hbm>>
    %dma_wait3A_106 = arith.constant 512 : i32
    %dma_wait3A_107 = arith.constant 0 : i32
    %dma_wait3A_108 = tpu.memref_slice %arg6[%dma_wait3A_106, %dma_wait3A_107] : memref<640x128xf32, #tpu.memory_space<vmem>> -> memref<128x128xf32, #tpu.memory_space<vmem>>
    tpu.wait_dma2 semaphore(%arg16 : memref<!tpu.dma_semaphore, #tpu.memory_space<semaphore_mem>>) src(%dma_wait3A_108 : memref<128x128xf32, #tpu.memory_space<vmem>>) dst(%dma_wait3A_105 : memref<128x128xf32, #tpu.memory_space<hbm>>)
    return
  }
}

#map = affine_map<(d0, d1) -> (0, 0)>
module attributes {stable_mosaic.version = 14 : i64} {
  func.func @k(%arg0: i32, %arg1: i32, %arg2: memref<655360x128xf32, #tpu.memory_space<hbm>>, %arg3: memref<10240x128xi32, #tpu.memory_space<hbm>>, %arg4: memref<5248x128xf32, #tpu.memory_space<hbm>>, %arg5: memref<10240x128xf32, #tpu.memory_space<hbm>>, %arg6: memref<160x128xi32, #tpu.memory_space<vmem>>, %arg7: memref<512x128xf32, #tpu.memory_space<vmem>>, %arg8: memref<5248x128xf32, #tpu.memory_space<vmem_shared>>, %arg9: memref<!tpu.dma_semaphore, #tpu.memory_space<semaphore_mem>>, %arg10: memref<!tpu.dma_semaphore, #tpu.memory_space<semaphore_mem>>, %arg11: memref<!tpu.dma_semaphore, #tpu.memory_space<semaphore_mem>>, %arg12: memref<!tpu.dma_semaphore, #tpu.memory_space<semaphore_mem>>) attributes {dimension_semantics = [#tpu.dimension_semantics<core_parallel>, #tpu.dimension_semantics<subcore_parallel>], iteration_bounds = array<i64: 2, 16>, scalar_prefetch = 0 : i64, scratch_operands = 7 : i64, tpu.core_type = #tpu.core_type<sc_vector_subcore>, window_params = [{transform_indices = #map}, {transform_indices = #map}, {transform_indices = #map}, {transform_indices = #map}]} {
    %mul3A = arith.constant 328 : i32
    %mul3A_0 = arith.muli %arg1, %mul3A : i32
    %mul3A_1 = arith.constant 328 : i32
    %mul3A_2 = arith.muli %arg1, %mul3A_1 : i32
    "tpu.region"() ({
      %run_scoped3A = tpu.sem_alloc : memref<!tpu.dma_semaphore, #tpu.memory_space<semaphore_mem>>
      %dma_start3A_90 = arith.constant 0 : i32
      %dma_start3A_91 = tpu.memref_slice %arg8[%mul3A_2, %dma_start3A_90] : memref<5248x128xf32, #tpu.memory_space<vmem_shared>> -> memref<328x128xf32, #tpu.memory_space<vmem_shared>>
      %dma_start3A_92 = arith.constant 0 : i32
      %dma_start3A_93 = tpu.memref_slice %arg4[%mul3A_0, %dma_start3A_92] : memref<5248x128xf32, #tpu.memory_space<hbm>> -> memref<328x128xf32, #tpu.memory_space<hbm>>
      tpu.enqueue_dma source(%dma_start3A_93 : memref<328x128xf32, #tpu.memory_space<hbm>>) target(%dma_start3A_91 : memref<328x128xf32, #tpu.memory_space<vmem_shared>>) target_semaphore(%run_scoped3A : memref<!tpu.dma_semaphore, #tpu.memory_space<semaphore_mem>>)
      %dma_wait3A = arith.constant 0 : i32
      %dma_wait3A_94 = tpu.memref_slice %arg8[%mul3A_2, %dma_wait3A] : memref<5248x128xf32, #tpu.memory_space<vmem_shared>> -> memref<328x128xf32, #tpu.memory_space<vmem_shared>>
      %dma_wait3A_95 = arith.constant 0 : i32
      %dma_wait3A_96 = tpu.memref_slice %arg4[%mul3A_0, %dma_wait3A_95] : memref<5248x128xf32, #tpu.memory_space<hbm>> -> memref<328x128xf32, #tpu.memory_space<hbm>>
      tpu.wait_dma2 semaphore(%run_scoped3A : memref<!tpu.dma_semaphore, #tpu.memory_space<semaphore_mem>>) src(%dma_wait3A_96 : memref<328x128xf32, #tpu.memory_space<hbm>>) dst(%dma_wait3A_94 : memref<328x128xf32, #tpu.memory_space<vmem_shared>>)
      tpu.yield
    }) : () -> ()
    %barrier3A = arith.constant 0 : index
    tpu.barrier barrier_id(%barrier3A)
    %add3A = arith.constant 0 : i32
    %add3A_3 = arith.addi %add3A, %arg0 : i32
    %mul3A_4 = arith.constant 2560 : i32
    %mul3A_5 = arith.muli %add3A_3, %mul3A_4 : i32
    %mul3A_6 = arith.constant 160 : i32
    %mul3A_7 = arith.muli %arg1, %mul3A_6 : i32
    %add3A_8 = arith.addi %mul3A_5, %mul3A_7 : i32
    "tpu.region"() ({
      %run_scoped3A = tpu.sem_alloc : memref<!tpu.dma_semaphore, #tpu.memory_space<semaphore_mem>>
      %dma_start3A_90 = arith.constant 0 : i32
      %dma_start3A_91 = tpu.memref_slice %arg3[%add3A_8, %dma_start3A_90] : memref<10240x128xi32, #tpu.memory_space<hbm>> -> memref<160x128xi32, #tpu.memory_space<hbm>>
      %dma_start3A_92 = arith.constant 0 : i32
      %dma_start3A_93 = tpu.memref_slice %arg3[%add3A_8, %dma_start3A_92] : memref<10240x128xi32, #tpu.memory_space<hbm>> -> memref<160x128xi32, #tpu.memory_space<hbm>>
      tpu.enqueue_dma source(%dma_start3A_93 : memref<160x128xi32, #tpu.memory_space<hbm>>) target(%arg6 : memref<160x128xi32, #tpu.memory_space<vmem>>) target_semaphore(%run_scoped3A : memref<!tpu.dma_semaphore, #tpu.memory_space<semaphore_mem>>)
      %dma_wait3A = arith.constant 0 : i32
      %dma_wait3A_94 = tpu.memref_slice %arg3[%add3A_8, %dma_wait3A] : memref<10240x128xi32, #tpu.memory_space<hbm>> -> memref<160x128xi32, #tpu.memory_space<hbm>>
      %dma_wait3A_95 = arith.constant 0 : i32
      %dma_wait3A_96 = tpu.memref_slice %arg3[%add3A_8, %dma_wait3A_95] : memref<10240x128xi32, #tpu.memory_space<hbm>> -> memref<160x128xi32, #tpu.memory_space<hbm>>
      tpu.wait_dma2 semaphore(%run_scoped3A : memref<!tpu.dma_semaphore, #tpu.memory_space<semaphore_mem>>) src(%dma_wait3A_96 : memref<160x128xi32, #tpu.memory_space<hbm>>) dst(%arg6 : memref<160x128xi32, #tpu.memory_space<vmem>>)
      tpu.yield
    }) : () -> ()
    %mul3A_9 = arith.constant 20480 : i32
    %mul3A_10 = arith.muli %arg1, %mul3A_9 : i32
    %add3A_11 = arith.constant 0 : i32
    %add3A_12 = arith.addi %add3A_11, %mul3A_10 : i32
    %add3A_13 = arith.constant 0 : i32
    %add3A_14 = arith.addi %add3A_12, %add3A_13 : i32
    %dma_start3A = arith.constant 0 : i32
    %dma_start3A_15 = arith.constant 0 : i32
    %dma_start3A_16 = tpu.memref_slice %arg7[%dma_start3A, %dma_start3A_15] : memref<512x128xf32, #tpu.memory_space<vmem>> -> memref<128x128xf32, #tpu.memory_space<vmem>>
    %dma_start3A_17 = arith.constant 0 : i32
    %dma_start3A_18 = tpu.memref_slice %arg2[%add3A_14, %dma_start3A_17] : memref<655360x128xf32, #tpu.memory_space<hbm>> -> memref<128x128xf32, #tpu.memory_space<hbm>>
    %dma_start3A_19 = arith.constant 0 : i32
    %dma_start3A_20 = arith.constant 0 : i32
    %dma_start3A_21 = tpu.memref_slice %arg7[%dma_start3A_19, %dma_start3A_20] : memref<512x128xf32, #tpu.memory_space<vmem>> -> memref<128x128xf32, #tpu.memory_space<vmem>>
    %dma_start3A_22 = arith.constant 0 : i32
    %dma_start3A_23 = tpu.memref_slice %arg2[%add3A_14, %dma_start3A_22] : memref<655360x128xf32, #tpu.memory_space<hbm>> -> memref<128x128xf32, #tpu.memory_space<hbm>>
    tpu.enqueue_dma source(%dma_start3A_23 : memref<128x128xf32, #tpu.memory_space<hbm>>) target(%dma_start3A_21 : memref<128x128xf32, #tpu.memory_space<vmem>>) target_semaphore(%arg9 : memref<!tpu.dma_semaphore, #tpu.memory_space<semaphore_mem>>)
    %add3A_24 = arith.constant 128 : i32
    %add3A_25 = arith.addi %add3A_12, %add3A_24 : i32
    %dma_start3A_26 = arith.constant 128 : i32
    %dma_start3A_27 = arith.constant 0 : i32
    %dma_start3A_28 = tpu.memref_slice %arg7[%dma_start3A_26, %dma_start3A_27] : memref<512x128xf32, #tpu.memory_space<vmem>> -> memref<128x128xf32, #tpu.memory_space<vmem>>
    %dma_start3A_29 = arith.constant 0 : i32
    %dma_start3A_30 = tpu.memref_slice %arg2[%add3A_25, %dma_start3A_29] : memref<655360x128xf32, #tpu.memory_space<hbm>> -> memref<128x128xf32, #tpu.memory_space<hbm>>
    %dma_start3A_31 = arith.constant 128 : i32
    %dma_start3A_32 = arith.constant 0 : i32
    %dma_start3A_33 = tpu.memref_slice %arg7[%dma_start3A_31, %dma_start3A_32] : memref<512x128xf32, #tpu.memory_space<vmem>> -> memref<128x128xf32, #tpu.memory_space<vmem>>
    %dma_start3A_34 = arith.constant 0 : i32
    %dma_start3A_35 = tpu.memref_slice %arg2[%add3A_25, %dma_start3A_34] : memref<655360x128xf32, #tpu.memory_space<hbm>> -> memref<128x128xf32, #tpu.memory_space<hbm>>
    tpu.enqueue_dma source(%dma_start3A_35 : memref<128x128xf32, #tpu.memory_space<hbm>>) target(%dma_start3A_33 : memref<128x128xf32, #tpu.memory_space<vmem>>) target_semaphore(%arg10 : memref<!tpu.dma_semaphore, #tpu.memory_space<semaphore_mem>>)
    %scan3A = arith.constant 0 : i32
    %scan3A_36 = arith.constant 0 : i32
    %scan3A_37 = arith.constant 40 : i32
    %scan3A_38 = arith.addi %scan3A_36, %scan3A_37 : i32
    %scan3A_39 = arith.constant 1 : i32
    scf.for %scan3A_90 = %scan3A_36 to %scan3A_38 step %scan3A_39  : i32 {
      %mul3A_91 = arith.constant 4 : i32
      %mul3A_92 = arith.muli %scan3A_90, %mul3A_91 : i32
      %add3A_93 = arith.constant 0 : i32
      %add3A_94 = arith.addi %mul3A_92, %add3A_93 : i32
      %dma_wait3A = arith.constant 0 : i32
      %dma_wait3A_95 = arith.constant 0 : i32
      %dma_wait3A_96 = tpu.memref_slice %arg7[%dma_wait3A, %dma_wait3A_95] : memref<512x128xf32, #tpu.memory_space<vmem>> -> memref<128x128xf32, #tpu.memory_space<vmem>>
      %dma_wait3A_97 = arith.constant 0 : i32
      %dma_wait3A_98 = arith.constant 0 : i32
      %dma_wait3A_99 = tpu.memref_slice %arg2[%dma_wait3A_97, %dma_wait3A_98] : memref<655360x128xf32, #tpu.memory_space<hbm>> -> memref<128x128xf32, #tpu.memory_space<hbm>>
      %dma_wait3A_100 = arith.constant 0 : i32
      %dma_wait3A_101 = arith.constant 0 : i32
      %dma_wait3A_102 = tpu.memref_slice %arg7[%dma_wait3A_100, %dma_wait3A_101] : memref<512x128xf32, #tpu.memory_space<vmem>> -> memref<128x128xf32, #tpu.memory_space<vmem>>
      %dma_wait3A_103 = arith.constant 0 : i32
      %dma_wait3A_104 = arith.constant 0 : i32
      %dma_wait3A_105 = tpu.memref_slice %arg2[%dma_wait3A_103, %dma_wait3A_104] : memref<655360x128xf32, #tpu.memory_space<hbm>> -> memref<128x128xf32, #tpu.memory_space<hbm>>
      tpu.wait_dma2 semaphore(%arg9 : memref<!tpu.dma_semaphore, #tpu.memory_space<semaphore_mem>>) src(%dma_wait3A_105 : memref<128x128xf32, #tpu.memory_space<hbm>>) dst(%dma_wait3A_102 : memref<128x128xf32, #tpu.memory_space<vmem>>)
      %add3A_106 = arith.constant 2 : i32
      %add3A_107 = arith.addi %add3A_94, %add3A_106 : i32
      %lt3A = arith.constant 160 : i32
      %lt3A_108 = arith.cmpi slt, %add3A_107, %lt3A : i32
      %convert_element_type3A = arith.extui %lt3A_108 : i1 to i32
      %cond3A = arith.constant 0 : i32
      %cond3A_109 = arith.cmpi ne, %convert_element_type3A, %cond3A : i32
      scf.if %cond3A_109 {
        %add3A_179 = arith.constant 2 : i32
        %add3A_180 = arith.addi %add3A_94, %add3A_179 : i32
        %mul3A_181 = arith.constant 128 : i32
        %mul3A_182 = arith.muli %add3A_180, %mul3A_181 : i32
        %add3A_183 = arith.addi %add3A_12, %mul3A_182 : i32
        %dma_start3A_184 = arith.constant 256 : i32
        %dma_start3A_185 = arith.constant 0 : i32
        %dma_start3A_186 = tpu.memref_slice %arg7[%dma_start3A_184, %dma_start3A_185] : memref<512x128xf32, #tpu.memory_space<vmem>> -> memref<128x128xf32, #tpu.memory_space<vmem>>
        %dma_start3A_187 = arith.constant 0 : i32
        %dma_start3A_188 = tpu.memref_slice %arg2[%add3A_183, %dma_start3A_187] : memref<655360x128xf32, #tpu.memory_space<hbm>> -> memref<128x128xf32, #tpu.memory_space<hbm>>
        %dma_start3A_189 = arith.constant 256 : i32
        %dma_start3A_190 = arith.constant 0 : i32
        %dma_start3A_191 = tpu.memref_slice %arg7[%dma_start3A_189, %dma_start3A_190] : memref<512x128xf32, #tpu.memory_space<vmem>> -> memref<128x128xf32, #tpu.memory_space<vmem>>
        %dma_start3A_192 = arith.constant 0 : i32
        %dma_start3A_193 = tpu.memref_slice %arg2[%add3A_183, %dma_start3A_192] : memref<655360x128xf32, #tpu.memory_space<hbm>> -> memref<128x128xf32, #tpu.memory_space<hbm>>
        tpu.enqueue_dma source(%dma_start3A_193 : memref<128x128xf32, #tpu.memory_space<hbm>>) target(%dma_start3A_191 : memref<128x128xf32, #tpu.memory_space<vmem>>) target_semaphore(%arg11 : memref<!tpu.dma_semaphore, #tpu.memory_space<semaphore_mem>>)
      } else {
      }
      "tpu.region"() ({
        %run_scoped3A = tpu.sem_alloc : memref<!tpu.dma_semaphore, #tpu.memory_space<semaphore_mem>>
        %dma_start3A_179 = arith.constant 0 : i32
        %dma_start3A_180 = arith.constant 0 : i32
        %dma_start3A_181 = tpu.memref_slice %arg7[%dma_start3A_179, %dma_start3A_180] : memref<512x128xf32, #tpu.memory_space<vmem>> -> memref<128x128xf32, #tpu.memory_space<vmem>>
        %dma_start3A_182 = arith.constant 0 : i32
        %dma_start3A_183 = tpu.memref_slice %arg6[%add3A_94, %dma_start3A_182] : memref<160x128xi32, #tpu.memory_space<vmem>> -> memref<1x128xi32, #tpu.memory_space<vmem>>
        %dma_start3A_184 = tpu.memref_squeeze %dma_start3A_183 : memref<1x128xi32, #tpu.memory_space<vmem>> -> memref<128xi32, #tpu.memory_space<vmem>>
        %dma_start3A_185 = arith.constant 0 : i32
        %dma_start3A_186 = arith.constant 0 : i32
        %dma_start3A_187 = tpu.memref_slice %arg8[%dma_start3A_185, %dma_start3A_186] : memref<5248x128xf32, #tpu.memory_space<vmem_shared>> -> memref<5248x128xf32, #tpu.memory_space<vmem_shared>>
        tpu.enqueue_indirect_dma source(%dma_start3A_181 : memref<128x128xf32, #tpu.memory_space<vmem>>) target(%dma_start3A_187 : memref<5248x128xf32, #tpu.memory_space<vmem_shared>>) offsets(%dma_start3A_184 : memref<128xi32, #tpu.memory_space<vmem>>) semaphore(%run_scoped3A : memref<!tpu.dma_semaphore, #tpu.memory_space<semaphore_mem>>) {add = true}
        %dma_wait3A_188 = arith.constant 0 : i32
        %dma_wait3A_189 = arith.constant 0 : i32
        %dma_wait3A_190 = tpu.memref_slice %arg7[%dma_wait3A_188, %dma_wait3A_189] : memref<512x128xf32, #tpu.memory_space<vmem>> -> memref<128x128xf32, #tpu.memory_space<vmem>>
        %dma_wait3A_191 = arith.constant 0 : i32
        %dma_wait3A_192 = tpu.memref_slice %arg6[%add3A_94, %dma_wait3A_191] : memref<160x128xi32, #tpu.memory_space<vmem>> -> memref<1x128xi32, #tpu.memory_space<vmem>>
        %dma_wait3A_193 = tpu.memref_squeeze %dma_wait3A_192 : memref<1x128xi32, #tpu.memory_space<vmem>> -> memref<128xi32, #tpu.memory_space<vmem>>
        %dma_wait3A_194 = arith.constant 0 : i32
        %dma_wait3A_195 = arith.constant 0 : i32
        %dma_wait3A_196 = tpu.memref_slice %arg8[%dma_wait3A_194, %dma_wait3A_195] : memref<5248x128xf32, #tpu.memory_space<vmem_shared>> -> memref<5248x128xf32, #tpu.memory_space<vmem_shared>>
        tpu.wait_indirect_dma semaphore(%run_scoped3A : memref<!tpu.dma_semaphore, #tpu.memory_space<semaphore_mem>>) src(%dma_wait3A_190 : memref<128x128xf32, #tpu.memory_space<vmem>>) dst(%dma_wait3A_196 : memref<5248x128xf32, #tpu.memory_space<vmem_shared>>)
        tpu.yield
      }) : () -> ()
      %mul3A_110 = arith.constant 4 : i32
      %mul3A_111 = arith.muli %scan3A_90, %mul3A_110 : i32
      %add3A_112 = arith.constant 1 : i32
      %add3A_113 = arith.addi %mul3A_111, %add3A_112 : i32
      %dma_wait3A_114 = arith.constant 128 : i32
      %dma_wait3A_115 = arith.constant 0 : i32
      %dma_wait3A_116 = tpu.memref_slice %arg7[%dma_wait3A_114, %dma_wait3A_115] : memref<512x128xf32, #tpu.memory_space<vmem>> -> memref<128x128xf32, #tpu.memory_space<vmem>>
      %dma_wait3A_117 = arith.constant 0 : i32
      %dma_wait3A_118 = arith.constant 0 : i32
      %dma_wait3A_119 = tpu.memref_slice %arg2[%dma_wait3A_117, %dma_wait3A_118] : memref<655360x128xf32, #tpu.memory_space<hbm>> -> memref<128x128xf32, #tpu.memory_space<hbm>>
      %dma_wait3A_120 = arith.constant 128 : i32
      %dma_wait3A_121 = arith.constant 0 : i32
      %dma_wait3A_122 = tpu.memref_slice %arg7[%dma_wait3A_120, %dma_wait3A_121] : memref<512x128xf32, #tpu.memory_space<vmem>> -> memref<128x128xf32, #tpu.memory_space<vmem>>
      %dma_wait3A_123 = arith.constant 0 : i32
      %dma_wait3A_124 = arith.constant 0 : i32
      %dma_wait3A_125 = tpu.memref_slice %arg2[%dma_wait3A_123, %dma_wait3A_124] : memref<655360x128xf32, #tpu.memory_space<hbm>> -> memref<128x128xf32, #tpu.memory_space<hbm>>
      tpu.wait_dma2 semaphore(%arg10 : memref<!tpu.dma_semaphore, #tpu.memory_space<semaphore_mem>>) src(%dma_wait3A_125 : memref<128x128xf32, #tpu.memory_space<hbm>>) dst(%dma_wait3A_122 : memref<128x128xf32, #tpu.memory_space<vmem>>)
      %add3A_126 = arith.constant 2 : i32
      %add3A_127 = arith.addi %add3A_113, %add3A_126 : i32
      %lt3A_128 = arith.constant 160 : i32
      %lt3A_129 = arith.cmpi slt, %add3A_127, %lt3A_128 : i32
      %convert_element_type3A_130 = arith.extui %lt3A_129 : i1 to i32
      %cond3A_131 = arith.constant 0 : i32
      %cond3A_132 = arith.cmpi ne, %convert_element_type3A_130, %cond3A_131 : i32
      scf.if %cond3A_132 {
        %add3A_179 = arith.constant 2 : i32
        %add3A_180 = arith.addi %add3A_113, %add3A_179 : i32
        %mul3A_181 = arith.constant 128 : i32
        %mul3A_182 = arith.muli %add3A_180, %mul3A_181 : i32
        %add3A_183 = arith.addi %add3A_12, %mul3A_182 : i32
        %dma_start3A_184 = arith.constant 384 : i32
        %dma_start3A_185 = arith.constant 0 : i32
        %dma_start3A_186 = tpu.memref_slice %arg7[%dma_start3A_184, %dma_start3A_185] : memref<512x128xf32, #tpu.memory_space<vmem>> -> memref<128x128xf32, #tpu.memory_space<vmem>>
        %dma_start3A_187 = arith.constant 0 : i32
        %dma_start3A_188 = tpu.memref_slice %arg2[%add3A_183, %dma_start3A_187] : memref<655360x128xf32, #tpu.memory_space<hbm>> -> memref<128x128xf32, #tpu.memory_space<hbm>>
        %dma_start3A_189 = arith.constant 384 : i32
        %dma_start3A_190 = arith.constant 0 : i32
        %dma_start3A_191 = tpu.memref_slice %arg7[%dma_start3A_189, %dma_start3A_190] : memref<512x128xf32, #tpu.memory_space<vmem>> -> memref<128x128xf32, #tpu.memory_space<vmem>>
        %dma_start3A_192 = arith.constant 0 : i32
        %dma_start3A_193 = tpu.memref_slice %arg2[%add3A_183, %dma_start3A_192] : memref<655360x128xf32, #tpu.memory_space<hbm>> -> memref<128x128xf32, #tpu.memory_space<hbm>>
        tpu.enqueue_dma source(%dma_start3A_193 : memref<128x128xf32, #tpu.memory_space<hbm>>) target(%dma_start3A_191 : memref<128x128xf32, #tpu.memory_space<vmem>>) target_semaphore(%arg12 : memref<!tpu.dma_semaphore, #tpu.memory_space<semaphore_mem>>)
      } else {
      }
      "tpu.region"() ({
        %run_scoped3A = tpu.sem_alloc : memref<!tpu.dma_semaphore, #tpu.memory_space<semaphore_mem>>
        %dma_start3A_179 = arith.constant 128 : i32
        %dma_start3A_180 = arith.constant 0 : i32
        %dma_start3A_181 = tpu.memref_slice %arg7[%dma_start3A_179, %dma_start3A_180] : memref<512x128xf32, #tpu.memory_space<vmem>> -> memref<128x128xf32, #tpu.memory_space<vmem>>
        %dma_start3A_182 = arith.constant 0 : i32
        %dma_start3A_183 = tpu.memref_slice %arg6[%add3A_113, %dma_start3A_182] : memref<160x128xi32, #tpu.memory_space<vmem>> -> memref<1x128xi32, #tpu.memory_space<vmem>>
        %dma_start3A_184 = tpu.memref_squeeze %dma_start3A_183 : memref<1x128xi32, #tpu.memory_space<vmem>> -> memref<128xi32, #tpu.memory_space<vmem>>
        %dma_start3A_185 = arith.constant 0 : i32
        %dma_start3A_186 = arith.constant 0 : i32
        %dma_start3A_187 = tpu.memref_slice %arg8[%dma_start3A_185, %dma_start3A_186] : memref<5248x128xf32, #tpu.memory_space<vmem_shared>> -> memref<5248x128xf32, #tpu.memory_space<vmem_shared>>
        tpu.enqueue_indirect_dma source(%dma_start3A_181 : memref<128x128xf32, #tpu.memory_space<vmem>>) target(%dma_start3A_187 : memref<5248x128xf32, #tpu.memory_space<vmem_shared>>) offsets(%dma_start3A_184 : memref<128xi32, #tpu.memory_space<vmem>>) semaphore(%run_scoped3A : memref<!tpu.dma_semaphore, #tpu.memory_space<semaphore_mem>>) {add = true}
        %dma_wait3A_188 = arith.constant 128 : i32
        %dma_wait3A_189 = arith.constant 0 : i32
        %dma_wait3A_190 = tpu.memref_slice %arg7[%dma_wait3A_188, %dma_wait3A_189] : memref<512x128xf32, #tpu.memory_space<vmem>> -> memref<128x128xf32, #tpu.memory_space<vmem>>
        %dma_wait3A_191 = arith.constant 0 : i32
        %dma_wait3A_192 = tpu.memref_slice %arg6[%add3A_113, %dma_wait3A_191] : memref<160x128xi32, #tpu.memory_space<vmem>> -> memref<1x128xi32, #tpu.memory_space<vmem>>
        %dma_wait3A_193 = tpu.memref_squeeze %dma_wait3A_192 : memref<1x128xi32, #tpu.memory_space<vmem>> -> memref<128xi32, #tpu.memory_space<vmem>>
        %dma_wait3A_194 = arith.constant 0 : i32
        %dma_wait3A_195 = arith.constant 0 : i32
        %dma_wait3A_196 = tpu.memref_slice %arg8[%dma_wait3A_194, %dma_wait3A_195] : memref<5248x128xf32, #tpu.memory_space<vmem_shared>> -> memref<5248x128xf32, #tpu.memory_space<vmem_shared>>
        tpu.wait_indirect_dma semaphore(%run_scoped3A : memref<!tpu.dma_semaphore, #tpu.memory_space<semaphore_mem>>) src(%dma_wait3A_190 : memref<128x128xf32, #tpu.memory_space<vmem>>) dst(%dma_wait3A_196 : memref<5248x128xf32, #tpu.memory_space<vmem_shared>>)
        tpu.yield
      }) : () -> ()
      %mul3A_133 = arith.constant 4 : i32
      %mul3A_134 = arith.muli %scan3A_90, %mul3A_133 : i32
      %add3A_135 = arith.constant 2 : i32
      %add3A_136 = arith.addi %mul3A_134, %add3A_135 : i32
      %dma_wait3A_137 = arith.constant 256 : i32
      %dma_wait3A_138 = arith.constant 0 : i32
      %dma_wait3A_139 = tpu.memref_slice %arg7[%dma_wait3A_137, %dma_wait3A_138] : memref<512x128xf32, #tpu.memory_space<vmem>> -> memref<128x128xf32, #tpu.memory_space<vmem>>
      %dma_wait3A_140 = arith.constant 0 : i32
      %dma_wait3A_141 = arith.constant 0 : i32
      %dma_wait3A_142 = tpu.memref_slice %arg2[%dma_wait3A_140, %dma_wait3A_141] : memref<655360x128xf32, #tpu.memory_space<hbm>> -> memref<128x128xf32, #tpu.memory_space<hbm>>
      %dma_wait3A_143 = arith.constant 256 : i32
      %dma_wait3A_144 = arith.constant 0 : i32
      %dma_wait3A_145 = tpu.memref_slice %arg7[%dma_wait3A_143, %dma_wait3A_144] : memref<512x128xf32, #tpu.memory_space<vmem>> -> memref<128x128xf32, #tpu.memory_space<vmem>>
      %dma_wait3A_146 = arith.constant 0 : i32
      %dma_wait3A_147 = arith.constant 0 : i32
      %dma_wait3A_148 = tpu.memref_slice %arg2[%dma_wait3A_146, %dma_wait3A_147] : memref<655360x128xf32, #tpu.memory_space<hbm>> -> memref<128x128xf32, #tpu.memory_space<hbm>>
      tpu.wait_dma2 semaphore(%arg11 : memref<!tpu.dma_semaphore, #tpu.memory_space<semaphore_mem>>) src(%dma_wait3A_148 : memref<128x128xf32, #tpu.memory_space<hbm>>) dst(%dma_wait3A_145 : memref<128x128xf32, #tpu.memory_space<vmem>>)
      %add3A_149 = arith.constant 2 : i32
      %add3A_150 = arith.addi %add3A_136, %add3A_149 : i32
      %lt3A_151 = arith.constant 160 : i32
      %lt3A_152 = arith.cmpi slt, %add3A_150, %lt3A_151 : i32
      %convert_element_type3A_153 = arith.extui %lt3A_152 : i1 to i32
      %cond3A_154 = arith.constant 0 : i32
      %cond3A_155 = arith.cmpi ne, %convert_element_type3A_153, %cond3A_154 : i32
      scf.if %cond3A_155 {
        %add3A_179 = arith.constant 2 : i32
        %add3A_180 = arith.addi %add3A_136, %add3A_179 : i32
        %mul3A_181 = arith.constant 128 : i32
        %mul3A_182 = arith.muli %add3A_180, %mul3A_181 : i32
        %add3A_183 = arith.addi %add3A_12, %mul3A_182 : i32
        %dma_start3A_184 = arith.constant 0 : i32
        %dma_start3A_185 = arith.constant 0 : i32
        %dma_start3A_186 = tpu.memref_slice %arg7[%dma_start3A_184, %dma_start3A_185] : memref<512x128xf32, #tpu.memory_space<vmem>> -> memref<128x128xf32, #tpu.memory_space<vmem>>
        %dma_start3A_187 = arith.constant 0 : i32
        %dma_start3A_188 = tpu.memref_slice %arg2[%add3A_183, %dma_start3A_187] : memref<655360x128xf32, #tpu.memory_space<hbm>> -> memref<128x128xf32, #tpu.memory_space<hbm>>
        %dma_start3A_189 = arith.constant 0 : i32
        %dma_start3A_190 = arith.constant 0 : i32
        %dma_start3A_191 = tpu.memref_slice %arg7[%dma_start3A_189, %dma_start3A_190] : memref<512x128xf32, #tpu.memory_space<vmem>> -> memref<128x128xf32, #tpu.memory_space<vmem>>
        %dma_start3A_192 = arith.constant 0 : i32
        %dma_start3A_193 = tpu.memref_slice %arg2[%add3A_183, %dma_start3A_192] : memref<655360x128xf32, #tpu.memory_space<hbm>> -> memref<128x128xf32, #tpu.memory_space<hbm>>
        tpu.enqueue_dma source(%dma_start3A_193 : memref<128x128xf32, #tpu.memory_space<hbm>>) target(%dma_start3A_191 : memref<128x128xf32, #tpu.memory_space<vmem>>) target_semaphore(%arg9 : memref<!tpu.dma_semaphore, #tpu.memory_space<semaphore_mem>>)
      } else {
      }
      "tpu.region"() ({
        %run_scoped3A = tpu.sem_alloc : memref<!tpu.dma_semaphore, #tpu.memory_space<semaphore_mem>>
        %dma_start3A_179 = arith.constant 256 : i32
        %dma_start3A_180 = arith.constant 0 : i32
        %dma_start3A_181 = tpu.memref_slice %arg7[%dma_start3A_179, %dma_start3A_180] : memref<512x128xf32, #tpu.memory_space<vmem>> -> memref<128x128xf32, #tpu.memory_space<vmem>>
        %dma_start3A_182 = arith.constant 0 : i32
        %dma_start3A_183 = tpu.memref_slice %arg6[%add3A_136, %dma_start3A_182] : memref<160x128xi32, #tpu.memory_space<vmem>> -> memref<1x128xi32, #tpu.memory_space<vmem>>
        %dma_start3A_184 = tpu.memref_squeeze %dma_start3A_183 : memref<1x128xi32, #tpu.memory_space<vmem>> -> memref<128xi32, #tpu.memory_space<vmem>>
        %dma_start3A_185 = arith.constant 0 : i32
        %dma_start3A_186 = arith.constant 0 : i32
        %dma_start3A_187 = tpu.memref_slice %arg8[%dma_start3A_185, %dma_start3A_186] : memref<5248x128xf32, #tpu.memory_space<vmem_shared>> -> memref<5248x128xf32, #tpu.memory_space<vmem_shared>>
        tpu.enqueue_indirect_dma source(%dma_start3A_181 : memref<128x128xf32, #tpu.memory_space<vmem>>) target(%dma_start3A_187 : memref<5248x128xf32, #tpu.memory_space<vmem_shared>>) offsets(%dma_start3A_184 : memref<128xi32, #tpu.memory_space<vmem>>) semaphore(%run_scoped3A : memref<!tpu.dma_semaphore, #tpu.memory_space<semaphore_mem>>) {add = true}
        %dma_wait3A_188 = arith.constant 256 : i32
        %dma_wait3A_189 = arith.constant 0 : i32
        %dma_wait3A_190 = tpu.memref_slice %arg7[%dma_wait3A_188, %dma_wait3A_189] : memref<512x128xf32, #tpu.memory_space<vmem>> -> memref<128x128xf32, #tpu.memory_space<vmem>>
        %dma_wait3A_191 = arith.constant 0 : i32
        %dma_wait3A_192 = tpu.memref_slice %arg6[%add3A_136, %dma_wait3A_191] : memref<160x128xi32, #tpu.memory_space<vmem>> -> memref<1x128xi32, #tpu.memory_space<vmem>>
        %dma_wait3A_193 = tpu.memref_squeeze %dma_wait3A_192 : memref<1x128xi32, #tpu.memory_space<vmem>> -> memref<128xi32, #tpu.memory_space<vmem>>
        %dma_wait3A_194 = arith.constant 0 : i32
        %dma_wait3A_195 = arith.constant 0 : i32
        %dma_wait3A_196 = tpu.memref_slice %arg8[%dma_wait3A_194, %dma_wait3A_195] : memref<5248x128xf32, #tpu.memory_space<vmem_shared>> -> memref<5248x128xf32, #tpu.memory_space<vmem_shared>>
        tpu.wait_indirect_dma semaphore(%run_scoped3A : memref<!tpu.dma_semaphore, #tpu.memory_space<semaphore_mem>>) src(%dma_wait3A_190 : memref<128x128xf32, #tpu.memory_space<vmem>>) dst(%dma_wait3A_196 : memref<5248x128xf32, #tpu.memory_space<vmem_shared>>)
        tpu.yield
      }) : () -> ()
      %mul3A_156 = arith.constant 4 : i32
      %mul3A_157 = arith.muli %scan3A_90, %mul3A_156 : i32
      %add3A_158 = arith.constant 3 : i32
      %add3A_159 = arith.addi %mul3A_157, %add3A_158 : i32
      %dma_wait3A_160 = arith.constant 384 : i32
      %dma_wait3A_161 = arith.constant 0 : i32
      %dma_wait3A_162 = tpu.memref_slice %arg7[%dma_wait3A_160, %dma_wait3A_161] : memref<512x128xf32, #tpu.memory_space<vmem>> -> memref<128x128xf32, #tpu.memory_space<vmem>>
      %dma_wait3A_163 = arith.constant 0 : i32
      %dma_wait3A_164 = arith.constant 0 : i32
      %dma_wait3A_165 = tpu.memref_slice %arg2[%dma_wait3A_163, %dma_wait3A_164] : memref<655360x128xf32, #tpu.memory_space<hbm>> -> memref<128x128xf32, #tpu.memory_space<hbm>>
      %dma_wait3A_166 = arith.constant 384 : i32
      %dma_wait3A_167 = arith.constant 0 : i32
      %dma_wait3A_168 = tpu.memref_slice %arg7[%dma_wait3A_166, %dma_wait3A_167] : memref<512x128xf32, #tpu.memory_space<vmem>> -> memref<128x128xf32, #tpu.memory_space<vmem>>
      %dma_wait3A_169 = arith.constant 0 : i32
      %dma_wait3A_170 = arith.constant 0 : i32
      %dma_wait3A_171 = tpu.memref_slice %arg2[%dma_wait3A_169, %dma_wait3A_170] : memref<655360x128xf32, #tpu.memory_space<hbm>> -> memref<128x128xf32, #tpu.memory_space<hbm>>
      tpu.wait_dma2 semaphore(%arg12 : memref<!tpu.dma_semaphore, #tpu.memory_space<semaphore_mem>>) src(%dma_wait3A_171 : memref<128x128xf32, #tpu.memory_space<hbm>>) dst(%dma_wait3A_168 : memref<128x128xf32, #tpu.memory_space<vmem>>)
      %add3A_172 = arith.constant 2 : i32
      %add3A_173 = arith.addi %add3A_159, %add3A_172 : i32
      %lt3A_174 = arith.constant 160 : i32
      %lt3A_175 = arith.cmpi slt, %add3A_173, %lt3A_174 : i32
      %convert_element_type3A_176 = arith.extui %lt3A_175 : i1 to i32
      %cond3A_177 = arith.constant 0 : i32
      %cond3A_178 = arith.cmpi ne, %convert_element_type3A_176, %cond3A_177 : i32
      scf.if %cond3A_178 {
        %add3A_179 = arith.constant 2 : i32
        %add3A_180 = arith.addi %add3A_159, %add3A_179 : i32
        %mul3A_181 = arith.constant 128 : i32
        %mul3A_182 = arith.muli %add3A_180, %mul3A_181 : i32
        %add3A_183 = arith.addi %add3A_12, %mul3A_182 : i32
        %dma_start3A_184 = arith.constant 128 : i32
        %dma_start3A_185 = arith.constant 0 : i32
        %dma_start3A_186 = tpu.memref_slice %arg7[%dma_start3A_184, %dma_start3A_185] : memref<512x128xf32, #tpu.memory_space<vmem>> -> memref<128x128xf32, #tpu.memory_space<vmem>>
        %dma_start3A_187 = arith.constant 0 : i32
        %dma_start3A_188 = tpu.memref_slice %arg2[%add3A_183, %dma_start3A_187] : memref<655360x128xf32, #tpu.memory_space<hbm>> -> memref<128x128xf32, #tpu.memory_space<hbm>>
        %dma_start3A_189 = arith.constant 128 : i32
        %dma_start3A_190 = arith.constant 0 : i32
        %dma_start3A_191 = tpu.memref_slice %arg7[%dma_start3A_189, %dma_start3A_190] : memref<512x128xf32, #tpu.memory_space<vmem>> -> memref<128x128xf32, #tpu.memory_space<vmem>>
        %dma_start3A_192 = arith.constant 0 : i32
        %dma_start3A_193 = tpu.memref_slice %arg2[%add3A_183, %dma_start3A_192] : memref<655360x128xf32, #tpu.memory_space<hbm>> -> memref<128x128xf32, #tpu.memory_space<hbm>>
        tpu.enqueue_dma source(%dma_start3A_193 : memref<128x128xf32, #tpu.memory_space<hbm>>) target(%dma_start3A_191 : memref<128x128xf32, #tpu.memory_space<vmem>>) target_semaphore(%arg10 : memref<!tpu.dma_semaphore, #tpu.memory_space<semaphore_mem>>)
      } else {
      }
      "tpu.region"() ({
        %run_scoped3A = tpu.sem_alloc : memref<!tpu.dma_semaphore, #tpu.memory_space<semaphore_mem>>
        %dma_start3A_179 = arith.constant 384 : i32
        %dma_start3A_180 = arith.constant 0 : i32
        %dma_start3A_181 = tpu.memref_slice %arg7[%dma_start3A_179, %dma_start3A_180] : memref<512x128xf32, #tpu.memory_space<vmem>> -> memref<128x128xf32, #tpu.memory_space<vmem>>
        %dma_start3A_182 = arith.constant 0 : i32
        %dma_start3A_183 = tpu.memref_slice %arg6[%add3A_159, %dma_start3A_182] : memref<160x128xi32, #tpu.memory_space<vmem>> -> memref<1x128xi32, #tpu.memory_space<vmem>>
        %dma_start3A_184 = tpu.memref_squeeze %dma_start3A_183 : memref<1x128xi32, #tpu.memory_space<vmem>> -> memref<128xi32, #tpu.memory_space<vmem>>
        %dma_start3A_185 = arith.constant 0 : i32
        %dma_start3A_186 = arith.constant 0 : i32
        %dma_start3A_187 = tpu.memref_slice %arg8[%dma_start3A_185, %dma_start3A_186] : memref<5248x128xf32, #tpu.memory_space<vmem_shared>> -> memref<5248x128xf32, #tpu.memory_space<vmem_shared>>
        tpu.enqueue_indirect_dma source(%dma_start3A_181 : memref<128x128xf32, #tpu.memory_space<vmem>>) target(%dma_start3A_187 : memref<5248x128xf32, #tpu.memory_space<vmem_shared>>) offsets(%dma_start3A_184 : memref<128xi32, #tpu.memory_space<vmem>>) semaphore(%run_scoped3A : memref<!tpu.dma_semaphore, #tpu.memory_space<semaphore_mem>>) {add = true}
        %dma_wait3A_188 = arith.constant 384 : i32
        %dma_wait3A_189 = arith.constant 0 : i32
        %dma_wait3A_190 = tpu.memref_slice %arg7[%dma_wait3A_188, %dma_wait3A_189] : memref<512x128xf32, #tpu.memory_space<vmem>> -> memref<128x128xf32, #tpu.memory_space<vmem>>
        %dma_wait3A_191 = arith.constant 0 : i32
        %dma_wait3A_192 = tpu.memref_slice %arg6[%add3A_159, %dma_wait3A_191] : memref<160x128xi32, #tpu.memory_space<vmem>> -> memref<1x128xi32, #tpu.memory_space<vmem>>
        %dma_wait3A_193 = tpu.memref_squeeze %dma_wait3A_192 : memref<1x128xi32, #tpu.memory_space<vmem>> -> memref<128xi32, #tpu.memory_space<vmem>>
        %dma_wait3A_194 = arith.constant 0 : i32
        %dma_wait3A_195 = arith.constant 0 : i32
        %dma_wait3A_196 = tpu.memref_slice %arg8[%dma_wait3A_194, %dma_wait3A_195] : memref<5248x128xf32, #tpu.memory_space<vmem_shared>> -> memref<5248x128xf32, #tpu.memory_space<vmem_shared>>
        tpu.wait_indirect_dma semaphore(%run_scoped3A : memref<!tpu.dma_semaphore, #tpu.memory_space<semaphore_mem>>) src(%dma_wait3A_190 : memref<128x128xf32, #tpu.memory_space<vmem>>) dst(%dma_wait3A_196 : memref<5248x128xf32, #tpu.memory_space<vmem_shared>>)
        tpu.yield
      }) : () -> ()
    }
    %scan3A_40 = arith.constant 40 : i32
    %add3A_41 = arith.constant 2 : i32
    %add3A_42 = arith.addi %add3A_41, %arg0 : i32
    %mul3A_43 = arith.constant 2560 : i32
    %mul3A_44 = arith.muli %add3A_42, %mul3A_43 : i32
    %mul3A_45 = arith.constant 160 : i32
    %mul3A_46 = arith.muli %arg1, %mul3A_45 : i32
    %add3A_47 = arith.addi %mul3A_44, %mul3A_46 : i32
    "tpu.region"() ({
      %run_scoped3A = tpu.sem_alloc : memref<!tpu.dma_semaphore, #tpu.memory_space<semaphore_mem>>
      %dma_start3A_90 = arith.constant 0 : i32
      %dma_start3A_91 = tpu.memref_slice %arg3[%add3A_47, %dma_start3A_90] : memref<10240x128xi32, #tpu.memory_space<hbm>> -> memref<160x128xi32, #tpu.memory_space<hbm>>
      %dma_start3A_92 = arith.constant 0 : i32
      %dma_start3A_93 = tpu.memref_slice %arg3[%add3A_47, %dma_start3A_92] : memref<10240x128xi32, #tpu.memory_space<hbm>> -> memref<160x128xi32, #tpu.memory_space<hbm>>
      tpu.enqueue_dma source(%dma_start3A_93 : memref<160x128xi32, #tpu.memory_space<hbm>>) target(%arg6 : memref<160x128xi32, #tpu.memory_space<vmem>>) target_semaphore(%run_scoped3A : memref<!tpu.dma_semaphore, #tpu.memory_space<semaphore_mem>>)
      %dma_wait3A = arith.constant 0 : i32
      %dma_wait3A_94 = tpu.memref_slice %arg3[%add3A_47, %dma_wait3A] : memref<10240x128xi32, #tpu.memory_space<hbm>> -> memref<160x128xi32, #tpu.memory_space<hbm>>
      %dma_wait3A_95 = arith.constant 0 : i32
      %dma_wait3A_96 = tpu.memref_slice %arg3[%add3A_47, %dma_wait3A_95] : memref<10240x128xi32, #tpu.memory_space<hbm>> -> memref<160x128xi32, #tpu.memory_space<hbm>>
      tpu.wait_dma2 semaphore(%run_scoped3A : memref<!tpu.dma_semaphore, #tpu.memory_space<semaphore_mem>>) src(%dma_wait3A_96 : memref<160x128xi32, #tpu.memory_space<hbm>>) dst(%arg6 : memref<160x128xi32, #tpu.memory_space<vmem>>)
      tpu.yield
    }) : () -> ()
    %mul3A_48 = arith.constant 20480 : i32
    %mul3A_49 = arith.muli %arg1, %mul3A_48 : i32
    %add3A_50 = arith.constant 327680 : i32
    %add3A_51 = arith.addi %add3A_50, %mul3A_49 : i32
    %add3A_52 = arith.constant 0 : i32
    %add3A_53 = arith.addi %add3A_51, %add3A_52 : i32
    %dma_start3A_54 = arith.constant 0 : i32
    %dma_start3A_55 = arith.constant 0 : i32
    %dma_start3A_56 = tpu.memref_slice %arg7[%dma_start3A_54, %dma_start3A_55] : memref<512x128xf32, #tpu.memory_space<vmem>> -> memref<128x128xf32, #tpu.memory_space<vmem>>
    %dma_start3A_57 = arith.constant 0 : i32
    %dma_start3A_58 = tpu.memref_slice %arg2[%add3A_53, %dma_start3A_57] : memref<655360x128xf32, #tpu.memory_space<hbm>> -> memref<128x128xf32, #tpu.memory_space<hbm>>
    %dma_start3A_59 = arith.constant 0 : i32
    %dma_start3A_60 = arith.constant 0 : i32
    %dma_start3A_61 = tpu.memref_slice %arg7[%dma_start3A_59, %dma_start3A_60] : memref<512x128xf32, #tpu.memory_space<vmem>> -> memref<128x128xf32, #tpu.memory_space<vmem>>
    %dma_start3A_62 = arith.constant 0 : i32
    %dma_start3A_63 = tpu.memref_slice %arg2[%add3A_53, %dma_start3A_62] : memref<655360x128xf32, #tpu.memory_space<hbm>> -> memref<128x128xf32, #tpu.memory_space<hbm>>
    tpu.enqueue_dma source(%dma_start3A_63 : memref<128x128xf32, #tpu.memory_space<hbm>>) target(%dma_start3A_61 : memref<128x128xf32, #tpu.memory_space<vmem>>) target_semaphore(%arg9 : memref<!tpu.dma_semaphore, #tpu.memory_space<semaphore_mem>>)
    %add3A_64 = arith.constant 128 : i32
    %add3A_65 = arith.addi %add3A_51, %add3A_64 : i32
    %dma_start3A_66 = arith.constant 128 : i32
    %dma_start3A_67 = arith.constant 0 : i32
    %dma_start3A_68 = tpu.memref_slice %arg7[%dma_start3A_66, %dma_start3A_67] : memref<512x128xf32, #tpu.memory_space<vmem>> -> memref<128x128xf32, #tpu.memory_space<vmem>>
    %dma_start3A_69 = arith.constant 0 : i32
    %dma_start3A_70 = tpu.memref_slice %arg2[%add3A_65, %dma_start3A_69] : memref<655360x128xf32, #tpu.memory_space<hbm>> -> memref<128x128xf32, #tpu.memory_space<hbm>>
    %dma_start3A_71 = arith.constant 128 : i32
    %dma_start3A_72 = arith.constant 0 : i32
    %dma_start3A_73 = tpu.memref_slice %arg7[%dma_start3A_71, %dma_start3A_72] : memref<512x128xf32, #tpu.memory_space<vmem>> -> memref<128x128xf32, #tpu.memory_space<vmem>>
    %dma_start3A_74 = arith.constant 0 : i32
    %dma_start3A_75 = tpu.memref_slice %arg2[%add3A_65, %dma_start3A_74] : memref<655360x128xf32, #tpu.memory_space<hbm>> -> memref<128x128xf32, #tpu.memory_space<hbm>>
    tpu.enqueue_dma source(%dma_start3A_75 : memref<128x128xf32, #tpu.memory_space<hbm>>) target(%dma_start3A_73 : memref<128x128xf32, #tpu.memory_space<vmem>>) target_semaphore(%arg10 : memref<!tpu.dma_semaphore, #tpu.memory_space<semaphore_mem>>)
    %scan3A_76 = arith.constant 0 : i32
    %scan3A_77 = arith.constant 0 : i32
    %scan3A_78 = arith.constant 40 : i32
    %scan3A_79 = arith.addi %scan3A_77, %scan3A_78 : i32
    %scan3A_80 = arith.constant 1 : i32
    scf.for %scan3A_90 = %scan3A_77 to %scan3A_79 step %scan3A_80  : i32 {
      %mul3A_91 = arith.constant 4 : i32
      %mul3A_92 = arith.muli %scan3A_90, %mul3A_91 : i32
      %add3A_93 = arith.constant 0 : i32
      %add3A_94 = arith.addi %mul3A_92, %add3A_93 : i32
      %dma_wait3A = arith.constant 0 : i32
      %dma_wait3A_95 = arith.constant 0 : i32
      %dma_wait3A_96 = tpu.memref_slice %arg7[%dma_wait3A, %dma_wait3A_95] : memref<512x128xf32, #tpu.memory_space<vmem>> -> memref<128x128xf32, #tpu.memory_space<vmem>>
      %dma_wait3A_97 = arith.constant 0 : i32
      %dma_wait3A_98 = arith.constant 0 : i32
      %dma_wait3A_99 = tpu.memref_slice %arg2[%dma_wait3A_97, %dma_wait3A_98] : memref<655360x128xf32, #tpu.memory_space<hbm>> -> memref<128x128xf32, #tpu.memory_space<hbm>>
      %dma_wait3A_100 = arith.constant 0 : i32
      %dma_wait3A_101 = arith.constant 0 : i32
      %dma_wait3A_102 = tpu.memref_slice %arg7[%dma_wait3A_100, %dma_wait3A_101] : memref<512x128xf32, #tpu.memory_space<vmem>> -> memref<128x128xf32, #tpu.memory_space<vmem>>
      %dma_wait3A_103 = arith.constant 0 : i32
      %dma_wait3A_104 = arith.constant 0 : i32
      %dma_wait3A_105 = tpu.memref_slice %arg2[%dma_wait3A_103, %dma_wait3A_104] : memref<655360x128xf32, #tpu.memory_space<hbm>> -> memref<128x128xf32, #tpu.memory_space<hbm>>
      tpu.wait_dma2 semaphore(%arg9 : memref<!tpu.dma_semaphore, #tpu.memory_space<semaphore_mem>>) src(%dma_wait3A_105 : memref<128x128xf32, #tpu.memory_space<hbm>>) dst(%dma_wait3A_102 : memref<128x128xf32, #tpu.memory_space<vmem>>)
      %add3A_106 = arith.constant 2 : i32
      %add3A_107 = arith.addi %add3A_94, %add3A_106 : i32
      %lt3A = arith.constant 160 : i32
      %lt3A_108 = arith.cmpi slt, %add3A_107, %lt3A : i32
      %convert_element_type3A = arith.extui %lt3A_108 : i1 to i32
      %cond3A = arith.constant 0 : i32
      %cond3A_109 = arith.cmpi ne, %convert_element_type3A, %cond3A : i32
      scf.if %cond3A_109 {
        %add3A_179 = arith.constant 2 : i32
        %add3A_180 = arith.addi %add3A_94, %add3A_179 : i32
        %mul3A_181 = arith.constant 128 : i32
        %mul3A_182 = arith.muli %add3A_180, %mul3A_181 : i32
        %add3A_183 = arith.addi %add3A_51, %mul3A_182 : i32
        %dma_start3A_184 = arith.constant 256 : i32
        %dma_start3A_185 = arith.constant 0 : i32
        %dma_start3A_186 = tpu.memref_slice %arg7[%dma_start3A_184, %dma_start3A_185] : memref<512x128xf32, #tpu.memory_space<vmem>> -> memref<128x128xf32, #tpu.memory_space<vmem>>
        %dma_start3A_187 = arith.constant 0 : i32
        %dma_start3A_188 = tpu.memref_slice %arg2[%add3A_183, %dma_start3A_187] : memref<655360x128xf32, #tpu.memory_space<hbm>> -> memref<128x128xf32, #tpu.memory_space<hbm>>
        %dma_start3A_189 = arith.constant 256 : i32
        %dma_start3A_190 = arith.constant 0 : i32
        %dma_start3A_191 = tpu.memref_slice %arg7[%dma_start3A_189, %dma_start3A_190] : memref<512x128xf32, #tpu.memory_space<vmem>> -> memref<128x128xf32, #tpu.memory_space<vmem>>
        %dma_start3A_192 = arith.constant 0 : i32
        %dma_start3A_193 = tpu.memref_slice %arg2[%add3A_183, %dma_start3A_192] : memref<655360x128xf32, #tpu.memory_space<hbm>> -> memref<128x128xf32, #tpu.memory_space<hbm>>
        tpu.enqueue_dma source(%dma_start3A_193 : memref<128x128xf32, #tpu.memory_space<hbm>>) target(%dma_start3A_191 : memref<128x128xf32, #tpu.memory_space<vmem>>) target_semaphore(%arg11 : memref<!tpu.dma_semaphore, #tpu.memory_space<semaphore_mem>>)
      } else {
      }
      "tpu.region"() ({
        %run_scoped3A = tpu.sem_alloc : memref<!tpu.dma_semaphore, #tpu.memory_space<semaphore_mem>>
        %dma_start3A_179 = arith.constant 0 : i32
        %dma_start3A_180 = arith.constant 0 : i32
        %dma_start3A_181 = tpu.memref_slice %arg7[%dma_start3A_179, %dma_start3A_180] : memref<512x128xf32, #tpu.memory_space<vmem>> -> memref<128x128xf32, #tpu.memory_space<vmem>>
        %dma_start3A_182 = arith.constant 0 : i32
        %dma_start3A_183 = tpu.memref_slice %arg6[%add3A_94, %dma_start3A_182] : memref<160x128xi32, #tpu.memory_space<vmem>> -> memref<1x128xi32, #tpu.memory_space<vmem>>
        %dma_start3A_184 = tpu.memref_squeeze %dma_start3A_183 : memref<1x128xi32, #tpu.memory_space<vmem>> -> memref<128xi32, #tpu.memory_space<vmem>>
        %dma_start3A_185 = arith.constant 0 : i32
        %dma_start3A_186 = arith.constant 0 : i32
        %dma_start3A_187 = tpu.memref_slice %arg8[%dma_start3A_185, %dma_start3A_186] : memref<5248x128xf32, #tpu.memory_space<vmem_shared>> -> memref<5248x128xf32, #tpu.memory_space<vmem_shared>>
        tpu.enqueue_indirect_dma source(%dma_start3A_181 : memref<128x128xf32, #tpu.memory_space<vmem>>) target(%dma_start3A_187 : memref<5248x128xf32, #tpu.memory_space<vmem_shared>>) offsets(%dma_start3A_184 : memref<128xi32, #tpu.memory_space<vmem>>) semaphore(%run_scoped3A : memref<!tpu.dma_semaphore, #tpu.memory_space<semaphore_mem>>) {add = true}
        %dma_wait3A_188 = arith.constant 0 : i32
        %dma_wait3A_189 = arith.constant 0 : i32
        %dma_wait3A_190 = tpu.memref_slice %arg7[%dma_wait3A_188, %dma_wait3A_189] : memref<512x128xf32, #tpu.memory_space<vmem>> -> memref<128x128xf32, #tpu.memory_space<vmem>>
        %dma_wait3A_191 = arith.constant 0 : i32
        %dma_wait3A_192 = tpu.memref_slice %arg6[%add3A_94, %dma_wait3A_191] : memref<160x128xi32, #tpu.memory_space<vmem>> -> memref<1x128xi32, #tpu.memory_space<vmem>>
        %dma_wait3A_193 = tpu.memref_squeeze %dma_wait3A_192 : memref<1x128xi32, #tpu.memory_space<vmem>> -> memref<128xi32, #tpu.memory_space<vmem>>
        %dma_wait3A_194 = arith.constant 0 : i32
        %dma_wait3A_195 = arith.constant 0 : i32
        %dma_wait3A_196 = tpu.memref_slice %arg8[%dma_wait3A_194, %dma_wait3A_195] : memref<5248x128xf32, #tpu.memory_space<vmem_shared>> -> memref<5248x128xf32, #tpu.memory_space<vmem_shared>>
        tpu.wait_indirect_dma semaphore(%run_scoped3A : memref<!tpu.dma_semaphore, #tpu.memory_space<semaphore_mem>>) src(%dma_wait3A_190 : memref<128x128xf32, #tpu.memory_space<vmem>>) dst(%dma_wait3A_196 : memref<5248x128xf32, #tpu.memory_space<vmem_shared>>)
        tpu.yield
      }) : () -> ()
      %mul3A_110 = arith.constant 4 : i32
      %mul3A_111 = arith.muli %scan3A_90, %mul3A_110 : i32
      %add3A_112 = arith.constant 1 : i32
      %add3A_113 = arith.addi %mul3A_111, %add3A_112 : i32
      %dma_wait3A_114 = arith.constant 128 : i32
      %dma_wait3A_115 = arith.constant 0 : i32
      %dma_wait3A_116 = tpu.memref_slice %arg7[%dma_wait3A_114, %dma_wait3A_115] : memref<512x128xf32, #tpu.memory_space<vmem>> -> memref<128x128xf32, #tpu.memory_space<vmem>>
      %dma_wait3A_117 = arith.constant 0 : i32
      %dma_wait3A_118 = arith.constant 0 : i32
      %dma_wait3A_119 = tpu.memref_slice %arg2[%dma_wait3A_117, %dma_wait3A_118] : memref<655360x128xf32, #tpu.memory_space<hbm>> -> memref<128x128xf32, #tpu.memory_space<hbm>>
      %dma_wait3A_120 = arith.constant 128 : i32
      %dma_wait3A_121 = arith.constant 0 : i32
      %dma_wait3A_122 = tpu.memref_slice %arg7[%dma_wait3A_120, %dma_wait3A_121] : memref<512x128xf32, #tpu.memory_space<vmem>> -> memref<128x128xf32, #tpu.memory_space<vmem>>
      %dma_wait3A_123 = arith.constant 0 : i32
      %dma_wait3A_124 = arith.constant 0 : i32
      %dma_wait3A_125 = tpu.memref_slice %arg2[%dma_wait3A_123, %dma_wait3A_124] : memref<655360x128xf32, #tpu.memory_space<hbm>> -> memref<128x128xf32, #tpu.memory_space<hbm>>
      tpu.wait_dma2 semaphore(%arg10 : memref<!tpu.dma_semaphore, #tpu.memory_space<semaphore_mem>>) src(%dma_wait3A_125 : memref<128x128xf32, #tpu.memory_space<hbm>>) dst(%dma_wait3A_122 : memref<128x128xf32, #tpu.memory_space<vmem>>)
      %add3A_126 = arith.constant 2 : i32
      %add3A_127 = arith.addi %add3A_113, %add3A_126 : i32
      %lt3A_128 = arith.constant 160 : i32
      %lt3A_129 = arith.cmpi slt, %add3A_127, %lt3A_128 : i32
      %convert_element_type3A_130 = arith.extui %lt3A_129 : i1 to i32
      %cond3A_131 = arith.constant 0 : i32
      %cond3A_132 = arith.cmpi ne, %convert_element_type3A_130, %cond3A_131 : i32
      scf.if %cond3A_132 {
        %add3A_179 = arith.constant 2 : i32
        %add3A_180 = arith.addi %add3A_113, %add3A_179 : i32
        %mul3A_181 = arith.constant 128 : i32
        %mul3A_182 = arith.muli %add3A_180, %mul3A_181 : i32
        %add3A_183 = arith.addi %add3A_51, %mul3A_182 : i32
        %dma_start3A_184 = arith.constant 384 : i32
        %dma_start3A_185 = arith.constant 0 : i32
        %dma_start3A_186 = tpu.memref_slice %arg7[%dma_start3A_184, %dma_start3A_185] : memref<512x128xf32, #tpu.memory_space<vmem>> -> memref<128x128xf32, #tpu.memory_space<vmem>>
        %dma_start3A_187 = arith.constant 0 : i32
        %dma_start3A_188 = tpu.memref_slice %arg2[%add3A_183, %dma_start3A_187] : memref<655360x128xf32, #tpu.memory_space<hbm>> -> memref<128x128xf32, #tpu.memory_space<hbm>>
        %dma_start3A_189 = arith.constant 384 : i32
        %dma_start3A_190 = arith.constant 0 : i32
        %dma_start3A_191 = tpu.memref_slice %arg7[%dma_start3A_189, %dma_start3A_190] : memref<512x128xf32, #tpu.memory_space<vmem>> -> memref<128x128xf32, #tpu.memory_space<vmem>>
        %dma_start3A_192 = arith.constant 0 : i32
        %dma_start3A_193 = tpu.memref_slice %arg2[%add3A_183, %dma_start3A_192] : memref<655360x128xf32, #tpu.memory_space<hbm>> -> memref<128x128xf32, #tpu.memory_space<hbm>>
        tpu.enqueue_dma source(%dma_start3A_193 : memref<128x128xf32, #tpu.memory_space<hbm>>) target(%dma_start3A_191 : memref<128x128xf32, #tpu.memory_space<vmem>>) target_semaphore(%arg12 : memref<!tpu.dma_semaphore, #tpu.memory_space<semaphore_mem>>)
      } else {
      }
      "tpu.region"() ({
        %run_scoped3A = tpu.sem_alloc : memref<!tpu.dma_semaphore, #tpu.memory_space<semaphore_mem>>
        %dma_start3A_179 = arith.constant 128 : i32
        %dma_start3A_180 = arith.constant 0 : i32
        %dma_start3A_181 = tpu.memref_slice %arg7[%dma_start3A_179, %dma_start3A_180] : memref<512x128xf32, #tpu.memory_space<vmem>> -> memref<128x128xf32, #tpu.memory_space<vmem>>
        %dma_start3A_182 = arith.constant 0 : i32
        %dma_start3A_183 = tpu.memref_slice %arg6[%add3A_113, %dma_start3A_182] : memref<160x128xi32, #tpu.memory_space<vmem>> -> memref<1x128xi32, #tpu.memory_space<vmem>>
        %dma_start3A_184 = tpu.memref_squeeze %dma_start3A_183 : memref<1x128xi32, #tpu.memory_space<vmem>> -> memref<128xi32, #tpu.memory_space<vmem>>
        %dma_start3A_185 = arith.constant 0 : i32
        %dma_start3A_186 = arith.constant 0 : i32
        %dma_start3A_187 = tpu.memref_slice %arg8[%dma_start3A_185, %dma_start3A_186] : memref<5248x128xf32, #tpu.memory_space<vmem_shared>> -> memref<5248x128xf32, #tpu.memory_space<vmem_shared>>
        tpu.enqueue_indirect_dma source(%dma_start3A_181 : memref<128x128xf32, #tpu.memory_space<vmem>>) target(%dma_start3A_187 : memref<5248x128xf32, #tpu.memory_space<vmem_shared>>) offsets(%dma_start3A_184 : memref<128xi32, #tpu.memory_space<vmem>>) semaphore(%run_scoped3A : memref<!tpu.dma_semaphore, #tpu.memory_space<semaphore_mem>>) {add = true}
        %dma_wait3A_188 = arith.constant 128 : i32
        %dma_wait3A_189 = arith.constant 0 : i32
        %dma_wait3A_190 = tpu.memref_slice %arg7[%dma_wait3A_188, %dma_wait3A_189] : memref<512x128xf32, #tpu.memory_space<vmem>> -> memref<128x128xf32, #tpu.memory_space<vmem>>
        %dma_wait3A_191 = arith.constant 0 : i32
        %dma_wait3A_192 = tpu.memref_slice %arg6[%add3A_113, %dma_wait3A_191] : memref<160x128xi32, #tpu.memory_space<vmem>> -> memref<1x128xi32, #tpu.memory_space<vmem>>
        %dma_wait3A_193 = tpu.memref_squeeze %dma_wait3A_192 : memref<1x128xi32, #tpu.memory_space<vmem>> -> memref<128xi32, #tpu.memory_space<vmem>>
        %dma_wait3A_194 = arith.constant 0 : i32
        %dma_wait3A_195 = arith.constant 0 : i32
        %dma_wait3A_196 = tpu.memref_slice %arg8[%dma_wait3A_194, %dma_wait3A_195] : memref<5248x128xf32, #tpu.memory_space<vmem_shared>> -> memref<5248x128xf32, #tpu.memory_space<vmem_shared>>
        tpu.wait_indirect_dma semaphore(%run_scoped3A : memref<!tpu.dma_semaphore, #tpu.memory_space<semaphore_mem>>) src(%dma_wait3A_190 : memref<128x128xf32, #tpu.memory_space<vmem>>) dst(%dma_wait3A_196 : memref<5248x128xf32, #tpu.memory_space<vmem_shared>>)
        tpu.yield
      }) : () -> ()
      %mul3A_133 = arith.constant 4 : i32
      %mul3A_134 = arith.muli %scan3A_90, %mul3A_133 : i32
      %add3A_135 = arith.constant 2 : i32
      %add3A_136 = arith.addi %mul3A_134, %add3A_135 : i32
      %dma_wait3A_137 = arith.constant 256 : i32
      %dma_wait3A_138 = arith.constant 0 : i32
      %dma_wait3A_139 = tpu.memref_slice %arg7[%dma_wait3A_137, %dma_wait3A_138] : memref<512x128xf32, #tpu.memory_space<vmem>> -> memref<128x128xf32, #tpu.memory_space<vmem>>
      %dma_wait3A_140 = arith.constant 0 : i32
      %dma_wait3A_141 = arith.constant 0 : i32
      %dma_wait3A_142 = tpu.memref_slice %arg2[%dma_wait3A_140, %dma_wait3A_141] : memref<655360x128xf32, #tpu.memory_space<hbm>> -> memref<128x128xf32, #tpu.memory_space<hbm>>
      %dma_wait3A_143 = arith.constant 256 : i32
      %dma_wait3A_144 = arith.constant 0 : i32
      %dma_wait3A_145 = tpu.memref_slice %arg7[%dma_wait3A_143, %dma_wait3A_144] : memref<512x128xf32, #tpu.memory_space<vmem>> -> memref<128x128xf32, #tpu.memory_space<vmem>>
      %dma_wait3A_146 = arith.constant 0 : i32
      %dma_wait3A_147 = arith.constant 0 : i32
      %dma_wait3A_148 = tpu.memref_slice %arg2[%dma_wait3A_146, %dma_wait3A_147] : memref<655360x128xf32, #tpu.memory_space<hbm>> -> memref<128x128xf32, #tpu.memory_space<hbm>>
      tpu.wait_dma2 semaphore(%arg11 : memref<!tpu.dma_semaphore, #tpu.memory_space<semaphore_mem>>) src(%dma_wait3A_148 : memref<128x128xf32, #tpu.memory_space<hbm>>) dst(%dma_wait3A_145 : memref<128x128xf32, #tpu.memory_space<vmem>>)
      %add3A_149 = arith.constant 2 : i32
      %add3A_150 = arith.addi %add3A_136, %add3A_149 : i32
      %lt3A_151 = arith.constant 160 : i32
      %lt3A_152 = arith.cmpi slt, %add3A_150, %lt3A_151 : i32
      %convert_element_type3A_153 = arith.extui %lt3A_152 : i1 to i32
      %cond3A_154 = arith.constant 0 : i32
      %cond3A_155 = arith.cmpi ne, %convert_element_type3A_153, %cond3A_154 : i32
      scf.if %cond3A_155 {
        %add3A_179 = arith.constant 2 : i32
        %add3A_180 = arith.addi %add3A_136, %add3A_179 : i32
        %mul3A_181 = arith.constant 128 : i32
        %mul3A_182 = arith.muli %add3A_180, %mul3A_181 : i32
        %add3A_183 = arith.addi %add3A_51, %mul3A_182 : i32
        %dma_start3A_184 = arith.constant 0 : i32
        %dma_start3A_185 = arith.constant 0 : i32
        %dma_start3A_186 = tpu.memref_slice %arg7[%dma_start3A_184, %dma_start3A_185] : memref<512x128xf32, #tpu.memory_space<vmem>> -> memref<128x128xf32, #tpu.memory_space<vmem>>
        %dma_start3A_187 = arith.constant 0 : i32
        %dma_start3A_188 = tpu.memref_slice %arg2[%add3A_183, %dma_start3A_187] : memref<655360x128xf32, #tpu.memory_space<hbm>> -> memref<128x128xf32, #tpu.memory_space<hbm>>
        %dma_start3A_189 = arith.constant 0 : i32
        %dma_start3A_190 = arith.constant 0 : i32
        %dma_start3A_191 = tpu.memref_slice %arg7[%dma_start3A_189, %dma_start3A_190] : memref<512x128xf32, #tpu.memory_space<vmem>> -> memref<128x128xf32, #tpu.memory_space<vmem>>
        %dma_start3A_192 = arith.constant 0 : i32
        %dma_start3A_193 = tpu.memref_slice %arg2[%add3A_183, %dma_start3A_192] : memref<655360x128xf32, #tpu.memory_space<hbm>> -> memref<128x128xf32, #tpu.memory_space<hbm>>
        tpu.enqueue_dma source(%dma_start3A_193 : memref<128x128xf32, #tpu.memory_space<hbm>>) target(%dma_start3A_191 : memref<128x128xf32, #tpu.memory_space<vmem>>) target_semaphore(%arg9 : memref<!tpu.dma_semaphore, #tpu.memory_space<semaphore_mem>>)
      } else {
      }
      "tpu.region"() ({
        %run_scoped3A = tpu.sem_alloc : memref<!tpu.dma_semaphore, #tpu.memory_space<semaphore_mem>>
        %dma_start3A_179 = arith.constant 256 : i32
        %dma_start3A_180 = arith.constant 0 : i32
        %dma_start3A_181 = tpu.memref_slice %arg7[%dma_start3A_179, %dma_start3A_180] : memref<512x128xf32, #tpu.memory_space<vmem>> -> memref<128x128xf32, #tpu.memory_space<vmem>>
        %dma_start3A_182 = arith.constant 0 : i32
        %dma_start3A_183 = tpu.memref_slice %arg6[%add3A_136, %dma_start3A_182] : memref<160x128xi32, #tpu.memory_space<vmem>> -> memref<1x128xi32, #tpu.memory_space<vmem>>
        %dma_start3A_184 = tpu.memref_squeeze %dma_start3A_183 : memref<1x128xi32, #tpu.memory_space<vmem>> -> memref<128xi32, #tpu.memory_space<vmem>>
        %dma_start3A_185 = arith.constant 0 : i32
        %dma_start3A_186 = arith.constant 0 : i32
        %dma_start3A_187 = tpu.memref_slice %arg8[%dma_start3A_185, %dma_start3A_186] : memref<5248x128xf32, #tpu.memory_space<vmem_shared>> -> memref<5248x128xf32, #tpu.memory_space<vmem_shared>>
        tpu.enqueue_indirect_dma source(%dma_start3A_181 : memref<128x128xf32, #tpu.memory_space<vmem>>) target(%dma_start3A_187 : memref<5248x128xf32, #tpu.memory_space<vmem_shared>>) offsets(%dma_start3A_184 : memref<128xi32, #tpu.memory_space<vmem>>) semaphore(%run_scoped3A : memref<!tpu.dma_semaphore, #tpu.memory_space<semaphore_mem>>) {add = true}
        %dma_wait3A_188 = arith.constant 256 : i32
        %dma_wait3A_189 = arith.constant 0 : i32
        %dma_wait3A_190 = tpu.memref_slice %arg7[%dma_wait3A_188, %dma_wait3A_189] : memref<512x128xf32, #tpu.memory_space<vmem>> -> memref<128x128xf32, #tpu.memory_space<vmem>>
        %dma_wait3A_191 = arith.constant 0 : i32
        %dma_wait3A_192 = tpu.memref_slice %arg6[%add3A_136, %dma_wait3A_191] : memref<160x128xi32, #tpu.memory_space<vmem>> -> memref<1x128xi32, #tpu.memory_space<vmem>>
        %dma_wait3A_193 = tpu.memref_squeeze %dma_wait3A_192 : memref<1x128xi32, #tpu.memory_space<vmem>> -> memref<128xi32, #tpu.memory_space<vmem>>
        %dma_wait3A_194 = arith.constant 0 : i32
        %dma_wait3A_195 = arith.constant 0 : i32
        %dma_wait3A_196 = tpu.memref_slice %arg8[%dma_wait3A_194, %dma_wait3A_195] : memref<5248x128xf32, #tpu.memory_space<vmem_shared>> -> memref<5248x128xf32, #tpu.memory_space<vmem_shared>>
        tpu.wait_indirect_dma semaphore(%run_scoped3A : memref<!tpu.dma_semaphore, #tpu.memory_space<semaphore_mem>>) src(%dma_wait3A_190 : memref<128x128xf32, #tpu.memory_space<vmem>>) dst(%dma_wait3A_196 : memref<5248x128xf32, #tpu.memory_space<vmem_shared>>)
        tpu.yield
      }) : () -> ()
      %mul3A_156 = arith.constant 4 : i32
      %mul3A_157 = arith.muli %scan3A_90, %mul3A_156 : i32
      %add3A_158 = arith.constant 3 : i32
      %add3A_159 = arith.addi %mul3A_157, %add3A_158 : i32
      %dma_wait3A_160 = arith.constant 384 : i32
      %dma_wait3A_161 = arith.constant 0 : i32
      %dma_wait3A_162 = tpu.memref_slice %arg7[%dma_wait3A_160, %dma_wait3A_161] : memref<512x128xf32, #tpu.memory_space<vmem>> -> memref<128x128xf32, #tpu.memory_space<vmem>>
      %dma_wait3A_163 = arith.constant 0 : i32
      %dma_wait3A_164 = arith.constant 0 : i32
      %dma_wait3A_165 = tpu.memref_slice %arg2[%dma_wait3A_163, %dma_wait3A_164] : memref<655360x128xf32, #tpu.memory_space<hbm>> -> memref<128x128xf32, #tpu.memory_space<hbm>>
      %dma_wait3A_166 = arith.constant 384 : i32
      %dma_wait3A_167 = arith.constant 0 : i32
      %dma_wait3A_168 = tpu.memref_slice %arg7[%dma_wait3A_166, %dma_wait3A_167] : memref<512x128xf32, #tpu.memory_space<vmem>> -> memref<128x128xf32, #tpu.memory_space<vmem>>
      %dma_wait3A_169 = arith.constant 0 : i32
      %dma_wait3A_170 = arith.constant 0 : i32
      %dma_wait3A_171 = tpu.memref_slice %arg2[%dma_wait3A_169, %dma_wait3A_170] : memref<655360x128xf32, #tpu.memory_space<hbm>> -> memref<128x128xf32, #tpu.memory_space<hbm>>
      tpu.wait_dma2 semaphore(%arg12 : memref<!tpu.dma_semaphore, #tpu.memory_space<semaphore_mem>>) src(%dma_wait3A_171 : memref<128x128xf32, #tpu.memory_space<hbm>>) dst(%dma_wait3A_168 : memref<128x128xf32, #tpu.memory_space<vmem>>)
      %add3A_172 = arith.constant 2 : i32
      %add3A_173 = arith.addi %add3A_159, %add3A_172 : i32
      %lt3A_174 = arith.constant 160 : i32
      %lt3A_175 = arith.cmpi slt, %add3A_173, %lt3A_174 : i32
      %convert_element_type3A_176 = arith.extui %lt3A_175 : i1 to i32
      %cond3A_177 = arith.constant 0 : i32
      %cond3A_178 = arith.cmpi ne, %convert_element_type3A_176, %cond3A_177 : i32
      scf.if %cond3A_178 {
        %add3A_179 = arith.constant 2 : i32
        %add3A_180 = arith.addi %add3A_159, %add3A_179 : i32
        %mul3A_181 = arith.constant 128 : i32
        %mul3A_182 = arith.muli %add3A_180, %mul3A_181 : i32
        %add3A_183 = arith.addi %add3A_51, %mul3A_182 : i32
        %dma_start3A_184 = arith.constant 128 : i32
        %dma_start3A_185 = arith.constant 0 : i32
        %dma_start3A_186 = tpu.memref_slice %arg7[%dma_start3A_184, %dma_start3A_185] : memref<512x128xf32, #tpu.memory_space<vmem>> -> memref<128x128xf32, #tpu.memory_space<vmem>>
        %dma_start3A_187 = arith.constant 0 : i32
        %dma_start3A_188 = tpu.memref_slice %arg2[%add3A_183, %dma_start3A_187] : memref<655360x128xf32, #tpu.memory_space<hbm>> -> memref<128x128xf32, #tpu.memory_space<hbm>>
        %dma_start3A_189 = arith.constant 128 : i32
        %dma_start3A_190 = arith.constant 0 : i32
        %dma_start3A_191 = tpu.memref_slice %arg7[%dma_start3A_189, %dma_start3A_190] : memref<512x128xf32, #tpu.memory_space<vmem>> -> memref<128x128xf32, #tpu.memory_space<vmem>>
        %dma_start3A_192 = arith.constant 0 : i32
        %dma_start3A_193 = tpu.memref_slice %arg2[%add3A_183, %dma_start3A_192] : memref<655360x128xf32, #tpu.memory_space<hbm>> -> memref<128x128xf32, #tpu.memory_space<hbm>>
        tpu.enqueue_dma source(%dma_start3A_193 : memref<128x128xf32, #tpu.memory_space<hbm>>) target(%dma_start3A_191 : memref<128x128xf32, #tpu.memory_space<vmem>>) target_semaphore(%arg10 : memref<!tpu.dma_semaphore, #tpu.memory_space<semaphore_mem>>)
      } else {
      }
      "tpu.region"() ({
        %run_scoped3A = tpu.sem_alloc : memref<!tpu.dma_semaphore, #tpu.memory_space<semaphore_mem>>
        %dma_start3A_179 = arith.constant 384 : i32
        %dma_start3A_180 = arith.constant 0 : i32
        %dma_start3A_181 = tpu.memref_slice %arg7[%dma_start3A_179, %dma_start3A_180] : memref<512x128xf32, #tpu.memory_space<vmem>> -> memref<128x128xf32, #tpu.memory_space<vmem>>
        %dma_start3A_182 = arith.constant 0 : i32
        %dma_start3A_183 = tpu.memref_slice %arg6[%add3A_159, %dma_start3A_182] : memref<160x128xi32, #tpu.memory_space<vmem>> -> memref<1x128xi32, #tpu.memory_space<vmem>>
        %dma_start3A_184 = tpu.memref_squeeze %dma_start3A_183 : memref<1x128xi32, #tpu.memory_space<vmem>> -> memref<128xi32, #tpu.memory_space<vmem>>
        %dma_start3A_185 = arith.constant 0 : i32
        %dma_start3A_186 = arith.constant 0 : i32
        %dma_start3A_187 = tpu.memref_slice %arg8[%dma_start3A_185, %dma_start3A_186] : memref<5248x128xf32, #tpu.memory_space<vmem_shared>> -> memref<5248x128xf32, #tpu.memory_space<vmem_shared>>
        tpu.enqueue_indirect_dma source(%dma_start3A_181 : memref<128x128xf32, #tpu.memory_space<vmem>>) target(%dma_start3A_187 : memref<5248x128xf32, #tpu.memory_space<vmem_shared>>) offsets(%dma_start3A_184 : memref<128xi32, #tpu.memory_space<vmem>>) semaphore(%run_scoped3A : memref<!tpu.dma_semaphore, #tpu.memory_space<semaphore_mem>>) {add = true}
        %dma_wait3A_188 = arith.constant 384 : i32
        %dma_wait3A_189 = arith.constant 0 : i32
        %dma_wait3A_190 = tpu.memref_slice %arg7[%dma_wait3A_188, %dma_wait3A_189] : memref<512x128xf32, #tpu.memory_space<vmem>> -> memref<128x128xf32, #tpu.memory_space<vmem>>
        %dma_wait3A_191 = arith.constant 0 : i32
        %dma_wait3A_192 = tpu.memref_slice %arg6[%add3A_159, %dma_wait3A_191] : memref<160x128xi32, #tpu.memory_space<vmem>> -> memref<1x128xi32, #tpu.memory_space<vmem>>
        %dma_wait3A_193 = tpu.memref_squeeze %dma_wait3A_192 : memref<1x128xi32, #tpu.memory_space<vmem>> -> memref<128xi32, #tpu.memory_space<vmem>>
        %dma_wait3A_194 = arith.constant 0 : i32
        %dma_wait3A_195 = arith.constant 0 : i32
        %dma_wait3A_196 = tpu.memref_slice %arg8[%dma_wait3A_194, %dma_wait3A_195] : memref<5248x128xf32, #tpu.memory_space<vmem_shared>> -> memref<5248x128xf32, #tpu.memory_space<vmem_shared>>
        tpu.wait_indirect_dma semaphore(%run_scoped3A : memref<!tpu.dma_semaphore, #tpu.memory_space<semaphore_mem>>) src(%dma_wait3A_190 : memref<128x128xf32, #tpu.memory_space<vmem>>) dst(%dma_wait3A_196 : memref<5248x128xf32, #tpu.memory_space<vmem_shared>>)
        tpu.yield
      }) : () -> ()
    }
    %scan3A_81 = arith.constant 40 : i32
    %barrier3A_82 = arith.constant 0 : index
    tpu.barrier barrier_id(%barrier3A_82)
    %mul3A_83 = arith.constant 320 : i32
    %mul3A_84 = arith.muli %arg1, %mul3A_83 : i32
    %mul3A_85 = arith.constant 5120 : i32
    %mul3A_86 = arith.muli %arg0, %mul3A_85 : i32
    %mul3A_87 = arith.constant 320 : i32
    %mul3A_88 = arith.muli %arg1, %mul3A_87 : i32
    %add3A_89 = arith.addi %mul3A_86, %mul3A_88 : i32
    "tpu.region"() ({
      %run_scoped3A = tpu.sem_alloc : memref<!tpu.dma_semaphore, #tpu.memory_space<semaphore_mem>>
      %dma_start3A_90 = arith.constant 0 : i32
      %dma_start3A_91 = tpu.memref_slice %arg5[%add3A_89, %dma_start3A_90] : memref<10240x128xf32, #tpu.memory_space<hbm>> -> memref<320x128xf32, #tpu.memory_space<hbm>>
      %dma_start3A_92 = arith.constant 0 : i32
      %dma_start3A_93 = tpu.memref_slice %arg8[%mul3A_84, %dma_start3A_92] : memref<5248x128xf32, #tpu.memory_space<vmem_shared>> -> memref<320x128xf32, #tpu.memory_space<vmem_shared>>
      tpu.enqueue_dma source(%dma_start3A_93 : memref<320x128xf32, #tpu.memory_space<vmem_shared>>) target(%dma_start3A_91 : memref<320x128xf32, #tpu.memory_space<hbm>>) target_semaphore(%run_scoped3A : memref<!tpu.dma_semaphore, #tpu.memory_space<semaphore_mem>>)
      %dma_wait3A = arith.constant 0 : i32
      %dma_wait3A_94 = tpu.memref_slice %arg5[%add3A_89, %dma_wait3A] : memref<10240x128xf32, #tpu.memory_space<hbm>> -> memref<320x128xf32, #tpu.memory_space<hbm>>
      %dma_wait3A_95 = arith.constant 0 : i32
      %dma_wait3A_96 = tpu.memref_slice %arg8[%mul3A_84, %dma_wait3A_95] : memref<5248x128xf32, #tpu.memory_space<vmem_shared>> -> memref<320x128xf32, #tpu.memory_space<vmem_shared>>
      tpu.wait_dma2 semaphore(%run_scoped3A : memref<!tpu.dma_semaphore, #tpu.memory_space<semaphore_mem>>) src(%dma_wait3A_96 : memref<320x128xf32, #tpu.memory_space<vmem_shared>>) dst(%dma_wait3A_94 : memref<320x128xf32, #tpu.memory_space<hbm>>)
      tpu.yield
    }) : () -> ()
    return
  }
}

module attributes {stable_mosaic.version = 14 : i64} {
  func.func @_tc_edge_body(%arg0: i32, %arg1: memref<1024x33xf32, #tpu.memory_space<vmem>>, %arg2: memref<1024x128xf32, #tpu.memory_space<vmem>>, %arg3: memref<1024x128xf32, #tpu.memory_space<vmem>>, %arg4: memref<33x128xf32, #tpu.memory_space<vmem>>, %arg5: memref<1x128xf32, #tpu.memory_space<vmem>>, %arg6: memref<640x640xbf16, #tpu.memory_space<vmem>>, %arg7: memref<2x1024x128xf32, #tpu.memory_space<vmem>>) attributes {dimension_semantics = [#tpu.dimension_semantics<arbitrary>], iteration_bounds = array<i64: 320>, scalar_prefetch = 0 : i64, scratch_operands = 0 : i64, tpu.core_type = #tpu.core_type<tc>, window_params = [{transform_indices = @transform_0, window_bounds = array<i64: 1024, 33>}, {transform_indices = @transform_1, window_bounds = array<i64: 1024, 128>}, {transform_indices = @transform_2, window_bounds = array<i64: 1024, 128>}, {pipeline_mode = #tpu.pipeline_mode<synchronous>, transform_indices = @transform_3, window_bounds = array<i64: 33, 128>}, {pipeline_mode = #tpu.pipeline_mode<synchronous>, transform_indices = @transform_4, window_bounds = array<i64: 1, 128>}, {pipeline_mode = #tpu.pipeline_mode<synchronous>, transform_indices = @transform_5, window_bounds = array<i64: 640, 640>}, {transform_indices = @transform_6, window_bounds = array<i64: 2, 1024, 128>}]} {
    %get3A = arith.constant 0 : index
    %get3A_0 = arith.constant 0 : index
    %get3A_1 = vector.load %arg1[%get3A, %get3A_0] : memref<1024x33xf32, #tpu.memory_space<vmem>>, vector<1024x33xf32>
    %get3A_2 = arith.constant 0 : index
    %get3A_3 = arith.constant 0 : index
    %get3A_4 = vector.load %arg4[%get3A_2, %get3A_3] : memref<33x128xf32, #tpu.memory_space<vmem>>, vector<33x128xf32>
    %dot_general3A = arith.constant dense<0.000000e+00> : vector<1024x128xf32>
    %dot_general3A_5 = tpu.matmul %get3A_1, %get3A_4, %dot_general3A {dimension_numbers = #tpu.dot_dimension_numbers<[1], [0], [0], [1], [0, 0, 1, 1], [], []>, transpose_lhs_hint = false} : vector<1024x33xf32>, vector<33x128xf32>, vector<1024x128xf32> -> vector<1024x128xf32>
    %get3A_6 = arith.constant 0 : index
    %get3A_7 = arith.constant 0 : index
    %get3A_8 = vector.load %arg5[%get3A_6, %get3A_7] : memref<1x128xf32, #tpu.memory_space<vmem>>, vector<1x128xf32>
    %add3A = vector.broadcast %get3A_8 : vector<1x128xf32> to vector<1024x128xf32>
    %add3A_9 = arith.addf %dot_general3A_5, %add3A : vector<1024x128xf32>
    %logistic3A = arith.negf %add3A_9 : vector<1024x128xf32>
    %logistic3A_10 = math.exp %logistic3A : vector<1024x128xf32>
    %logistic3A_11 = arith.constant 1.000000e+00 : f32
    %logistic3A_12 = vector.broadcast %logistic3A_11 : f32 to vector<1024x128xf32>
    %logistic3A_13 = arith.addf %logistic3A_12, %logistic3A_10 : vector<1024x128xf32>
    %logistic3A_14 = arith.divf %logistic3A_12, %logistic3A_13 : vector<1024x128xf32>
    %mul3A = arith.mulf %add3A_9, %logistic3A_14 : vector<1024x128xf32>
    %get3A_15 = arith.constant 0 : index
    %get3A_16 = arith.constant 0 : index
    %get3A_17 = vector.load %arg2[%get3A_15, %get3A_16] : memref<1024x128xf32, #tpu.memory_space<vmem>>, vector<1024x128xf32>
    %get3A_18 = arith.constant 0 : index
    %get3A_19 = arith.constant 0 : index
    %get3A_20 = vector.load %arg3[%get3A_18, %get3A_19] : memref<1024x128xf32, #tpu.memory_space<vmem>>, vector<1024x128xf32>
    %sub3A = arith.subf %get3A_17, %get3A_20 : vector<1024x128xf32>
    %mul3A_21 = arith.mulf %mul3A, %sub3A : vector<1024x128xf32>
    %add3A_22 = arith.addf %get3A_17, %get3A_20 : vector<1024x128xf32>
    %mul3A_23 = arith.mulf %mul3A, %add3A_22 : vector<1024x128xf32>
    %mul3A_24 = arith.constant 5.000000e-01 : f32
    %mul3A_25 = vector.broadcast %mul3A_24 : f32 to vector<1024x128xf32>
    %mul3A_26 = arith.mulf %mul3A_23, %mul3A_25 : vector<1024x128xf32>
    %mul3A_27 = arith.mulf %mul3A_21, %mul3A_26 : vector<1024x128xf32>
    %mul3A_28 = arith.mulf %mul3A_21, %mul3A_21 : vector<1024x128xf32>
    %mul3A_29 = arith.mulf %mul3A_26, %mul3A_26 : vector<1024x128xf32>
    %concatenate3A = tpu.concatenate %mul3A_21, %mul3A_26, %mul3A_27, %mul3A_28, %mul3A_29 in 1 : vector<1024x128xf32>, vector<1024x128xf32>, vector<1024x128xf32>, vector<1024x128xf32>, vector<1024x128xf32> -> vector<1024x640xf32>
    %get3A_30 = arith.constant 0 : index
    %get3A_31 = arith.constant 0 : index
    %get3A_32 = vector.load %arg6[%get3A_30, %get3A_31] : memref<640x640xbf16, #tpu.memory_space<vmem>>, vector<640x640xbf16>
    %convert_element_type3A = arith.truncf %concatenate3A : vector<1024x640xf32> to vector<1024x640xbf16>
    %tanh3A = math.tanh %convert_element_type3A : vector<1024x640xbf16>
    %dot_general3A_33 = arith.constant dense<0.000000e+00> : vector<1024x640xf32>
    %dot_general3A_34 = tpu.matmul %tanh3A, %get3A_32, %dot_general3A_33 {dimension_numbers = #tpu.dot_dimension_numbers<[1], [0], [0], [1], [0, 0, 1, 1], [], []>, transpose_lhs_hint = false} : vector<1024x640xbf16>, vector<640x640xbf16>, vector<1024x640xf32> -> vector<1024x640xf32>
    %reduce_sum3A = arith.constant dense<0.000000e+00> : vector<1024xf32>
    %reduce_sum3A_35 = vector.multi_reduction <add>, %dot_general3A_34, %reduce_sum3A [1] : vector<1024x640xf32> to vector<1024xf32>
    %broadcast_in_dim3A = vector.shape_cast %reduce_sum3A_35 : vector<1024xf32> to vector<1024x1xf32>
    %div3A = arith.constant 6.400000e+02 : f32
    %div3A_36 = vector.broadcast %div3A : f32 to vector<1024x1xf32>
    %div3A_37 = arith.divf %broadcast_in_dim3A, %div3A_36 : vector<1024x1xf32>
    %sub3A_38 = vector.broadcast %div3A_37 : vector<1024x1xf32> to vector<1024x640xf32>
    %sub3A_39 = arith.subf %dot_general3A_34, %sub3A_38 : vector<1024x640xf32>
    %mul3A_40 = arith.mulf %sub3A_39, %sub3A_39 : vector<1024x640xf32>
    %reduce_sum3A_41 = arith.constant dense<0.000000e+00> : vector<1024xf32>
    %reduce_sum3A_42 = vector.multi_reduction <add>, %mul3A_40, %reduce_sum3A_41 [1] : vector<1024x640xf32> to vector<1024xf32>
    %broadcast_in_dim3A_43 = vector.shape_cast %reduce_sum3A_42 : vector<1024xf32> to vector<1024x1xf32>
    %add3A_44 = arith.constant 1.000000e-03 : f32
    %add3A_45 = vector.broadcast %add3A_44 : f32 to vector<1024x1xf32>
    %add3A_46 = arith.addf %broadcast_in_dim3A_43, %add3A_45 : vector<1024x1xf32>
    %rsqrt3A = math.rsqrt %add3A_46 : vector<1024x1xf32>
    %mul3A_47 = vector.broadcast %rsqrt3A : vector<1024x1xf32> to vector<1024x640xf32>
    %mul3A_48 = arith.mulf %sub3A_39, %mul3A_47 : vector<1024x640xf32>
    %convert_element_type3A_49 = arith.truncf %mul3A_48 : vector<1024x640xf32> to vector<1024x640xbf16>
    %tanh3A_50 = math.tanh %convert_element_type3A_49 : vector<1024x640xbf16>
    %dot_general3A_51 = arith.constant dense<0.000000e+00> : vector<1024x640xf32>
    %dot_general3A_52 = tpu.matmul %tanh3A_50, %get3A_32, %dot_general3A_51 {dimension_numbers = #tpu.dot_dimension_numbers<[1], [0], [0], [1], [0, 0, 1, 1], [], []>, transpose_lhs_hint = false} : vector<1024x640xbf16>, vector<640x640xbf16>, vector<1024x640xf32> -> vector<1024x640xf32>
    %tanh3A_53 = math.tanh %dot_general3A_52 : vector<1024x640xf32>
    %slice3A = vector.extract_strided_slice %tanh3A_53 {offsets = [0, 0], sizes = [1024, 128], strides = [1, 1]} : vector<1024x640xf32> to vector<1024x128xf32>
    %slice3A_54 = vector.extract_strided_slice %tanh3A_53 {offsets = [0, 128], sizes = [1024, 128], strides = [1, 1]} : vector<1024x640xf32> to vector<1024x128xf32>
    %slice3A_55 = vector.extract_strided_slice %tanh3A_53 {offsets = [0, 256], sizes = [1024, 128], strides = [1, 1]} : vector<1024x640xf32> to vector<1024x128xf32>
    %add3A_56 = arith.addf %slice3A_54, %slice3A_55 : vector<1024x128xf32>
    %slice3A_57 = vector.extract_strided_slice %tanh3A_53 {offsets = [0, 384], sizes = [1024, 128], strides = [1, 1]} : vector<1024x640xf32> to vector<1024x128xf32>
    %add3A_58 = arith.addf %add3A_56, %slice3A_57 : vector<1024x128xf32>
    %slice3A_59 = vector.extract_strided_slice %tanh3A_53 {offsets = [0, 512], sizes = [1024, 128], strides = [1, 1]} : vector<1024x640xf32> to vector<1024x128xf32>
    %add3A_60 = arith.addf %add3A_58, %slice3A_59 : vector<1024x128xf32>
    %mul3A_61 = arith.constant 5.000000e-01 : f32
    %mul3A_62 = vector.broadcast %mul3A_61 : f32 to vector<1024x128xf32>
    %mul3A_63 = arith.mulf %mul3A_62, %add3A_60 : vector<1024x128xf32>
    %add3A_64 = arith.addf %mul3A_63, %slice3A : vector<1024x128xf32>
    %mul3A_65 = arith.mulf %mul3A, %add3A_64 : vector<1024x128xf32>
    %swap3A = arith.constant 0 : index
    %swap3A_66 = arith.constant 0 : index
    %swap3A_67 = arith.constant 0 : index
    %swap3A_68 = vector.load %arg7[%swap3A, %swap3A_66, %swap3A_67] : memref<2x1024x128xf32, #tpu.memory_space<vmem>>, vector<1x1024x128xf32>
    %swap3A_69 = vector.shape_cast %swap3A_68 : vector<1x1024x128xf32> to vector<1024x128xf32>
    %swap3A_70 = vector.shape_cast %mul3A_65 : vector<1024x128xf32> to vector<1x1024x128xf32>
    tpu.vector_store %arg7[%swap3A, %swap3A_66, %swap3A_67], %swap3A_70 {strides = array<i32>} : memref<2x1024x128xf32, #tpu.memory_space<vmem>>, vector<1x1024x128xf32>,
    %sub3A_71 = arith.subf %mul3A_63, %slice3A : vector<1024x128xf32>
    %mul3A_72 = arith.mulf %mul3A, %sub3A_71 : vector<1024x128xf32>
    %swap3A_73 = arith.constant 1 : index
    %swap3A_74 = arith.constant 0 : index
    %swap3A_75 = arith.constant 0 : index
    %swap3A_76 = vector.load %arg7[%swap3A_73, %swap3A_74, %swap3A_75] : memref<2x1024x128xf32, #tpu.memory_space<vmem>>, vector<1x1024x128xf32>
    %swap3A_77 = vector.shape_cast %swap3A_76 : vector<1x1024x128xf32> to vector<1024x128xf32>
    %swap3A_78 = vector.shape_cast %mul3A_72 : vector<1024x128xf32> to vector<1x1024x128xf32>
    tpu.vector_store %arg7[%swap3A_73, %swap3A_74, %swap3A_75], %swap3A_78 {strides = array<i32>} : memref<2x1024x128xf32, #tpu.memory_space<vmem>>, vector<1x1024x128xf32>,
    return
  }
  func.func @transform_0(%arg0: i32) -> (i32, i32) {
    %min3A = arith.constant 312 : i32
    %min3A_0 = arith.minsi %arg0, %min3A : i32
    %c0_i32 = arith.constant 0 : i32
    %c0_i32_1 = arith.constant 0 : i32
    return %min3A_0, %c0_i32 : i32, i32
  }
  func.func @transform_1(%arg0: i32) -> (i32, i32) {
    %c0_i32 = arith.constant 0 : i32
    %c0_i32_0 = arith.constant 0 : i32
    return %arg0, %c0_i32 : i32, i32
  }
  func.func @transform_2(%arg0: i32) -> (i32, i32) {
    %add3A = arith.constant 320 : i32
    %add3A_0 = arith.addi %add3A, %arg0 : i32
    %c0_i32 = arith.constant 0 : i32
    %c0_i32_1 = arith.constant 0 : i32
    return %add3A_0, %c0_i32 : i32, i32
  }
  func.func @transform_3(%arg0: i32) -> (i32, i32) {
    %c0_i32 = arith.constant 0 : i32
    %c0_i32_0 = arith.constant 0 : i32
    %c0_i32_1 = arith.constant 0 : i32
    return %c0_i32, %c0_i32_0 : i32, i32
  }
  func.func @transform_4(%arg0: i32) -> (i32, i32) {
    %c0_i32 = arith.constant 0 : i32
    %c0_i32_0 = arith.constant 0 : i32
    %c0_i32_1 = arith.constant 0 : i32
    return %c0_i32, %c0_i32_0 : i32, i32
  }
  func.func @transform_5(%arg0: i32) -> (i32, i32) {
    %c0_i32 = arith.constant 0 : i32
    %c0_i32_0 = arith.constant 0 : i32
    %c0_i32_1 = arith.constant 0 : i32
    return %c0_i32, %c0_i32_0 : i32, i32
  }
  func.func @transform_6(%arg0: i32) -> (i32, i32, i32) {
    %c0_i32 = arith.constant 0 : i32
    %c0_i32_0 = arith.constant 0 : i32
    %c0_i32_1 = arith.constant 0 : i32
    return %c0_i32, %arg0, %c0_i32_0 : i32, i32, i32
  }
}

</mosaic_0001>

<sc_bundles>
// kernel: kernel.5.cloned.1.call-start
scs
__scs_entry_jumppad:
0x0: {  	(pc) =	sbr.rel $0x88, $3  }
0x1: {  	(tag) =	ssettag $0x0;
	lr =	simm.s32 $0x1  }
0x2: {  	[smem:$0x3F9A] =	sst lr;
	_ =	strace $0xD0000000  }
0x3: {  	_ = 	snop  }
0x4: {  	_ = 	snop  }
0x5: {  	_ = 	snop  }
0x6: {  	_ = 	snop  }
0x7: {  	_ = 	snop  }
__scs_overlays_trampoline_lowered:
0x8: {  	[smem:$0x3FA9] =	sst s0  }
0x9: {  	[smem:$0x3FAA] =	sst s1  }
0xa: {  	[smem:$0x3FAB] =	sst s2  }
0xb: {  	[smem:$0x3FAC] =	sst s3  }
0xc: {  	[smem:$0x3FAD] =	sst s4  }
0xd: {  	[smem:$0x3FAE] =	sst s5  }
0xe: {  	[smem:$0x3FAF] =	sst s6  }
0xf: {  	[smem:$0x3FB0] =	sst s7  }
0x10: {  	[smem:$0x3FB1] =	sst s8  }
0x11: {  	[smem:$0x3FB2] =	sst s9;
	s0 =	simm.s32 @!p0 $0x0  }
0x12: {  	s1 =	sld [smem:$0x3F98];
	s0 =	simm.s32 @p0 $0x1  }
0x13: {  	[smem:$0x3FB3] =	sst s0;
	s0 =	simm.s32 @!p1 $0x0  }
0x14: {  	s2 =	sld [smem:$0x3F97];
	s0 =	simm.s32 @p1 $0x1  }
0x15: {  	[smem:$0x3FB4] =	sst s0;
	s0 =	simm.s32 @!p2 $0x0  }
0x16: {  	s3 =	sld [smem:$0x3FDB];
	s0 =	simm.s32 @p2 $0x1  }
0x17: {  	s4 =	simm.s32 $0x1BF5;
	[smem:$0x3FB6] =	sst s0  }
0x18: {  	s0 =	sld [smem:$0x3F99];
	_ =	swait.ge [sflag:s4], $0x0  }
0x19: {  	s7 =	sld [smem:$0x3F9A]  }
0x1a: {  	s8 =	sadd.s32 $0xFFFFE003, lr  }
0x1b: {  	s9 =	sadd.s32 $0xFFFFFEF7, lr;
	s5 =	simm.s32 $0xFFFFFFFF;
	p2 =	slt.u32 s8, $0xFFFFF086  }
0x1c: {  	p1 =	slt.u32 s9, $0xF7A;
	s5 =	simm.s32 @!p2 $0x0  }
0x1d: {  	s5 =	simm.s32 @p1 $0x1;
	p0 =	seq.s32 s7, s2  }
0x1e: {  	s7 =	smul.u32 @!p0 $0xF7A, s2;
	p2 =	seq.s32 @!p0 s5, $0x0  }
0x1f: {  	s9 =	smul.u32 $0xF7A, s1;
	s8 =	simm.s32 @!p0 $0x1BF5;
	p2 =	por !p2, p0  }
0x20: {  	[sflag:s8] =	ssyncset.s32 @!p0 $0xFFFFF086;
	s6 =	sadd.s32 @!p0 s3, s7;
	s7 =	simm.s32 @!p0 $0x108  }
0x21: {  	s3 =	sadd.s32 s3, s9;
	s6 =	sadd.s32 @!p0 $0x88, s6;
	s7 =	simm.s32 @p2 $0x1082  }
0x22: {  	[simem:s7], [sflag:s8] =	dma.local @!p0 [hbm:s6], $0xF7A  }
0x23: {  	s9 =	sor.u32 $0xD0000000, s2;
	s6 =	simm.s32 $0x108;
	_ =	swait.ge @!p0 [sflag:s8], $0x0  }
0x24: {  	s3 =	sadd.s32 $0x88, s3;
	s6 =	simm.s32 @!p1 $0x1082;
	[sflag:s4] =	ssyncset.s32 $0xFFFFF086  }
0x25: {  	[simem:s6], [sflag:s4] =	dma.local [hbm:s3], $0xF7A  }
0x26: {  	[smem:$0x3F9A] =	sst s1;
	(tag) =	ssettag s2;
	_ =	strace s9  }
0x27: {  	s1 =	sld [smem:$0x3FAA]  }
0x28: {  	s2 =	sld [smem:$0x3FAB]  }
0x29: {  	s4 =	sld [smem:$0x3FAD]  }
0x2a: {  	p0 =	seq.s32 s5, $0x0;
	s5 =	sld [smem:$0x3FAE]  }
0x2b: {  	s6 =	sld [smem:$0x3FAF]  }
0x2c: {  	s7 =	sld [smem:$0x3FB0]  }
0x2d: {  	s3 =	simm.s32 $0x108;
	s8 =	sld [smem:$0x3FB1]  }
0x2e: {  	s3 =	simm.s32 @!p0 $0x1082;
	s9 =	sld [smem:$0x3FB2]  }
0x2f: {  	lr =	sadd.s32 s0, s3;
	s0 =	sld [smem:$0x3FA9]  }
0x30: {  	s3 =	sld [smem:$0x3FAC]  }
0x31: {  	[smem:$0x3FB5] =	sst s10  }
0x32: {  	s10 =	sld [smem:$0x3FB3];
	_ =	sdelay $0x3  }
0x33: {  	p0 =	seq.s32 s10, $0x1;
	s10 =	sld [smem:$0x3FB5];
	_ =	sdelay $0x3  }
0x34: {  	[smem:$0x3FB5] =	sst s10  }
0x35: {  	s10 =	sld [smem:$0x3FB4];
	_ =	sdelay $0x3  }
0x36: {  	p1 =	seq.s32 s10, $0x1;
	s10 =	sld [smem:$0x3FB5];
	_ =	sdelay $0x3  }
0x37: {  	[smem:$0x3FB5] =	sst s10  }
0x38: {  	s10 =	sld [smem:$0x3FB6]  }
0x39: {  	_ = 	snop;
	(pc) =	sbr.ind lr, $3  }
0x3a: {  	_ = 	snop  }
0x3b: {  	_ = 	snop  }
0x3c: {  	p2 =	seq.s32 s10, $0x1;
	s10 =	sld [smem:$0x3FB5]  }
0x3d: {  	_ =	shalt  }
0x3e: {  	_ =	shalt  }
0x3f: {  	_ =	shalt  }
0x40: {  	_ =	shalt  }
0x41: {  	_ =	shalt  }
0x42: {  	_ =	shalt  }
0x43: {  	_ =	shalt  }
0x44: {  	_ =	shalt  }
0x45: {  	_ =	shalt  }
0x46: {  	_ =	shalt  }
0x47: {  	_ =	shalt  }
0x48: {  	_ =	shalt  }
0x49: {  	_ =	shalt  }
0x4a: {  	_ =	shalt  }
0x4b: {  	_ =	shalt  }
0x4c: {  	_ =	shalt  }
0x4d: {  	_ =	shalt  }
0x4e: {  	_ =	shalt  }
0x4f: {  	_ =	shalt  }
0x50: {  	_ =	shalt  }
0x51: {  	_ =	shalt  }
0x52: {  	_ =	shalt  }
0x53: {  	_ =	shalt  }
0x54: {  	_ =	shalt  }
0x55: {  	_ =	shalt  }
0x56: {  	_ =	shalt  }
0x57: {  	_ =	shalt  }
0x58: {  	_ =	shalt  }
0x59: {  	_ =	shalt  }
0x5a: {  	_ =	shalt  }
0x5b: {  	_ =	shalt  }
0x5c: {  	_ =	shalt  }
0x5d: {  	_ =	shalt  }
0x5e: {  	_ =	shalt  }
0x5f: {  	_ =	shalt  }
0x60: {  	_ =	shalt  }
0x61: {  	_ =	shalt  }
0x62: {  	_ =	shalt  }
0x63: {  	_ =	shalt  }
0x64: {  	_ =	shalt  }
0x65: {  	_ =	shalt  }
0x66: {  	_ =	shalt  }
0x67: {  	_ =	shalt  }
0x68: {  	_ =	shalt  }
0x69: {  	_ =	shalt  }
0x6a: {  	_ =	shalt  }
0x6b: {  	_ =	shalt  }
0x6c: {  	_ =	shalt  }
0x6d: {  	_ =	shalt  }
0x6e: {  	_ =	shalt  }
0x6f: {  	_ =	shalt  }
0x70: {  	_ =	shalt  }
0x71: {  	_ =	shalt  }
0x72: {  	_ =	shalt  }
0x73: {  	_ =	shalt  }
0x74: {  	_ =	shalt  }
0x75: {  	_ =	shalt  }
0x76: {  	_ =	shalt  }
0x77: {  	_ =	shalt  }
0x78: {  	_ =	shalt  }
0x79: {  	_ =	shalt  }
0x7a: {  	_ =	shalt  }
0x7b: {  	_ =	shalt  }
0x7c: {  	_ =	shalt  }
0x7d: {  	_ =	shalt  }
0x7e: {  	_ =	shalt  }
0x7f: {  	_ =	shalt  }
0x80: {  	_ =	shalt  }
0x81: {  	_ =	shalt  }
0x82: {  	_ =	shalt  }
0x83: {  	_ =	shalt  }
0x84: {  	_ =	shalt  }
0x85: {  	_ =	shalt  }
0x86: {  	_ =	shalt  }
0x87: {  	_ =	shalt  }
.Lfunc_end0:
.L_simem_size_0:
called_computation_lowered:
.L_overlay_start_0:
0x88: {  	s2 =	sld [smem:$0x3FD9]  }
0x89: {  	s3 =	sld [smem:$0x3FFE];
	_ =	sdelay $0x1  }
0x8a: {  	s1 =	srdreg.scid  }
0x8b: {  	s0 =	sand.u32 $0x1, s1  }
0x8c: {  	s17 =	sshll.u32 s0, $0xA;
	s2 =	sadd.s32 s3, s2  }
0x8d: {  	s2 =	sadd.s32 s2, s17  }
0x8e: {  	[smem:$0x3FC1] =	sst s2  }
0x8f: {  	_ = 	snop  }
0x90: {  	s2 =	sld [smem:$0x3FC9]  }
0x91: {  	s18 =	sld [smem:$0x3FD0];
	(tm) =	ssettm $0x1  }
0x92: {  	s4 =	sld [smem:$0x3FFB];
	_ =	sdelay $0x3  }
0x93: {  	_ =	strace s4  }
0x94: {  	s4 =	sld [smem:$0x3FFC];
	_ =	sdelay $0x3  }
0x95: {  	_ =	strace s4  }
0x96: {  	s4 =	sld [smem:$0x3FFD];
	_ =	sdelay $0x3  }
0x97: {  	_ =	strace s4  }
0x98: {  	_ =	strace $0x8FFFFFFF  }
0x99: {  	s19 =	sld [smem:$0x3FDB];
	_ =	sdelay $0x1  }
0x9a: {  	s5 =	simm.s32 $_scs_section_size  }
0x9b: {  	s6 =	simm.s32 $_size__tile_overlayer_lowered;
	s7 =	simm.s32 $_tile_overlayer_lowered  }
0x9c: {  	s22 =	simm.s32 $0x1BFF;
	s21 =	sshll.u32 s7, $0x1;
	s4 =	sadd.s32 s5, s19  }
0x9d: {  	s8 =	simm.s32 $0x0;
	s20 =	sshll.u32 s6, $0x1;
	s6 =	sadd.s32 s21, s4  }
0x9e: {  	[timem:s8], [sflag:s22] =	dma.local [hbm:s6], s20  }
0x9f: {  	_ =	swait.ge [sflag:s22], s20  }
0xa0: {  	s5 =	ssub.s32 $0x0, s20;
	[sflag:s22] =	ssyncset.done $0x0  }
0xa1: {  	[sflag:s22] =	ssyncadd.s32 s5;
	_ =	sdelay $0x1  }
0xa2: {  	s23 =	simm.s32 $0x1B8B  }
0xa3: {  	_ =	swait.ge [sflag:s23], $0x1  }
0xa4: {  	[sflag:s23] =	ssyncset.done $0x0  }
0xa5: {  	s25 =	simm.s32 $0x1B8E;
	s24 =	sld [smem:$0x3FFE];
	[sflag:s23] =	ssyncadd.s32 $0xFFFFFFFF  }
0xa6: {  	s26 =	simm.s32 $execute0_lowered;
	[smem:$0x3FD2] =	sst s25  }
0xa7: {  	s6 =	sshll.u32 s26, $0x1;
	_ =	strace $0x80000046;
	[dreg:$0x1] =	wrdreg $0xFFFFFFFF  }
0xa8: {  	s28 =	simm.s32 $_size_execute0_lowered;
	s4 =	sadd.s32 s4, s6;
	[dreg:$0x0] =	wrdreg $0x0  }
0xa9: {  	s6 =	sshll.u32 s28, $0x1;
	[dreg:$0x2] =	wrdreg s4  }
0xaa: {  	[dreg:$0x3] =	wrdreg s6  }
0xab: {  	[dreg:$0x4] =	wrdreg $0xC0  }
0xac: {  	_ =	task [dreg:s8], $0x5FFFF  }
0xad: {  	[dreg:$0x1] =	wrdreg $0xFFFFFFFF  }
0xae: {  	[dreg:$0x0] =	wrdreg $0x60  }
0xaf: {  	[dreg:$0x2] =	wrdreg s2  }
0xb0: {  	[dreg:$0x3] =	wrdreg s18  }
0xb1: {  	[dreg:$0x4] =	wrdreg s24  }
0xb2: {  	[dreg:$0x5] =	wrdreg $0x9  }
0xb3: {  	_ =	task.clear_ibuf [dreg:s8], $0x6FFFF;
	_ =	strace $0x90000046  }
0xb4: {  	s29 =	simm.s32 $0x9;
	_ =	strace $0x80000048  }
0xb5: {  	_ =	swait.ge [sflag:s29], $0x1  }
0xb6: {  	[sflag:s29] =	ssyncadd.s32 $0xFFFFFFFF  }
0xb7: {  	_ =	strace $0x90000048  }
0xb8: {  	_ =	sfence  }
0xb9: {  	s30 =	sld [smem:$0x0];
	_ =	sdelay $0x2  }
0xba: {  	s31 =	sshll.u32 s1, $0xD;
	s1 =	sshrl.u32 s1, $0x2  }
0xbb: {  	s3 =	sand.u32 $0x4000, s31;
	s1 =	sadd.s32 s1, s30  }
0xbc: {  	s0 =	sor.u32 s3, s0;
	s1 =	sshll.u32 s1, $0x11  }
0xbd: {  	s0 =	sor.u32 s1, s0  }
0xbe: {  	s0 =	sadd.s32 $0x8F2B, s0  }
0xbf: {  	[sflag:s0] =	ssyncadd.remote.s32 $0x1  }
0xc0: {  	_ =	sfence.sel $0xFFFF  }
0xc1: {  	[dreg:$0x0] =	wrdreg $0xFFFFFFFF;
	(pc) =	sbr.abs _section_cstart, $3  }
0xc2: {  	[dreg:$0x1] =	wrdreg $0xFFFFFFFF  }
0xc3: {  	_ =	task.clear_ibuf [dreg:s8], $0x2FFFF;
	_ =	strace $0x9FFFFFFF  }
0xc4: {  	(tm) =	ssettm $0x7FFFFFFF  }
0xc5: {  	_ =	shalt  }
tec
execute0_lowered:
.L_overlay_start_1:
0x0: {  	(tag) =	ssettag $0x1  }
0x1: {  	s1 =	rddreg [dreg:$0x0]  }
0x2: {  	s5 =	rddreg [dreg:$0x1]  }
0x3: {  	s6 =	rddreg [dreg:$0x2]  }
0x4: {  	s3 =	srdreg.scid;
	s0 =	rddreg [dreg:$0x3]  }
0x5: {  	s2 =	simm.s32 $0x0;
	s4 =	simm.s32 $0xF0;
	s13 =	simm.s32 $0xF800  }
0x6: {  	s14 =	simm.s32 $0x13800;
	s16 =	simm.s32 $0x17800;
	s15 =	simm.s32 $0x5  }
0x7: {  	s17 =	simm.s32 $0x7;
	s18 =	simm.s32 $0x8;
	s19 =	simm.s32 $0x9  }
0x8: {  	s20 =	simm.s32 $0xA;
	s21 =	simm.s32 $0x0;
	s7 =	sand.u32 $0x1, s3  }
0x9: {  	[smem:$0x7FF] =	sst s2;
	s3 =	stileid.u32;
	s6 =	sadd.s32 $0x29800, s6  }
0xa: {  	p0 =	seq.s32 s7, $0x0;
	s8 =	smul.u32 $0xF00, s7;
	_ =	strace $0x80000047  }
0xb: {  	s10 =	ssub.s32 $0x2, s7;
	s7 =	smul.u32 $0x780000, s7;
	s4 =	simm.s32 @!p0 $0x50  }
0xc: {  	[dreg:$0x6] =	wrdreg s13;
	s13 =	simm.s32 $0x3;
	s9 =	smul.u32 $0xCD, s4  }
0xd: {  	[dreg:$0x7] =	wrdreg s14;
	s14 =	simm.s32 $0x4;
	s11 =	smul.u32 s3, s4  }
0xe: {  	[dreg:$0x8] =	wrdreg s16;
	s16 =	simm.s32 $0x6;
	s12 =	sshrl.u32 s10, $0x1  }
0xf: {  	s10 =	ssub.s32 s10, s12;
	s9 =	sshrl.u32 s9, $0xA;
	s8 =	sadd.s32 s8, s11  }
0x10: {  	s12 =	simm.s32 $0x2;
	s9 =	smul.u32 $0x2800, s9;
	s30 =	sshll.u32 s8, $0xB  }
0x11: {  	s11 =	sshll.u32 s11, $0xB;
	s8 =	sshll.u32 s8, $0x4;
	s31 =	sadd.s32 s30, s6  }
0x12: {  	s6 =	sadd.s32 s11, s6;
	s5 =	sadd.s32 s5, s8;
	[dreg:$0x9] =	wrdreg s9  }
0x13: {  	s8 =	simm.s32 $0x80;
	s11 =	simm.s32 $0x1;
	[dreg:$0x5] =	wrdreg s31  }
0x14: {  	s7 =	sadd.s32 s7, s6;
	s6 =	smax.u32 s10, $0x1;
	s9 =	simm.s32 $0x7800  }
0x15: {  	s10 =	simm.s32 $0xB800;
	[dreg:$0x4] =	wrdreg s7;
	s7 =	simm.s32 $0xB  }
.LBB2_1:
0x16: {  	[tilespmem:s2], [sflag:$0xB] =	stream.linear.gather [hbm4b:s5+s2], $0x7800, $0x38;
	[tilespmem:$0x1B800] =	vst v63  }
0x17: {  	_ =	swait.ge [sflag:s7], $0x7800  }
0x18: {  	[sflag:s7] =	ssyncset.done $0x0  }
0x19: {  	[sflag:s7] =	ssyncadd.s32 $0xFFFF8800  }
0x1a: {  	[tilespmem:s9], [sflag:$0x1] =	stream.indirect.gather [hbm4b:s1+s8], $0x80, s2, s8, $0xb8;
	[tilespmem:$0x1B800] =	vst v63  }
0x1b: {  	s22 =	simm.s32 $0x300;
	s23 =	simm.s32 $0x6;
	s24 =	simm.s32 $0x0  }
0x1c: {  	[tilespmem:s10], [sflag:$0x2] =	stream.indirect.gather [hbm4b:s1+s8], $0x80, s8, s8, $0xb8;
	[tilespmem:$0x1B800] =	vst v63  }
.LBB2_2:
0x1d: {  	_ =	swait.ge [sflag:s11], $0x4000  }
0x1e: {  	s25 =	rddreg [dreg:$0x4];
	[sflag:s11] =	ssyncset.done $0x0  }
0x1f: {  	[sflag:s11] =	ssyncadd.s32 $0xFFFFC000;
	s25 =	sadd.s32 s24, s25  }
0x20: {  	[hbm4b:s25+s2] =	stream.linear.scatter [tilespmem:s9], [sflag:$0x6], $0x4000, $0x38;
	[tilespmem:$0x1B800] =	vst v63  }
0x21: {  	p0 =	seq.s32 s24, $0x0;
	s25 =	sadd.s32 $0xFFFFFFFC, s23  }
0x22: {  	p1 =	sge.u32 @!p0 s25, s4  }
0x23: {  	p1 =	por p1, p0  }
0x24: {  	s26 =	simm.s32 @!p1 $0x8  }
0x25: {  	_ =	swait.ge @!p1 [sflag:s26], $0x4000  }
0x26: {  	[sflag:s26] =	ssyncset.done @!p1 $0x0  }
0x27: {  	[sflag:s26] =	ssyncadd.s32 @!p1 $0xFFFFC000;
	p1 =	sge.u32 s25, s4  }
0x28: {  	s25 =	sadd.s32 @!p1 $0xFFFFFE00, s22;
	s26 =	simm.s32 @!p1 $0x80;
	s28 =	simm.s32 @!p1 $0xF800  }
0x29: {  	[tilespmem:s28], [sflag:$0x3] =	stream.indirect.gather @!p1 [hbm4b:s1+s26], $0x80, s25, s26, $0xb8;
	[tilespmem:$0x1B800] =	vst v63  }
0x2a: {  	s26 =	sadd.s32 $0xFFFFFFFD, s23;
	_ =	swait.ge [sflag:s12], $0x4000  }
0x2b: {  	p1 =	sge.u32 @!p0 s26, s4;
	s29 =	rddreg [dreg:$0x5]  }
0x2c: {  	[sflag:s12] =	ssyncset.done $0x0;
	p1 =	por p1, p0;
	s25 =	sadd.s32 s24, s29  }
0x2d: {  	[sflag:s12] =	ssyncadd.s32 $0xFFFFC000;
	s28 =	simm.s32 @!p1 $0x9;
	s30 =	sadd.s32 $0x800, s25  }
0x2e: {  	[hbm4b:s30+s2] =	stream.linear.scatter [tilespmem:s10], [sflag:$0x7], $0x4000, $0x38;
	[tilespmem:$0x1B800] =	vst v63  }
0x2f: {  	_ =	swait.ge @!p1 [sflag:s28], $0x4000  }
0x30: {  	[sflag:s28] =	ssyncset.done @!p1 $0x0  }
0x31: {  	[sflag:s28] =	ssyncadd.s32 @!p1 $0xFFFFC000;
	p1 =	sge.u32 s26, s4  }
0x32: {  	s26 =	sadd.s32 @!p1 $0xFFFFFE80, s22;
	s28 =	simm.s32 @!p1 $0x80;
	s29 =	simm.s32 @!p1 $0x13800  }
0x33: {  	[tilespmem:s29], [sflag:$0x4] =	stream.indirect.gather @!p1 [hbm4b:s1+s28], $0x80, s26, s28, $0xb8;
	[tilespmem:$0x1B800] =	vst v63  }
0x34: {  	s26 =	sadd.s32 $0xFFFFFFFE, s23  }
0x35: {  	_ =	swait.ge [sflag:s13], $0x4000;
	p1 =	sge.u32 @!p0 s26, s4  }
0x36: {  	s29 =	sadd.s32 $0x1000, s25;
	[sflag:s13] =	ssyncset.done $0x0;
	p0 =	por p1, p0  }
0x37: {  	s31 =	rddreg [dreg:$0x6];
	[sflag:s13] =	ssyncadd.s32 $0xFFFFC000;
	s28 =	simm.s32 @!p0 $0xA  }
0x38: {  	[hbm4b:s29+s2] =	stream.linear.scatter [tilespmem:s31], [sflag:$0x8], $0x4000, $0x38;
	[tilespmem:$0x1B800] =	vst v63  }
0x39: {  	_ =	swait.ge @!p0 [sflag:s28], $0x4000  }
0x3a: {  	[sflag:s28] =	ssyncset.done @!p0 $0x0  }
0x3b: {  	[sflag:s28] =	ssyncadd.s32 @!p0 $0xFFFFC000;
	p0 =	sge.u32 s26, s4  }
0x3c: {  	s26 =	sadd.s32 @!p0 $0xFFFFFF00, s22;
	s28 =	simm.s32 @!p0 $0x80;
	s29 =	simm.s32 @!p0 $0x17800  }
0x3d: {  	[tilespmem:s29], [sflag:$0x5] =	stream.indirect.gather @!p0 [hbm4b:s1+s28], $0x80, s26, s28, $0xb8;
	[tilespmem:$0x1B800] =	vst v63  }
0x3e: {  	s29 =	sadd.s32 $0xFFFFFFFF, s23;
	_ =	swait.ge [sflag:s14], $0x4000  }
0x3f: {  	s31 =	sadd.s32 $0x1800, s25;
	p0 =	sge.u32 s29, s4;
	[sflag:s14] =	ssyncset.done $0x0  }
0x40: {  	s30 =	rddreg [dreg:$0x7];
	s26 =	simm.s32 @!p0 $0x6;
	[sflag:s14] =	ssyncadd.s32 $0xFFFFC000  }
0x41: {  	[hbm4b:s31+s2] =	stream.linear.scatter [tilespmem:s30], [sflag:$0x9], $0x4000, $0x38;
	[tilespmem:$0x1B800] =	vst v63  }
0x42: {  	_ =	swait.ge @!p0 [sflag:s26], $0x4000  }
0x43: {  	s28 =	simm.s32 @!p0 $0x80;
	[sflag:s26] =	ssyncset.done @!p0 $0x0  }
0x44: {  	s29 =	simm.s32 @!p0 $0x7800;
	[sflag:s26] =	ssyncadd.s32 @!p0 $0xFFFFC000;
	s26 =	sadd.s32 @!p0 $0xFFFFFF80, s22  }
0x45: {  	[tilespmem:s29], [sflag:$0x1] =	stream.indirect.gather @!p0 [hbm4b:s1+s28], $0x80, s26, s28, $0xb8;
	[tilespmem:$0x1B800] =	vst v63  }
0x46: {  	_ =	swait.ge [sflag:s15], $0x4000  }
0x47: {  	s25 =	sadd.s32 $0x2000, s25;
	[sflag:s15] =	ssyncset.done $0x0  }
0x48: {  	p0 =	sge.u32 s23, s4;
	s30 =	rddreg [dreg:$0x8];
	[sflag:s15] =	ssyncadd.s32 $0xFFFFC000  }
0x49: {  	[hbm4b:s25+s2] =	stream.linear.scatter [tilespmem:s30], [sflag:$0xA], $0x4000, $0x38;
	[tilespmem:$0x1B800] =	vst v63  }
0x4a: {  	s25 =	simm.s32 @!p0 $0x7  }
0x4b: {  	_ =	swait.ge @!p0 [sflag:s25], $0x4000  }
0x4c: {  	s24 =	sadd.s32 $0x2800, s24;
	s26 =	simm.s32 @!p0 $0xB800;
	[sflag:s25] =	ssyncset.done @!p0 $0x0  }
0x4d: {  	s31 =	rddreg [dreg:$0x9];
	[sflag:s25] =	ssyncadd.s32 @!p0 $0xFFFFC000;
	s25 =	simm.s32 @!p0 $0x80  }
0x4e: {  	[tilespmem:s26], [sflag:$0x2] =	stream.indirect.gather @!p0 [hbm4b:s1+s25], $0x80, s22, s25, $0xb8;
	[tilespmem:$0x1B800] =	vst v63  }
0x4f: {  	p0 =	sne.s32 s31, s24  }
.Ltmp0:
0x50: {  	_ = 	snop;
	(pc) =	sbr.rel @p0 .LBB2_2-.Ltmp0, $2  }
0x51: {  	_ =	sdelay $0x2  }
0x52: {  	s23 =	sadd.s32 $0x5, s23;
	s22 =	sadd.s32 $0x280, s22  }
0x53: {  	_ =	swait.ge [sflag:s16], $0x4000  }
0x54: {  	[sflag:s16] =	ssyncset.done $0x0  }
0x55: {  	[sflag:s16] =	ssyncadd.s32 $0xFFFFC000  }
0x56: {  	_ =	swait.ge [sflag:s17], $0x4000  }
0x57: {  	[sflag:s17] =	ssyncset.done $0x0  }
0x58: {  	[sflag:s17] =	ssyncadd.s32 $0xFFFFC000  }
0x59: {  	_ =	swait.ge [sflag:s18], $0x4000  }
0x5a: {  	[sflag:s18] =	ssyncset.done $0x0  }
0x5b: {  	s21 =	sadd.s32 $0x1, s21;
	[sflag:s18] =	ssyncadd.s32 $0xFFFFC000  }
0x5c: {  	p0 =	sne.s32 s21, s6;
	_ =	swait.ge [sflag:s19], $0x4000  }
.Ltmp1:
0x5d: {  	[sflag:s19] =	ssyncset.done $0x0;
	(pc) =	sbr.rel @p0 .LBB2_1-.Ltmp1, $4  }
0x5e: {  	[sflag:s19] =	ssyncadd.s32 $0xFFFFC000  }
0x5f: {  	_ =	swait.ge [sflag:s20], $0x4000  }
0x60: {  	[sflag:s20] =	ssyncset.done $0x0  }
0x61: {  	[sflag:s20] =	ssyncadd.s32 $0xFFFFC000  }
0x62: {  	_ =	sfence.sel $0x180000  }
0x63: {  	[bflag:$0x0] =	sbarrier.arrive $0xFFFF  }
0x64: {  	p0 =	sne.s32 s3, $0x0;
	_ =	strace $0x90000047  }
0x65: {  	s0 =	sadd.s32 @!p0 $0x100000, s0;
	[bflag:$0x2] =	sbarrier.arrive $0xFFFF  }
0x66: {  	[sflag:s0] =	ssyncadd.tile.s32 @!p0 $0x1;
	_ =	shalt  }
.Lfunc_end2:
_tile_overlayer_lowered:
.L_overlay_start_2:
0x67: {  	(tag) =	ssettag $0x2  }
0x68: {  	s0 =	rddreg [dreg:$0x0];
	s2 =	stileid.u32  }
0x69: {  	s1 =	rddreg [dreg:$0x1];
	p0 =	sne.s32 s2, $0x0  }
0x6a: {  	s3 =	rddreg [dreg:$0x2];
	[bflag:$0x3] =	sbarrier.arrive $0xFFFF;
	s2 =	simm.s32 @!p0 $0x1C0B  }
0x6b: {  	[timem:s3], [sflag:s2] =	dma.local @!p0 [hbm:s0], s1  }
0x6c: {  	s0 =	simm.s32 @!p0 $0xB  }
0x6d: {  	_ =	swait.ge @!p0 [sflag:s0], s1  }
0x6e: {  	s1 =	ssub.s32 @!p0 $0x0, s1;
	[sflag:s0] =	ssyncset.done @!p0 $0x0  }
0x6f: {  	[sflag:s0] =	ssyncadd.s32 @!p0 s1  }
0x70: {  	[bflag:$0x3] =	sbarrier.arrive $0xFFFF  }
0x71: {  	_ =	shalt  }

// kernel: kernel.8.cloned.1.call-start
scs
__scs_entry_jumppad:
0x0: {  	(pc) =	sbr.rel $0x88, $3  }
0x1: {  	(tag) =	ssettag $0x0;
	lr =	simm.s32 $0x1  }
0x2: {  	[smem:$0x3F9A] =	sst lr;
	_ =	strace $0xD0000000  }
0x3: {  	_ = 	snop  }
0x4: {  	_ = 	snop  }
0x5: {  	_ = 	snop  }
0x6: {  	_ = 	snop  }
0x7: {  	_ = 	snop  }
__scs_overlays_trampoline_lowered:
0x8: {  	[smem:$0x3FA9] =	sst s0  }
0x9: {  	[smem:$0x3FAA] =	sst s1  }
0xa: {  	[smem:$0x3FAB] =	sst s2  }
0xb: {  	[smem:$0x3FAC] =	sst s3  }
0xc: {  	[smem:$0x3FAD] =	sst s4  }
0xd: {  	[smem:$0x3FAE] =	sst s5  }
0xe: {  	[smem:$0x3FAF] =	sst s6  }
0xf: {  	[smem:$0x3FB0] =	sst s7  }
0x10: {  	[smem:$0x3FB1] =	sst s8  }
0x11: {  	[smem:$0x3FB2] =	sst s9;
	s0 =	simm.s32 @!p0 $0x0  }
0x12: {  	s1 =	sld [smem:$0x3F98];
	s0 =	simm.s32 @p0 $0x1  }
0x13: {  	[smem:$0x3FB3] =	sst s0;
	s0 =	simm.s32 @!p1 $0x0  }
0x14: {  	s2 =	sld [smem:$0x3F97];
	s0 =	simm.s32 @p1 $0x1  }
0x15: {  	[smem:$0x3FB4] =	sst s0;
	s0 =	simm.s32 @!p2 $0x0  }
0x16: {  	s3 =	sld [smem:$0x3FDB];
	s0 =	simm.s32 @p2 $0x1  }
0x17: {  	s4 =	simm.s32 $0x1BF5;
	[smem:$0x3FB6] =	sst s0  }
0x18: {  	s0 =	sld [smem:$0x3F99];
	_ =	swait.ge [sflag:s4], $0x0  }
0x19: {  	s7 =	sld [smem:$0x3F9A]  }
0x1a: {  	s8 =	sadd.s32 $0xFFFFE003, lr  }
0x1b: {  	s9 =	sadd.s32 $0xFFFFFEF7, lr;
	s5 =	simm.s32 $0xFFFFFFFF;
	p2 =	slt.u32 s8, $0xFFFFF086  }
0x1c: {  	p1 =	slt.u32 s9, $0xF7A;
	s5 =	simm.s32 @!p2 $0x0  }
0x1d: {  	s5 =	simm.s32 @p1 $0x1;
	p0 =	seq.s32 s7, s2  }
0x1e: {  	s7 =	smul.u32 @!p0 $0xF7A, s2;
	p2 =	seq.s32 @!p0 s5, $0x0  }
0x1f: {  	s9 =	smul.u32 $0xF7A, s1;
	s8 =	simm.s32 @!p0 $0x1BF5;
	p2 =	por !p2, p0  }
0x20: {  	[sflag:s8] =	ssyncset.s32 @!p0 $0xFFFFF086;
	s6 =	sadd.s32 @!p0 s3, s7;
	s7 =	simm.s32 @!p0 $0x108  }
0x21: {  	s3 =	sadd.s32 s3, s9;
	s6 =	sadd.s32 @!p0 $0x88, s6;
	s7 =	simm.s32 @p2 $0x1082  }
0x22: {  	[simem:s7], [sflag:s8] =	dma.local @!p0 [hbm:s6], $0xF7A  }
0x23: {  	s9 =	sor.u32 $0xD0000000, s2;
	s6 =	simm.s32 $0x108;
	_ =	swait.ge @!p0 [sflag:s8], $0x0  }
0x24: {  	s3 =	sadd.s32 $0x88, s3;
	s6 =	simm.s32 @!p1 $0x1082;
	[sflag:s4] =	ssyncset.s32 $0xFFFFF086  }
0x25: {  	[simem:s6], [sflag:s4] =	dma.local [hbm:s3], $0xF7A  }
0x26: {  	[smem:$0x3F9A] =	sst s1;
	(tag) =	ssettag s2;
	_ =	strace s9  }
0x27: {  	s1 =	sld [smem:$0x3FAA]  }
0x28: {  	s2 =	sld [smem:$0x3FAB]  }
0x29: {  	s4 =	sld [smem:$0x3FAD]  }
0x2a: {  	p0 =	seq.s32 s5, $0x0;
	s5 =	sld [smem:$0x3FAE]  }
0x2b: {  	s6 =	sld [smem:$0x3FAF]  }
0x2c: {  	s7 =	sld [smem:$0x3FB0]  }
0x2d: {  	s3 =	simm.s32 $0x108;
	s8 =	sld [smem:$0x3FB1]  }
0x2e: {  	s3 =	simm.s32 @!p0 $0x1082;
	s9 =	sld [smem:$0x3FB2]  }
0x2f: {  	lr =	sadd.s32 s0, s3;
	s0 =	sld [smem:$0x3FA9]  }
0x30: {  	s3 =	sld [smem:$0x3FAC]  }
0x31: {  	[smem:$0x3FB5] =	sst s10  }
0x32: {  	s10 =	sld [smem:$0x3FB3];
	_ =	sdelay $0x3  }
0x33: {  	p0 =	seq.s32 s10, $0x1;
	s10 =	sld [smem:$0x3FB5];
	_ =	sdelay $0x3  }
0x34: {  	[smem:$0x3FB5] =	sst s10  }
0x35: {  	s10 =	sld [smem:$0x3FB4];
	_ =	sdelay $0x3  }
0x36: {  	p1 =	seq.s32 s10, $0x1;
	s10 =	sld [smem:$0x3FB5];
	_ =	sdelay $0x3  }
0x37: {  	[smem:$0x3FB5] =	sst s10  }
0x38: {  	s10 =	sld [smem:$0x3FB6]  }
0x39: {  	_ = 	snop;
	(pc) =	sbr.ind lr, $3  }
0x3a: {  	_ = 	snop  }
0x3b: {  	_ = 	snop  }
0x3c: {  	p2 =	seq.s32 s10, $0x1;
	s10 =	sld [smem:$0x3FB5]  }
0x3d: {  	_ =	shalt  }
0x3e: {  	_ =	shalt  }
0x3f: {  	_ =	shalt  }
0x40: {  	_ =	shalt  }
0x41: {  	_ =	shalt  }
0x42: {  	_ =	shalt  }
0x43: {  	_ =	shalt  }
0x44: {  	_ =	shalt  }
0x45: {  	_ =	shalt  }
0x46: {  	_ =	shalt  }
0x47: {  	_ =	shalt  }
0x48: {  	_ =	shalt  }
0x49: {  	_ =	shalt  }
0x4a: {  	_ =	shalt  }
0x4b: {  	_ =	shalt  }
0x4c: {  	_ =	shalt  }
0x4d: {  	_ =	shalt  }
0x4e: {  	_ =	shalt  }
0x4f: {  	_ =	shalt  }
0x50: {  	_ =	shalt  }
0x51: {  	_ =	shalt  }
0x52: {  	_ =	shalt  }
0x53: {  	_ =	shalt  }
0x54: {  	_ =	shalt  }
0x55: {  	_ =	shalt  }
0x56: {  	_ =	shalt  }
0x57: {  	_ =	shalt  }
0x58: {  	_ =	shalt  }
0x59: {  	_ =	shalt  }
0x5a: {  	_ =	shalt  }
0x5b: {  	_ =	shalt  }
0x5c: {  	_ =	shalt  }
0x5d: {  	_ =	shalt  }
0x5e: {  	_ =	shalt  }
0x5f: {  	_ =	shalt  }
0x60: {  	_ =	shalt  }
0x61: {  	_ =	shalt  }
0x62: {  	_ =	shalt  }
0x63: {  	_ =	shalt  }
0x64: {  	_ =	shalt  }
0x65: {  	_ =	shalt  }
0x66: {  	_ =	shalt  }
0x67: {  	_ =	shalt  }
0x68: {  	_ =	shalt  }
0x69: {  	_ =	shalt  }
0x6a: {  	_ =	shalt  }
0x6b: {  	_ =	shalt  }
0x6c: {  	_ =	shalt  }
0x6d: {  	_ =	shalt  }
0x6e: {  	_ =	shalt  }
0x6f: {  	_ =	shalt  }
0x70: {  	_ =	shalt  }
0x71: {  	_ =	shalt  }
0x72: {  	_ =	shalt  }
0x73: {  	_ =	shalt  }
0x74: {  	_ =	shalt  }
0x75: {  	_ =	shalt  }
0x76: {  	_ =	shalt  }
0x77: {  	_ =	shalt  }
0x78: {  	_ =	shalt  }
0x79: {  	_ =	shalt  }
0x7a: {  	_ =	shalt  }
0x7b: {  	_ =	shalt  }
0x7c: {  	_ =	shalt  }
0x7d: {  	_ =	shalt  }
0x7e: {  	_ =	shalt  }
0x7f: {  	_ =	shalt  }
0x80: {  	_ =	shalt  }
0x81: {  	_ =	shalt  }
0x82: {  	_ =	shalt  }
0x83: {  	_ =	shalt  }
0x84: {  	_ =	shalt  }
0x85: {  	_ =	shalt  }
0x86: {  	_ =	shalt  }
0x87: {  	_ =	shalt  }
.Lfunc_end0:
.L_simem_size_0:
called_computation.1_lowered:
.L_overlay_start_0:
0x88: {  	s2 =	sld [smem:$0x3FD9]  }
0x89: {  	s3 =	sld [smem:$0x3FFE];
	_ =	sdelay $0x1  }
0x8a: {  	s1 =	srdreg.scid  }
0x8b: {  	s0 =	sand.u32 $0x1, s1  }
0x8c: {  	s17 =	sshll.u32 s0, $0xA;
	s2 =	sadd.s32 s3, s2  }
0x8d: {  	s2 =	sadd.s32 s2, s17  }
0x8e: {  	[smem:$0x3FC1] =	sst s2  }
0x8f: {  	_ = 	snop  }
0x90: {  	s2 =	sld [smem:$0x3FD0];
	(tm) =	ssettm $0x1  }
0x91: {  	s18 =	sld [smem:$0x3FFB];
	_ =	sdelay $0x3  }
0x92: {  	_ =	strace s18  }
0x93: {  	s3 =	sld [smem:$0x3FFC];
	_ =	sdelay $0x3  }
0x94: {  	_ =	strace s3  }
0x95: {  	s3 =	sld [smem:$0x3FFD];
	_ =	sdelay $0x3  }
0x96: {  	_ =	strace s3  }
0x97: {  	_ =	strace $0x8FFFFFFF  }
0x98: {  	s19 =	sld [smem:$0x3FDB];
	_ =	sdelay $0x1  }
0x99: {  	s4 =	simm.s32 $_scs_section_size  }
0x9a: {  	s5 =	simm.s32 $_size__tile_overlayer_lowered;
	s6 =	simm.s32 $_tile_overlayer_lowered  }
0x9b: {  	s22 =	simm.s32 $0x1BFF;
	s21 =	sshll.u32 s6, $0x1;
	s3 =	sadd.s32 s4, s19  }
0x9c: {  	s7 =	simm.s32 $0x0;
	s20 =	sshll.u32 s5, $0x1;
	s5 =	sadd.s32 s21, s3  }
0x9d: {  	[timem:s7], [sflag:s22] =	dma.local [hbm:s5], s20  }
0x9e: {  	_ =	swait.ge [sflag:s22], s20  }
0x9f: {  	s4 =	ssub.s32 $0x0, s20;
	[sflag:s22] =	ssyncset.done $0x0  }
0xa0: {  	[sflag:s22] =	ssyncadd.s32 s4;
	_ =	sdelay $0x1  }
0xa1: {  	s23 =	simm.s32 $0x1B8B  }
0xa2: {  	_ =	swait.ge [sflag:s23], $0x1  }
0xa3: {  	[sflag:s23] =	ssyncset.done $0x0  }
0xa4: {  	s25 =	simm.s32 $0x1B8E;
	s24 =	sld [smem:$0x3FFE];
	[sflag:s23] =	ssyncadd.s32 $0xFFFFFFFF  }
0xa5: {  	s26 =	simm.s32 $execute0_lowered;
	[smem:$0x3FD2] =	sst s25  }
0xa6: {  	s5 =	sshll.u32 s26, $0x1;
	_ =	strace $0x80000049;
	[dreg:$0x1] =	wrdreg $0xFFFFFFFF  }
0xa7: {  	s28 =	simm.s32 $_size_execute0_lowered;
	s3 =	sadd.s32 s3, s5;
	[dreg:$0x0] =	wrdreg $0x0  }
0xa8: {  	s5 =	sshll.u32 s28, $0x1;
	[dreg:$0x2] =	wrdreg s3  }
0xa9: {  	[dreg:$0x3] =	wrdreg s5  }
0xaa: {  	[dreg:$0x4] =	wrdreg $0xC0  }
0xab: {  	_ =	task [dreg:s7], $0x5FFFF  }
0xac: {  	[dreg:$0x1] =	wrdreg $0xFFFFFFFF  }
0xad: {  	[dreg:$0x0] =	wrdreg $0x60  }
0xae: {  	[dreg:$0x2] =	wrdreg s24  }
0xaf: {  	[dreg:$0x3] =	wrdreg s2  }
0xb0: {  	[dreg:$0x4] =	wrdreg $0x150000  }
0xb1: {  	[dreg:$0x5] =	wrdreg $0x9  }
0xb2: {  	_ =	task.clear_ibuf [dreg:s7], $0x6FFFF;
	_ =	strace $0x90000049  }
0xb3: {  	s29 =	simm.s32 $0x9;
	_ =	strace $0x8000004B  }
0xb4: {  	_ =	swait.ge [sflag:s29], $0x1  }
0xb5: {  	[sflag:s29] =	ssyncadd.s32 $0xFFFFFFFF  }
0xb6: {  	_ =	strace $0x9000004B  }
0xb7: {  	_ =	sfence  }
0xb8: {  	s30 =	sld [smem:$0x0];
	_ =	sdelay $0x2  }
0xb9: {  	s31 =	sshll.u32 s1, $0xD;
	s1 =	sshrl.u32 s1, $0x2  }
0xba: {  	s3 =	sand.u32 $0x4000, s31;
	s1 =	sadd.s32 s1, s30  }
0xbb: {  	s0 =	sor.u32 s3, s0;
	s1 =	sshll.u32 s1, $0x11  }
0xbc: {  	s0 =	sor.u32 s1, s0  }
0xbd: {  	s0 =	sadd.s32 $0x8F2B, s0  }
0xbe: {  	[sflag:s0] =	ssyncadd.remote.s32 $0x1  }
0xbf: {  	_ =	sfence.sel $0xFFFF  }
0xc0: {  	[dreg:$0x0] =	wrdreg $0xFFFFFFFF;
	(pc) =	sbr.abs _section_cstart, $3  }
0xc1: {  	[dreg:$0x1] =	wrdreg $0xFFFFFFFF  }
0xc2: {  	_ =	task.clear_ibuf [dreg:s7], $0x2FFFF;
	_ =	strace $0x9FFFFFFF  }
0xc3: {  	(tm) =	ssettm $0x7FFFFFFF  }
tec
execute0_lowered:
.L_overlay_start_1:
0x0: {  	(tag) =	ssettag $0x1  }
0x1: {  	s12 =	stileid.u32  }
0x2: {  	s0 =	rddreg [dreg:$0x0];
	s5 =	smul.u32 $0xA0, s12  }
0x3: {  	s1 =	srdreg.scid;
	s8 =	smul.u32 $0x1400, s12  }
0x4: {  	s4 =	rddreg [dreg:$0x1];
	s20 =	smul.u32 $0x29000, s12  }
0x5: {  	s2 =	rddreg [dreg:$0x2];
	s3 =	simm.s32 $0x0;
	s23 =	smul.u32 $0x1480, s12  }
0x6: {  	s17 =	simm.s32 $0x5;
	s18 =	simm.s32 $0x5000;
	s24 =	smul.u32 $0x50000, s12  }
0x7: {  	s28 =	simm.s32 $0x4;
	s1 =	sand.u32 $0x1, s1;
	s11 =	smul.u32 $0x280000, s12  }
0x8: {  	[smem:$0x7FF] =	sst s3;
	s10 =	sadd.s32 $0xF0B800, s0;
	s6 =	smul.u32 $0xA00, s1  }
0x9: {  	s25 =	sshll.u32 s12, $0x6;
	s7 =	smul.u32 $0x14000, s1;
	s1 =	ssub.s32 $0x2, s1  }
0xa: {  	s12 =	smul.u32 $0x28000, s12;
	_ =	strace $0x8000004A;
	s21 =	sshrl.u32 s1, $0x1  }
0xb: {  	s22 =	sshrl.u32 s20, $0x2;
	s4 =	sadd.s32 s4, s23;
	s11 =	sshrl.u32 s11, $0x3  }
0xc: {  	s12 =	sshrl.u32 s12, $0x2;
	s20 =	simm.s32 $0x1;
	s23 =	simm.s32 $0x2  }
0xd: {  	s5 =	sadd.s32 s5, s6;
	s19 =	sadd.s32 s8, s7;
	s1 =	ssub.s32 s1, s21  }
0xe: {  	s16 =	sadd.s32 s22, s2;
	[dreg:$0x4] =	wrdreg s4;
	s6 =	sadd.s32 s10, s24  }
0xf: {  	s11 =	sadd.s32 s10, s11;
	s21 =	simm.s32 $0xD000;
	s22 =	simm.s32 $0x80  }
0x10: {  	s24 =	simm.s32 $0x11000;
	s5 =	sshll.u32 s5, $0x4;
	s29 =	sadd.s32 $0x800, s6  }
0x11: {  	s31 =	sadd.s32 $0x500000, s6;
	s11 =	sadd.s32 $0x500800, s11;
	s13 =	smax.u32 s1, $0x1  }
0x12: {  	s14 =	sadd.s32 $0x54F000, s6;
	s15 =	sadd.s32 $0x54F800, s6;
	s16 =	sshrl.u32 s16, $0x3  }
0x13: {  	s9 =	sadd.s32 s5, s0;
	s0 =	sadd.s32 s19, s0;
	[dreg:$0x6] =	wrdreg s29  }
0x14: {  	s5 =	sor.u32 $0x1C05, s25;
	[dreg:$0x8] =	wrdreg s31;
	s25 =	sadd.s32 s12, s2  }
0x15: {  	s19 =	simm.s32 $0x9000;
	s26 =	sadd.s32 $0x1800, s9;
	s30 =	sadd.s32 $0x15800, s9  }
0x16: {  	s12 =	sadd.s32 $0x29800, s0;
	s25 =	sshrl.u32 s25, $0x3;
	[dreg:$0x5] =	wrdreg s26  }
0x17: {  	s0 =	simm.s32 $0x0;
	[dreg:$0x7] =	wrdreg s30;
	s26 =	simm.s32 $0x3  }
.LBB2_1:
0x18: {  	s1 =	rddreg [dreg:$0x4]  }
0x19: {  	[spmem:s16], [sflag:s5] =	dma.local [hbm:s1], $0x1480  }
0x1a: {  	_ =	swait.ge [sflag:s17], $0x1480  }
0x1b: {  	[sflag:s17] =	ssyncset.done $0x0  }
0x1c: {  	[sflag:s17] =	ssyncadd.s32 $0xFFFFEB80  }
0x1d: {  	[bflag:$0x0] =	sbarrier.arrive $0xFFFF  }
0x1e: {  	s9 =	rddreg [dreg:$0x5]  }
0x1f: {  	[tilespmem:s3], [sflag:$0x5] =	stream.linear.gather [hbm4b:s9+s3], $0x5000, $0x38;
	[tilespmem:$0x1F400] =	vst v63  }
0x20: {  	_ =	swait.ge [sflag:s17], $0x5000  }
0x21: {  	[sflag:s17] =	ssyncset.done $0x0  }
0x22: {  	[sflag:s17] =	ssyncadd.s32 $0xFFFFB000  }
0x23: {  	[tilespmem:s18], [sflag:$0x1] =	stream.linear.gather [hbm4b:s6+s3], $0x4000, $0x38;
	[tilespmem:$0x1F400] =	vst v63  }
0x24: {  	s10 =	rddreg [dreg:$0x6]  }
0x25: {  	[tilespmem:s19], [sflag:$0x2] =	stream.linear.gather [hbm4b:s10+s3], $0x4000, $0x38;
	[tilespmem:$0x1F400] =	vst v63  }
0x26: {  	_ =	swait.ge [sflag:s20], $0x4000  }
0x27: {  	s29 =	sadd.s32 $0x0, s6;
	[sflag:s20] =	ssyncset.done $0x0  }
0x28: {  	s30 =	sadd.s32 $0x1000, s29;
	[sflag:s20] =	ssyncadd.s32 $0xFFFFC000  }
0x29: {  	[tilespmem:s21], [sflag:$0x3] =	stream.linear.gather [hbm4b:s30+s3], $0x4000, $0x38;
	[tilespmem:$0x1F400] =	vst v63  }
0x2a: {  	_ = 	snop  }
0x2b: {  	[spmem:s2] =	stream.indirect.scatter.add.f32 [tilespmem:s18], [sflag:$0x5], $0x80, s3, s22, $0xb8;
	[tilespmem:$0x1F400] =	vst v63  }
0x2c: {  	_ =	swait.ge [sflag:s17], $0x4000  }
0x2d: {  	[sflag:s17] =	ssyncset.done $0x0  }
0x2e: {  	[sflag:s17] =	ssyncadd.s32 $0xFFFFC000  }
0x2f: {  	_ =	swait.ge [sflag:s23], $0x4000  }
0x30: {  	[sflag:s23] =	ssyncset.done $0x0  }
0x31: {  	s29 =	sadd.s32 $0x1800, s29;
	[sflag:s23] =	ssyncadd.s32 $0xFFFFC000  }
0x32: {  	[tilespmem:s24], [sflag:$0x4] =	stream.linear.gather [hbm4b:s29+s3], $0x4000, $0x38;
	[tilespmem:$0x1F400] =	vst v63  }
0x33: {  	s29 =	simm.s32 $0x80  }
0x34: {  	[spmem:s2] =	stream.indirect.scatter.add.f32 [tilespmem:s19], [sflag:$0x5], $0x80, s29, s22, $0xb8;
	[tilespmem:$0x1F400] =	vst v63  }
0x35: {  	_ =	swait.ge [sflag:s17], $0x4000  }
0x36: {  	[sflag:s17] =	ssyncset.done $0x0  }
0x37: {  	[sflag:s17] =	ssyncadd.s32 $0xFFFFC000  }
0x38: {  	p0 =	por $0x0, $0x0;
	_ =	swait.ge [sflag:s26], $0x4000  }
0x39: {  	s31 =	simm.s32 @p0 $0xD000;
	s1 =	simm.s32 @p0 $0x5;
	[sflag:s26] =	ssyncset.done $0x0  }
0x3a: {  	s30 =	simm.s32 @p0 $0x4F00;
	s29 =	simm.s32 @p0 $0x80;
	[sflag:s26] =	ssyncadd.s32 $0xFFFFC000  }
0x3b: {  	[spmem:s2] =	stream.indirect.scatter.add.f32 @p0 [tilespmem:s31], [sflag:$0x5], $0x80, s30, s29, $0xb8;
	[tilespmem:$0x1F400] =	vst v63  }
0x3c: {  	_ =	swait.ge @p0 [sflag:s1], $0x4000  }
0x3d: {  	[sflag:s1] =	ssyncset.done @p0 $0x0  }
0x3e: {  	s29 =	simm.s32 @p0 $0x4;
	[sflag:s1] =	ssyncadd.s32 @p0 $0xFFFFC000  }
0x3f: {  	s4 =	simm.s32 @!p0 $0x0;
	_ =	swait.ge @p0 [sflag:s29], $0x4000  }
0x40: {  	s7 =	simm.s32 @!p0 $0x5000;
	s1 =	sadd.s32 @!p0 $0x0, s6;
	[sflag:s29] =	ssyncset.done @p0 $0x0  }
0x41: {  	s31 =	simm.s32 @!p0 $0xD000;
	s30 =	sadd.s32 @!p0 $0x2000, s1;
	[sflag:s29] =	ssyncadd.s32 @p0 $0xFFFFC000  }
0x42: {  	[tilespmem:s7], [sflag:$0x1] =	stream.linear.gather @!p0 [hbm4b:s30+s4], $0x4000, $0x38;
	[tilespmem:$0x1F400] =	vst v63  }
0x43: {  	s29 =	simm.s32 @!p0 $0x80;
	s7 =	simm.s32 @!p0 $0x100;
	s30 =	simm.s32 @!p0 $0x5  }
0x44: {  	[spmem:s2] =	stream.indirect.scatter.add.f32 @!p0 [tilespmem:s31], [sflag:$0x5], $0x80, s7, s29, $0xb8;
	[tilespmem:$0x1F400] =	vst v63  }
0x45: {  	_ =	swait.ge @!p0 [sflag:s30], $0x4000  }
0x46: {  	[sflag:s30] =	ssyncset.done @!p0 $0x0  }
0x47: {  	s7 =	simm.s32 @!p0 $0x4;
	[sflag:s30] =	ssyncadd.s32 @!p0 $0xFFFFC000  }
0x48: {  	_ =	swait.ge @!p0 [sflag:s7], $0x4000  }
0x49: {  	[sflag:s7] =	ssyncset.done @!p0 $0x0  }
0x4a: {  	s1 =	sadd.s32 @!p0 $0x2800, s1;
	s29 =	simm.s32 @!p0 $0x9000;
	[sflag:s7] =	ssyncadd.s32 @!p0 $0xFFFFC000  }
0x4b: {  	[tilespmem:s29], [sflag:$0x2] =	stream.linear.gather @!p0 [hbm4b:s1+s4], $0x4000, $0x38;
	[tilespmem:$0x1F400] =	vst v63  }
0x4c: {  	s31 =	simm.s32 $0x180  }
0x4d: {  	[spmem:s2] =	stream.indirect.scatter.add.f32 [tilespmem:s24], [sflag:$0x5], $0x80, s31, s22, $0xb8;
	[tilespmem:$0x1F400] =	vst v63  }
0x4e: {  	s30 =	simm.s32 $0x0;
	s29 =	simm.s32 $0x2000;
	_ =	swait.ge [sflag:s17], $0x4000  }
.LBB2_2:
0x4f: {  	[sflag:s17] =	ssyncset.done $0x0  }
0x50: {  	s30 =	sadd.s32 $0x200, s30;
	s1 =	smov.u32 s29;
	s29 =	sadd.s32 $0x2000, s29  }
0x51: {  	p0 =	sne.s32 s29, $0x50000;
	[sflag:s17] =	ssyncadd.s32 $0xFFFFC000  }
0x52: {  	_ =	swait.ge [sflag:s20], $0x4000  }
0x53: {  	s4 =	sadd.s32 s1, s6;
	[sflag:s20] =	ssyncset.done $0x0  }
0x54: {  	s7 =	sadd.s32 $0x1000, s4;
	[sflag:s20] =	ssyncadd.s32 $0xFFFFC000  }
0x55: {  	[tilespmem:s21], [sflag:$0x3] =	stream.linear.gather [hbm4b:s7+s3], $0x4000, $0x38;
	[tilespmem:$0x1F400] =	vst v63  }
0x56: {  	_ = 	snop  }
0x57: {  	[spmem:s2] =	stream.indirect.scatter.add.f32 [tilespmem:s18], [sflag:$0x5], $0x80, s30, s22, $0xb8;
	[tilespmem:$0x1F400] =	vst v63  }
0x58: {  	_ =	swait.ge [sflag:s17], $0x4000  }
0x59: {  	[sflag:s17] =	ssyncset.done $0x0  }
0x5a: {  	[sflag:s17] =	ssyncadd.s32 $0xFFFFC000  }
0x5b: {  	_ =	swait.ge [sflag:s23], $0x4000  }
0x5c: {  	[sflag:s23] =	ssyncset.done $0x0  }
0x5d: {  	s4 =	sadd.s32 $0x1800, s4;
	[sflag:s23] =	ssyncadd.s32 $0xFFFFC000  }
0x5e: {  	[tilespmem:s24], [sflag:$0x4] =	stream.linear.gather [hbm4b:s4+s3], $0x4000, $0x38;
	[tilespmem:$0x1F400] =	vst v63  }
0x5f: {  	s4 =	sadd.s32 $0x80, s30  }
0x60: {  	[spmem:s2] =	stream.indirect.scatter.add.f32 [tilespmem:s19], [sflag:$0x5], $0x80, s4, s22, $0xb8;
	[tilespmem:$0x1F400] =	vst v63  }
0x61: {  	_ =	swait.ge [sflag:s17], $0x4000  }
0x62: {  	[sflag:s17] =	ssyncset.done $0x0  }
0x63: {  	[sflag:s17] =	ssyncadd.s32 $0xFFFFC000  }
0x64: {  	_ =	swait.ge [sflag:s26], $0x4000  }
0x65: {  	p1 =	seq.s32 s1, $0x4E000;
	[sflag:s26] =	ssyncset.done $0x0  }
0x66: {  	s7 =	simm.s32 @p1 $0x4F00;
	s4 =	simm.s32 @p1 $0x80;
	[sflag:s26] =	ssyncadd.s32 $0xFFFFC000  }
0x67: {  	s31 =	simm.s32 @p1 $0xD000;
	s8 =	simm.s32 @p1 $0x5;
	s1 =	sadd.s32 @!p1 s1, s6  }
0x68: {  	[spmem:s2] =	stream.indirect.scatter.add.f32 @p1 [tilespmem:s31], [sflag:$0x5], $0x80, s7, s4, $0xb8;
	[tilespmem:$0x1F400] =	vst v63  }
0x69: {  	s4 =	sadd.s32 @!p1 $0x2000, s1;
	s1 =	sadd.s32 @!p1 $0x2800, s1;
	_ =	swait.ge @p1 [sflag:s8], $0x4000  }
0x6a: {  	s7 =	simm.s32 @p1 $0x4;
	[sflag:s8] =	ssyncset.done @p1 $0x0  }
0x6b: {  	[sflag:s8] =	ssyncadd.s32 @p1 $0xFFFFC000  }
0x6c: {  	s8 =	simm.s32 @!p1 $0xD000;
	_ =	swait.ge @p1 [sflag:s7], $0x4000  }
0x6d: {  	s9 =	simm.s32 @!p1 $0x5000;
	s31 =	simm.s32 @!p1 $0x0;
	[sflag:s7] =	ssyncset.done @p1 $0x0  }
0x6e: {  	s10 =	simm.s32 @!p1 $0x80;
	[sflag:s7] =	ssyncadd.s32 @p1 $0xFFFFC000;
	s7 =	sadd.s32 @!p1 $0x100, s30  }
0x6f: {  	[tilespmem:s9], [sflag:$0x1] =	stream.linear.gather @!p1 [hbm4b:s4+s31], $0x4000, $0x38;
	[tilespmem:$0x1F400] =	vst v63  }
0x70: {  	s4 =	simm.s32 @!p1 $0x5  }
0x71: {  	[spmem:s2] =	stream.indirect.scatter.add.f32 @!p1 [tilespmem:s8], [sflag:$0x5], $0x80, s7, s10, $0xb8;
	[tilespmem:$0x1F400] =	vst v63  }
0x72: {  	_ =	swait.ge @!p1 [sflag:s4], $0x4000  }
0x73: {  	s7 =	simm.s32 @!p1 $0x4;
	[sflag:s4] =	ssyncset.done @!p1 $0x0  }
0x74: {  	[sflag:s4] =	ssyncadd.s32 @!p1 $0xFFFFC000  }
0x75: {  	_ =	swait.ge @!p1 [sflag:s7], $0x4000  }
0x76: {  	s4 =	simm.s32 @!p1 $0x9000;
	[sflag:s7] =	ssyncset.done @!p1 $0x0  }
.Ltmp0:
0x77: {  	[sflag:s7] =	ssyncadd.s32 @!p1 $0xFFFFC000;
	s7 =	sadd.s32 $0x180, s30;
	(pc) =	sbr.rel @p0 .LBB2_2-.Ltmp0, $4  }
0x78: {  	[tilespmem:s4], [sflag:$0x2] =	stream.linear.gather @!p1 [hbm4b:s1+s31], $0x4000, $0x38;
	[tilespmem:$0x1F400] =	vst v63  }
0x79: {  	_ = 	snop  }
0x7a: {  	[spmem:s2] =	stream.indirect.scatter.add.f32 [tilespmem:s24], [sflag:$0x5], $0x80, s7, s22, $0xb8;
	[tilespmem:$0x1F400] =	vst v63  }
0x7b: {  	_ =	swait.ge [sflag:s17], $0x4000  }
0x7c: {  	[sflag:s17] =	ssyncset.done $0x0  }
0x7d: {  	s29 =	simm.s32 $0x0;
	s1 =	rddreg [dreg:$0x7];
	[sflag:s17] =	ssyncadd.s32 $0xFFFFC000  }
0x7e: {  	[tilespmem:s29], [sflag:$0x5] =	stream.linear.gather [hbm4b:s1+s29], $0x5000, $0x38;
	[tilespmem:$0x1F400] =	vst v63  }
0x7f: {  	_ =	swait.ge [sflag:s17], $0x5000  }
0x80: {  	[sflag:s17] =	ssyncset.done $0x0  }
0x81: {  	s10 =	rddreg [dreg:$0x8];
	[sflag:s17] =	ssyncadd.s32 $0xFFFFB000  }
0x82: {  	[tilespmem:s18], [sflag:$0x1] =	stream.linear.gather [hbm4b:s10+s29], $0x4000, $0x38;
	[tilespmem:$0x1F400] =	vst v63  }
0x83: {  	_ = 	snop  }
0x84: {  	[tilespmem:s19], [sflag:$0x2] =	stream.linear.gather [hbm4b:s11+s29], $0x4000, $0x38;
	[tilespmem:$0x1F400] =	vst v63  }
0x85: {  	_ =	swait.ge [sflag:s20], $0x4000  }
0x86: {  	s31 =	sadd.s32 $0x0, s6;
	[sflag:s20] =	ssyncset.done $0x0  }
0x87: {  	s4 =	sadd.s32 $0x501000, s31;
	[sflag:s20] =	ssyncadd.s32 $0xFFFFC000  }
0x88: {  	[tilespmem:s21], [sflag:$0x3] =	stream.linear.gather [hbm4b:s4+s3], $0x4000, $0x38;
	[tilespmem:$0x1F400] =	vst v63  }
0x89: {  	_ = 	snop  }
0x8a: {  	[spmem:s2] =	stream.indirect.scatter.add.f32 [tilespmem:s18], [sflag:$0x5], $0x80, s29, s22, $0xb8;
	[tilespmem:$0x1F400] =	vst v63  }
0x8b: {  	_ =	swait.ge [sflag:s17], $0x4000  }
0x8c: {  	[sflag:s17] =	ssyncset.done $0x0  }
0x8d: {  	[sflag:s17] =	ssyncadd.s32 $0xFFFFC000  }
0x8e: {  	_ =	swait.ge [sflag:s23], $0x4000  }
0x8f: {  	[sflag:s23] =	ssyncset.done $0x0  }
0x90: {  	s7 =	sadd.s32 $0x501800, s31;
	[sflag:s23] =	ssyncadd.s32 $0xFFFFC000  }
0x91: {  	[tilespmem:s24], [sflag:$0x4] =	stream.linear.gather [hbm4b:s7+s3], $0x4000, $0x38;
	[tilespmem:$0x1F400] =	vst v63  }
0x92: {  	s8 =	simm.s32 $0x80  }
0x93: {  	[spmem:s2] =	stream.indirect.scatter.add.f32 [tilespmem:s19], [sflag:$0x5], $0x80, s8, s22, $0xb8;
	[tilespmem:$0x1F400] =	vst v63  }
0x94: {  	_ =	swait.ge [sflag:s17], $0x4000  }
0x95: {  	[sflag:s17] =	ssyncset.done $0x0  }
0x96: {  	[sflag:s17] =	ssyncadd.s32 $0xFFFFC000  }
0x97: {  	_ =	swait.ge [sflag:s26], $0x4000  }
0x98: {  	[sflag:s26] =	ssyncset.done $0x0  }
0x99: {  	s9 =	sadd.s32 $0x502000, s31;
	[sflag:s26] =	ssyncadd.s32 $0xFFFFC000  }
0x9a: {  	[tilespmem:s18], [sflag:$0x1] =	stream.linear.gather [hbm4b:s9+s3], $0x4000, $0x38;
	[tilespmem:$0x1F400] =	vst v63  }
0x9b: {  	s10 =	simm.s32 $0x100  }
0x9c: {  	[spmem:s2] =	stream.indirect.scatter.add.f32 [tilespmem:s21], [sflag:$0x5], $0x80, s10, s22, $0xb8;
	[tilespmem:$0x1F400] =	vst v63  }
0x9d: {  	_ =	swait.ge [sflag:s17], $0x4000  }
0x9e: {  	[sflag:s17] =	ssyncset.done $0x0  }
0x9f: {  	[sflag:s17] =	ssyncadd.s32 $0xFFFFC000  }
0xa0: {  	_ =	swait.ge [sflag:s28], $0x4000  }
0xa1: {  	[sflag:s28] =	ssyncset.done $0x0  }
0xa2: {  	s1 =	sadd.s32 $0x502800, s31;
	[sflag:s28] =	ssyncadd.s32 $0xFFFFC000  }
0xa3: {  	[tilespmem:s19], [sflag:$0x2] =	stream.linear.gather [hbm4b:s1+s3], $0x4000, $0x38;
	[tilespmem:$0x1F400] =	vst v63  }
0xa4: {  	s31 =	simm.s32 $0x180  }
0xa5: {  	[spmem:s2] =	stream.indirect.scatter.add.f32 [tilespmem:s24], [sflag:$0x5], $0x80, s31, s22, $0xb8;
	[tilespmem:$0x1F400] =	vst v63  }
0xa6: {  	_ =	swait.ge [sflag:s17], $0x4000  }
0xa7: {  	s30 =	simm.s32 $0x2000;
	[sflag:s17] =	ssyncset.done $0x0  }
.LBB2_4:
0xa8: {  	p0 =	sne.s32 s30, $0x4C000;
	[sflag:s17] =	ssyncadd.s32 $0xFFFFC000;
	s29 =	sadd.s32 $0x200, s29  }
0xa9: {  	s1 =	smov.u32 s30;
	s30 =	sadd.s32 $0x2000, s30  }
0xaa: {  	_ =	swait.ge [sflag:s20], $0x4000  }
0xab: {  	s1 =	sadd.s32 s1, s6;
	[sflag:s20] =	ssyncset.done $0x0  }
0xac: {  	s4 =	sadd.s32 $0x501000, s1;
	[sflag:s20] =	ssyncadd.s32 $0xFFFFC000  }
0xad: {  	[tilespmem:s21], [sflag:$0x3] =	stream.linear.gather [hbm4b:s4+s3], $0x4000, $0x38;
	[tilespmem:$0x1F400] =	vst v63  }
0xae: {  	_ = 	snop  }
0xaf: {  	[spmem:s2] =	stream.indirect.scatter.add.f32 [tilespmem:s18], [sflag:$0x5], $0x80, s29, s22, $0xb8;
	[tilespmem:$0x1F400] =	vst v63  }
0xb0: {  	_ =	swait.ge [sflag:s17], $0x4000  }
0xb1: {  	[sflag:s17] =	ssyncset.done $0x0  }
0xb2: {  	[sflag:s17] =	ssyncadd.s32 $0xFFFFC000  }
0xb3: {  	_ =	swait.ge [sflag:s23], $0x4000  }
0xb4: {  	[sflag:s23] =	ssyncset.done $0x0  }
0xb5: {  	s4 =	sadd.s32 $0x501800, s1;
	[sflag:s23] =	ssyncadd.s32 $0xFFFFC000  }
0xb6: {  	[tilespmem:s24], [sflag:$0x4] =	stream.linear.gather [hbm4b:s4+s3], $0x4000, $0x38;
	[tilespmem:$0x1F400] =	vst v63  }
0xb7: {  	s4 =	sadd.s32 $0x80, s29  }
0xb8: {  	[spmem:s2] =	stream.indirect.scatter.add.f32 [tilespmem:s19], [sflag:$0x5], $0x80, s4, s22, $0xb8;
	[tilespmem:$0x1F400] =	vst v63  }
0xb9: {  	_ =	swait.ge [sflag:s17], $0x4000  }
0xba: {  	[sflag:s17] =	ssyncset.done $0x0  }
0xbb: {  	[sflag:s17] =	ssyncadd.s32 $0xFFFFC000  }
0xbc: {  	_ =	swait.ge [sflag:s26], $0x4000  }
0xbd: {  	[sflag:s26] =	ssyncset.done $0x0  }
0xbe: {  	s4 =	sadd.s32 $0x502000, s1;
	[sflag:s26] =	ssyncadd.s32 $0xFFFFC000  }
0xbf: {  	[tilespmem:s18], [sflag:$0x1] =	stream.linear.gather [hbm4b:s4+s3], $0x4000, $0x38;
	[tilespmem:$0x1F400] =	vst v63  }
0xc0: {  	s4 =	sadd.s32 $0x100, s29  }
0xc1: {  	[spmem:s2] =	stream.indirect.scatter.add.f32 [tilespmem:s21], [sflag:$0x5], $0x80, s4, s22, $0xb8;
	[tilespmem:$0x1F400] =	vst v63  }
0xc2: {  	_ =	swait.ge [sflag:s17], $0x4000  }
0xc3: {  	[sflag:s17] =	ssyncset.done $0x0  }
0xc4: {  	[sflag:s17] =	ssyncadd.s32 $0xFFFFC000  }
0xc5: {  	_ =	swait.ge [sflag:s28], $0x4000  }
0xc6: {  	[sflag:s28] =	ssyncset.done $0x0  }
0xc7: {  	s1 =	sadd.s32 $0x502800, s1;
	[sflag:s28] =	ssyncadd.s32 $0xFFFFC000  }
0xc8: {  	[tilespmem:s19], [sflag:$0x2] =	stream.linear.gather [hbm4b:s1+s3], $0x4000, $0x38;
	[tilespmem:$0x1F400] =	vst v63  }
.Ltmp1:
0xc9: {  	_ = 	snop;
	(pc) =	sbr.rel @p0 .LBB2_4-.Ltmp1, $4  }
0xca: {  	s1 =	sadd.s32 $0x180, s29  }
0xcb: {  	[spmem:s2] =	stream.indirect.scatter.add.f32 [tilespmem:s24], [sflag:$0x5], $0x80, s1, s22, $0xb8;
	[tilespmem:$0x1F400] =	vst v63  }
0xcc: {  	_ =	swait.ge [sflag:s17], $0x4000  }
0xcd: {  	[sflag:s17] =	ssyncset.done $0x0  }
0xce: {  	[sflag:s17] =	ssyncadd.s32 $0xFFFFC000  }
0xcf: {  	_ =	swait.ge [sflag:s20], $0x4000  }
0xd0: {  	[sflag:s20] =	ssyncset.done $0x0  }
0xd1: {  	[sflag:s20] =	ssyncadd.s32 $0xFFFFC000  }
0xd2: {  	[tilespmem:s21], [sflag:$0x3] =	stream.linear.gather [hbm4b:s14+s3], $0x4000, $0x38;
	[tilespmem:$0x1F400] =	vst v63  }
0xd3: {  	s1 =	simm.s32 $0x4E00  }
0xd4: {  	[spmem:s2] =	stream.indirect.scatter.add.f32 [tilespmem:s18], [sflag:$0x5], $0x80, s1, s22, $0xb8;
	[tilespmem:$0x1F400] =	vst v63  }
0xd5: {  	_ =	swait.ge [sflag:s17], $0x4000  }
0xd6: {  	[sflag:s17] =	ssyncset.done $0x0  }
0xd7: {  	[sflag:s17] =	ssyncadd.s32 $0xFFFFC000  }
0xd8: {  	_ =	swait.ge [sflag:s23], $0x4000  }
0xd9: {  	[sflag:s23] =	ssyncset.done $0x0  }
0xda: {  	[sflag:s23] =	ssyncadd.s32 $0xFFFFC000  }
0xdb: {  	[tilespmem:s24], [sflag:$0x4] =	stream.linear.gather [hbm4b:s15+s3], $0x4000, $0x38;
	[tilespmem:$0x1F400] =	vst v63  }
0xdc: {  	s29 =	simm.s32 $0x4E80  }
0xdd: {  	[spmem:s2] =	stream.indirect.scatter.add.f32 [tilespmem:s19], [sflag:$0x5], $0x80, s29, s22, $0xb8;
	[tilespmem:$0x1F400] =	vst v63  }
0xde: {  	_ =	swait.ge [sflag:s17], $0x4000  }
0xdf: {  	[sflag:s17] =	ssyncset.done $0x0  }
0xe0: {  	[sflag:s17] =	ssyncadd.s32 $0xFFFFC000  }
0xe1: {  	_ =	swait.ge [sflag:s26], $0x4000  }
0xe2: {  	[sflag:s26] =	ssyncset.done $0x0  }
0xe3: {  	s30 =	simm.s32 $0x4F00;
	[sflag:s26] =	ssyncadd.s32 $0xFFFFC000  }
0xe4: {  	[spmem:s2] =	stream.indirect.scatter.add.f32 [tilespmem:s21], [sflag:$0x5], $0x80, s30, s22, $0xb8;
	[tilespmem:$0x1F400] =	vst v63  }
0xe5: {  	_ =	swait.ge [sflag:s17], $0x4000  }
0xe6: {  	[sflag:s17] =	ssyncset.done $0x0  }
0xe7: {  	[sflag:s17] =	ssyncadd.s32 $0xFFFFC000  }
0xe8: {  	_ =	swait.ge [sflag:s28], $0x4000  }
0xe9: {  	[sflag:s28] =	ssyncset.done $0x0  }
0xea: {  	s31 =	simm.s32 $0x4F80;
	[sflag:s28] =	ssyncadd.s32 $0xFFFFC000  }
0xeb: {  	[spmem:s2] =	stream.indirect.scatter.add.f32 [tilespmem:s24], [sflag:$0x5], $0x80, s31, s22, $0xb8;
	[tilespmem:$0x1F400] =	vst v63  }
0xec: {  	_ =	swait.ge [sflag:s17], $0x4000  }
0xed: {  	s0 =	sadd.s32 $0x1, s0;
	[sflag:s17] =	ssyncset.done $0x0  }
0xee: {  	p0 =	sne.s32 s0, s13;
	[sflag:s17] =	ssyncadd.s32 $0xFFFFC000  }
.Ltmp2:
0xef: {  	[bflag:$0x0] =	sbarrier.arrive $0xFFFF;
	(pc) =	sbr.rel @p0 .LBB2_1-.Ltmp2, $4  }
0xf0: {  	[hbm:s12], [sflag:s5] =	dma.local [spmem:s25], $0x1400  }
0xf1: {  	_ =	swait.ge [sflag:s17], $0x1400  }
0xf2: {  	[sflag:s17] =	ssyncset.done $0x0  }
0xf3: {  	[sflag:s17] =	ssyncadd.s32 $0xFFFFEC00  }
0xf4: {  	_ =	sfence.sel $0x180000  }
0xf5: {  	[bflag:$0x0] =	sbarrier.arrive $0xFFFF  }
0xf6: {  	_ =	strace $0x9000004A  }
0xf7: {  	s0 =	stileid.u32;
	[bflag:$0x2] =	sbarrier.arrive $0xFFFF  }
0xf8: {  	p0 =	sne.s32 s0, $0x0;
	s0 =	rddreg [dreg:$0x3]  }
0xf9: {  	s0 =	sadd.s32 @!p0 $0x100000, s0  }
0xfa: {  	[sflag:s0] =	ssyncadd.tile.s32 @!p0 $0x1;
	_ =	shalt  }
.Lfunc_end2:
_tile_overlayer_lowered:
.L_overlay_start_2:
0xfb: {  	(tag) =	ssettag $0x2  }
0xfc: {  	s0 =	rddreg [dreg:$0x0];
	s2 =	stileid.u32  }
0xfd: {  	s1 =	rddreg [dreg:$0x1];
	p0 =	sne.s32 s2, $0x0  }
0xfe: {  	s3 =	rddreg [dreg:$0x2];
	[bflag:$0x3] =	sbarrier.arrive $0xFFFF;
	s2 =	simm.s32 @!p0 $0x1C05  }
0xff: {  	[timem:s3], [sflag:s2] =	dma.local @!p0 [hbm:s0], s1  }
0x100: {  	s0 =	simm.s32 @!p0 $0x5  }
0x101: {  	_ =	swait.ge @!p0 [sflag:s0], s1  }
0x102: {  	s1 =	ssub.s32 @!p0 $0x0, s1;
	[sflag:s0] =	ssyncset.done @!p0 $0x0  }
0x103: {  	[sflag:s0] =	ssyncadd.s32 @!p0 s1  }
0x104: {  	[bflag:$0x3] =	sbarrier.arrive $0xFFFF  }
0x105: {  	_ =	shalt  }

</sc_bundles>
